<compile_context>
chip_gen: v7x
topology: tpu7x:2x2x1
jax: 0.10.2.dev20260603
libtpu: 0.0.44.dev20260713+nightly
codegen_flags: <defaults>
</compile_context>

<pallas_src>
import functools

import jax
import jax.numpy as jnp
from jax import lax
from jax.experimental import pallas as pl
from jax.experimental.pallas import tpu as pltpu
from jax.experimental.pallas import tpu_sc as plsc

N_ROWS = 16384
N_CLASSES = 1000
C_PAD = 1024
BLOCK_R = 2048
GAMMA = 2.0
EPS = 1e-5

SC_CORES = 2
SC_SUBCORES = 16
LANES = 16
N_WORKERS = SC_CORES * SC_SUBCORES
ROWS_PER_WORKER = N_ROWS // N_WORKERS
ROWS_PER_SUBCORE = N_ROWS // SC_SUBCORES


def _sc_alpha_kernel(tg_hbm, init_hbm, out_hbm,
                     th_v, tg_v, ones_v, hist_v, araw_v, a_v, hist_sh, alpha_sh):
    c = lax.axis_index("c")
    s = lax.axis_index("s")
    wid = s * SC_CORES + c

    pltpu.sync_copy(tg_hbm.at[2 * s], th_v.at[pl.ds(0, 4)])
    pltpu.sync_copy(tg_hbm.at[2 * s + 1], th_v.at[pl.ds(4, 4)])
    pltpu.sync_copy(tg_hbm.at[wid], tg_v)
    for k in range(128 // LANES):
        ones_v[pl.ds(k * LANES, LANES)] = jnp.full((LANES,), 1.0, jnp.float32)

    @pl.when(s == 0)
    def _():
        pltpu.sync_copy(init_hbm, hist_sh)

    plsc.subcore_barrier()

    for j in range(ROWS_PER_SUBCORE // 128):
        pltpu.sync_copy(ones_v, hist_sh.at[th_v.at[j]], add=True)

    plsc.subcore_barrier()
    pltpu.sync_copy(hist_sh, hist_v)

    acc = jnp.zeros((LANES,), jnp.float32)
    for j in range(C_PAD // LANES):
        h = hist_v[pl.ds(j * LANES, LANES)]
        ar = 1.0 / (h * (1.0 / N_ROWS) + EPS)
        araw_v[pl.ds(j * LANES, LANES)] = ar
        acc = acc + ar
    s2 = acc[0]
    for k in range(1, LANES):
        s2 = s2 + acc[k]
    inv_s2 = 1.0 / (jnp.full((LANES,), 1.0, jnp.float32) * s2)

    for j in range(C_PAD // LANES):
        araw_v[pl.ds(j * LANES, LANES)] = araw_v[pl.ds(j * LANES, LANES)] * inv_s2

    @pl.when(s == 0)
    def _():
        pltpu.sync_copy(araw_v, alpha_sh)

    plsc.subcore_barrier()
    for j in range(ROWS_PER_WORKER // 128):
        pltpu.sync_copy(alpha_sh.at[tg_v.at[j]], a_v.at[pl.ds(j * 128, 128)])

    pltpu.sync_copy(a_v, out_hbm.at[pl.ds(wid * ROWS_PER_WORKER,
                                          ROWS_PER_WORKER)])


_sc_alpha = functools.partial(
    pl.kernel,
    out_type=jax.ShapeDtypeStruct((N_ROWS,), jnp.float32),
    mesh=plsc.VectorSubcoreMesh(core_axis_name="c", subcore_axis_name="s"),
    scratch_types=[
        pltpu.VMEM((ROWS_PER_SUBCORE // 128, 128), jnp.int32),
        pltpu.VMEM((ROWS_PER_WORKER // 128, 128), jnp.int32),
        pltpu.VMEM((128,), jnp.float32),
        pltpu.VMEM((C_PAD,), jnp.float32),
        pltpu.VMEM((C_PAD,), jnp.float32),
        pltpu.VMEM((ROWS_PER_WORKER,), jnp.float32),
        pltpu.VMEM_SHARED((C_PAD,), jnp.float32),
        pltpu.VMEM_SHARED((C_PAD,), jnp.float32),
    ],
)(_sc_alpha_kernel)


def _stream_kernel(x_ref, t_ref, nll_ref):
    x = x_ref[...]
    t = t_ref[...]
    m = jnp.max(x, axis=1, keepdims=True)
    e = jnp.exp(x - m)
    iota = lax.broadcasted_iota(jnp.int32, (BLOCK_R, N_CLASSES), 1)
    w = jnp.where(iota == t, x, 0.0)
    ones = jnp.ones((N_CLASSES, 1), jnp.float32)
    s = lax.dot_general(e, ones, (((1,), (0,)), ((), ())),
                        preferred_element_type=jnp.float32)
    xt = lax.dot_general(w, ones, (((1,), (0,)), ((), ())),
                         preferred_element_type=jnp.float32)
    nll_ref[...] = m + jnp.log(s) - xt


def _combine_kernel(nll_ref, a_ref, out_ref):
    nll = nll_ref[...]
    a = a_ref[...]
    ce = a * nll
    pt = jnp.exp(-ce)
    loss = (1.0 - pt) ** GAMMA * ce
    out_ref[...] = jnp.sum(loss).reshape(1, 1) / N_ROWS


def kernel(inputs, targets):
    t32 = targets.astype(jnp.int32)
    tg = t32.reshape(N_WORKERS, ROWS_PER_WORKER // 128, 128)
    init_hist = jnp.concatenate(
        [jnp.zeros((N_CLASSES,), jnp.float32),
         jnp.full((C_PAD - N_CLASSES,), 1e30, jnp.float32)])

    a = _sc_alpha(tg, init_hist)

    nb = N_ROWS // BLOCK_R
    nll = pl.pallas_call(
        _stream_kernel,
        grid=(nb,),
        in_specs=[
            pl.BlockSpec((BLOCK_R, N_CLASSES), lambda i: (i, 0)),
            pl.BlockSpec((BLOCK_R, 1), lambda i: (i, 0)),
        ],
        out_specs=pl.BlockSpec((BLOCK_R, 1), lambda i: (i, 0)),
        out_shape=jax.ShapeDtypeStruct((N_ROWS, 1), jnp.float32),
        compiler_params=pltpu.CompilerParams(
            dimension_semantics=("parallel",)),
    )(inputs, t32.reshape(N_ROWS, 1))

    out = pl.pallas_call(
        _combine_kernel,
        in_specs=[
            pl.BlockSpec((128, 128), lambda: (0, 0)),
            pl.BlockSpec((128, 128), lambda: (0, 0)),
        ],
        out_specs=pl.BlockSpec((1, 1), lambda: (0, 0)),
        out_shape=jax.ShapeDtypeStruct((1, 1), jnp.float32),
    )(nll.reshape(128, 128), a.reshape(128, 128))

    return out[0, 0]

# --- scband reference (transcript-rebuilt; emitter-appended) ---
"""Pipeline reference for scband-balanced-focal-loss-39608188403941 (READ-ONLY COPY).

The authoritative reference and input builder live on the scoring server;
editing this copy changes nothing except your own understanding.
"""

import jax, jax.numpy as jnp
import numpy as np


def setup_inputs(seed: int = 0) -> dict:
    key = jax.random.key(seed)
    k1, k2 = jax.random.split(key)
    inputs = jax.random.normal(k1, (16384, 1000), dtype=jnp.float32)
    targets = jax.random.randint(k2, (16384,), 0, 1000, dtype=jnp.int64)
    return {"inputs": inputs, "targets": targets}


def reference(inputs, targets):
    gamma = 2.0
    n_classes = inputs.shape[1]
    # dynamic alpha from target histogram (torch.histc with integer labels == bincount)
    hist = jnp.bincount(targets, length=n_classes).astype(jnp.float32)
    freq = hist / hist.sum()
    alpha = 1.0 / (freq + 1e-05)
    alpha = alpha / alpha.sum()
    # F.cross_entropy(reduction='none', weight=alpha): per-sample weighted NLL (no weight renorm)
    logp = jax.nn.log_softmax(inputs, axis=1)
    nll = -jnp.take_along_axis(logp, targets[:, None], axis=1)[:, 0]
    ce_loss = alpha[targets] * nll
    pt = jnp.exp(-ce_loss)
    loss = (1.0 - pt) ** gamma * ce_loss
    return loss.mean()

if __name__ == "__main__":
    import jax
    _d = setup_inputs()
    print(jax.jit(kernel)(*tuple(_d.values())))

</pallas_src>

<mosaic_0001>
#map = affine_map<(d0, d1) -> (0, 0, 0)>
#map1 = affine_map<(d0, d1) -> (0)>
module attributes {stable_mosaic.version = 14 : i64} {
  func.func @_sc_alpha_kernel(%arg0: i32, %arg1: i32, %arg2: memref<32x4x128xi32, #tpu.memory_space<hbm>>, %arg3: memref<1024xf32, #tpu.memory_space<hbm>>, %arg4: memref<16384xf32, #tpu.memory_space<hbm>>, %arg5: memref<8x128xi32, #tpu.memory_space<vmem>>, %arg6: memref<4x128xi32, #tpu.memory_space<vmem>>, %arg7: memref<128xf32, #tpu.memory_space<vmem>>, %arg8: memref<1024xf32, #tpu.memory_space<vmem>>, %arg9: memref<1024xf32, #tpu.memory_space<vmem>>, %arg10: memref<512xf32, #tpu.memory_space<vmem>>, %arg11: memref<1024xf32, #tpu.memory_space<vmem_shared>>, %arg12: memref<1024xf32, #tpu.memory_space<vmem_shared>>) attributes {dimension_semantics = [#tpu.dimension_semantics<core_parallel>, #tpu.dimension_semantics<subcore_parallel>], iteration_bounds = array<i64: 2, 16>, scalar_prefetch = 0 : i64, scratch_operands = 8 : i64, tpu.core_type = #tpu.core_type<sc_vector_subcore>, window_params = [{transform_indices = #map}, {transform_indices = #map1}, {transform_indices = #map1}]} {
    %mul3A = arith.constant 2 : i32
    %mul3A_0 = arith.muli %arg1, %mul3A : i32
    %add3A = arith.addi %mul3A_0, %arg0 : i32
    %mul3A_1 = arith.constant 2 : i32
    %mul3A_2 = arith.muli %mul3A_1, %arg1 : i32
    "tpu.region"() ({
      %run_scoped3A_1727 = tpu.sem_alloc : memref<!tpu.dma_semaphore, #tpu.memory_space<semaphore_mem>>
      %dma_start3A = arith.constant 0 : i32
      %dma_start3A_1728 = arith.constant 0 : i32
      %dma_start3A_1729 = tpu.memref_slice %arg5[%dma_start3A, %dma_start3A_1728] : memref<8x128xi32, #tpu.memory_space<vmem>> -> memref<4x128xi32, #tpu.memory_space<vmem>>
      %dma_start3A_1730 = arith.constant 0 : i32
      %dma_start3A_1731 = arith.constant 0 : i32
      %dma_start3A_1732 = tpu.memref_slice %arg2[%mul3A_2, %dma_start3A_1730, %dma_start3A_1731] : memref<32x4x128xi32, #tpu.memory_space<hbm>> -> memref<1x4x128xi32, #tpu.memory_space<hbm>>
      %dma_start3A_1733 = tpu.memref_squeeze %dma_start3A_1732 : memref<1x4x128xi32, #tpu.memory_space<hbm>> -> memref<4x128xi32, #tpu.memory_space<hbm>>
      %dma_start3A_1734 = arith.constant 0 : i32
      %dma_start3A_1735 = arith.constant 0 : i32
      %dma_start3A_1736 = tpu.memref_slice %arg5[%dma_start3A_1734, %dma_start3A_1735] : memref<8x128xi32, #tpu.memory_space<vmem>> -> memref<4x128xi32, #tpu.memory_space<vmem>>
      %dma_start3A_1737 = arith.constant 0 : i32
      %dma_start3A_1738 = arith.constant 0 : i32
      %dma_start3A_1739 = tpu.memref_slice %arg2[%mul3A_2, %dma_start3A_1737, %dma_start3A_1738] : memref<32x4x128xi32, #tpu.memory_space<hbm>> -> memref<1x4x128xi32, #tpu.memory_space<hbm>>
      %dma_start3A_1740 = tpu.memref_squeeze %dma_start3A_1739 : memref<1x4x128xi32, #tpu.memory_space<hbm>> -> memref<4x128xi32, #tpu.memory_space<hbm>>
      tpu.enqueue_dma source(%dma_start3A_1740 : memref<4x128xi32, #tpu.memory_space<hbm>>) target(%dma_start3A_1736 : memref<4x128xi32, #tpu.memory_space<vmem>>) target_semaphore(%run_scoped3A_1727 : memref<!tpu.dma_semaphore, #tpu.memory_space<semaphore_mem>>)
      %dma_wait3A = arith.constant 0 : i32
      %dma_wait3A_1741 = arith.constant 0 : i32
      %dma_wait3A_1742 = tpu.memref_slice %arg5[%dma_wait3A, %dma_wait3A_1741] : memref<8x128xi32, #tpu.memory_space<vmem>> -> memref<4x128xi32, #tpu.memory_space<vmem>>
      %dma_wait3A_1743 = arith.constant 0 : i32
      %dma_wait3A_1744 = arith.constant 0 : i32
      %dma_wait3A_1745 = tpu.memref_slice %arg2[%mul3A_2, %dma_wait3A_1743, %dma_wait3A_1744] : memref<32x4x128xi32, #tpu.memory_space<hbm>> -> memref<1x4x128xi32, #tpu.memory_space<hbm>>
      %dma_wait3A_1746 = tpu.memref_squeeze %dma_wait3A_1745 : memref<1x4x128xi32, #tpu.memory_space<hbm>> -> memref<4x128xi32, #tpu.memory_space<hbm>>
      %dma_wait3A_1747 = arith.constant 0 : i32
      %dma_wait3A_1748 = arith.constant 0 : i32
      %dma_wait3A_1749 = tpu.memref_slice %arg5[%dma_wait3A_1747, %dma_wait3A_1748] : memref<8x128xi32, #tpu.memory_space<vmem>> -> memref<4x128xi32, #tpu.memory_space<vmem>>
      %dma_wait3A_1750 = arith.constant 0 : i32
      %dma_wait3A_1751 = arith.constant 0 : i32
      %dma_wait3A_1752 = tpu.memref_slice %arg2[%mul3A_2, %dma_wait3A_1750, %dma_wait3A_1751] : memref<32x4x128xi32, #tpu.memory_space<hbm>> -> memref<1x4x128xi32, #tpu.memory_space<hbm>>
      %dma_wait3A_1753 = tpu.memref_squeeze %dma_wait3A_1752 : memref<1x4x128xi32, #tpu.memory_space<hbm>> -> memref<4x128xi32, #tpu.memory_space<hbm>>
      tpu.wait_dma2 semaphore(%run_scoped3A_1727 : memref<!tpu.dma_semaphore, #tpu.memory_space<semaphore_mem>>) src(%dma_wait3A_1753 : memref<4x128xi32, #tpu.memory_space<hbm>>) dst(%dma_wait3A_1749 : memref<4x128xi32, #tpu.memory_space<vmem>>)
      tpu.yield
    }) : () -> ()
    %mul3A_3 = arith.constant 2 : i32
    %mul3A_4 = arith.muli %mul3A_3, %arg1 : i32
    %add3A_5 = arith.constant 1 : i32
    %add3A_6 = arith.addi %mul3A_4, %add3A_5 : i32
    "tpu.region"() ({
      %run_scoped3A_1727 = tpu.sem_alloc : memref<!tpu.dma_semaphore, #tpu.memory_space<semaphore_mem>>
      %dma_start3A = arith.constant 4 : i32
      %dma_start3A_1728 = arith.constant 0 : i32
      %dma_start3A_1729 = tpu.memref_slice %arg5[%dma_start3A, %dma_start3A_1728] : memref<8x128xi32, #tpu.memory_space<vmem>> -> memref<4x128xi32, #tpu.memory_space<vmem>>
      %dma_start3A_1730 = arith.constant 0 : i32
      %dma_start3A_1731 = arith.constant 0 : i32
      %dma_start3A_1732 = tpu.memref_slice %arg2[%add3A_6, %dma_start3A_1730, %dma_start3A_1731] : memref<32x4x128xi32, #tpu.memory_space<hbm>> -> memref<1x4x128xi32, #tpu.memory_space<hbm>>
      %dma_start3A_1733 = tpu.memref_squeeze %dma_start3A_1732 : memref<1x4x128xi32, #tpu.memory_space<hbm>> -> memref<4x128xi32, #tpu.memory_space<hbm>>
      %dma_start3A_1734 = arith.constant 4 : i32
      %dma_start3A_1735 = arith.constant 0 : i32
      %dma_start3A_1736 = tpu.memref_slice %arg5[%dma_start3A_1734, %dma_start3A_1735] : memref<8x128xi32, #tpu.memory_space<vmem>> -> memref<4x128xi32, #tpu.memory_space<vmem>>
      %dma_start3A_1737 = arith.constant 0 : i32
      %dma_start3A_1738 = arith.constant 0 : i32
      %dma_start3A_1739 = tpu.memref_slice %arg2[%add3A_6, %dma_start3A_1737, %dma_start3A_1738] : memref<32x4x128xi32, #tpu.memory_space<hbm>> -> memref<1x4x128xi32, #tpu.memory_space<hbm>>
      %dma_start3A_1740 = tpu.memref_squeeze %dma_start3A_1739 : memref<1x4x128xi32, #tpu.memory_space<hbm>> -> memref<4x128xi32, #tpu.memory_space<hbm>>
      tpu.enqueue_dma source(%dma_start3A_1740 : memref<4x128xi32, #tpu.memory_space<hbm>>) target(%dma_start3A_1736 : memref<4x128xi32, #tpu.memory_space<vmem>>) target_semaphore(%run_scoped3A_1727 : memref<!tpu.dma_semaphore, #tpu.memory_space<semaphore_mem>>)
      %dma_wait3A = arith.constant 4 : i32
      %dma_wait3A_1741 = arith.constant 0 : i32
      %dma_wait3A_1742 = tpu.memref_slice %arg5[%dma_wait3A, %dma_wait3A_1741] : memref<8x128xi32, #tpu.memory_space<vmem>> -> memref<4x128xi32, #tpu.memory_space<vmem>>
      %dma_wait3A_1743 = arith.constant 0 : i32
      %dma_wait3A_1744 = arith.constant 0 : i32
      %dma_wait3A_1745 = tpu.memref_slice %arg2[%add3A_6, %dma_wait3A_1743, %dma_wait3A_1744] : memref<32x4x128xi32, #tpu.memory_space<hbm>> -> memref<1x4x128xi32, #tpu.memory_space<hbm>>
      %dma_wait3A_1746 = tpu.memref_squeeze %dma_wait3A_1745 : memref<1x4x128xi32, #tpu.memory_space<hbm>> -> memref<4x128xi32, #tpu.memory_space<hbm>>
      %dma_wait3A_1747 = arith.constant 4 : i32
      %dma_wait3A_1748 = arith.constant 0 : i32
      %dma_wait3A_1749 = tpu.memref_slice %arg5[%dma_wait3A_1747, %dma_wait3A_1748] : memref<8x128xi32, #tpu.memory_space<vmem>> -> memref<4x128xi32, #tpu.memory_space<vmem>>
      %dma_wait3A_1750 = arith.constant 0 : i32
      %dma_wait3A_1751 = arith.constant 0 : i32
      %dma_wait3A_1752 = tpu.memref_slice %arg2[%add3A_6, %dma_wait3A_1750, %dma_wait3A_1751] : memref<32x4x128xi32, #tpu.memory_space<hbm>> -> memref<1x4x128xi32, #tpu.memory_space<hbm>>
      %dma_wait3A_1753 = tpu.memref_squeeze %dma_wait3A_1752 : memref<1x4x128xi32, #tpu.memory_space<hbm>> -> memref<4x128xi32, #tpu.memory_space<hbm>>
      tpu.wait_dma2 semaphore(%run_scoped3A_1727 : memref<!tpu.dma_semaphore, #tpu.memory_space<semaphore_mem>>) src(%dma_wait3A_1753 : memref<4x128xi32, #tpu.memory_space<hbm>>) dst(%dma_wait3A_1749 : memref<4x128xi32, #tpu.memory_space<vmem>>)
      tpu.yield
    }) : () -> ()
    "tpu.region"() ({
      %run_scoped3A_1727 = tpu.sem_alloc : memref<!tpu.dma_semaphore, #tpu.memory_space<semaphore_mem>>
      %dma_start3A = arith.constant 0 : i32
      %dma_start3A_1728 = arith.constant 0 : i32
      %dma_start3A_1729 = tpu.memref_slice %arg2[%add3A, %dma_start3A, %dma_start3A_1728] : memref<32x4x128xi32, #tpu.memory_space<hbm>> -> memref<1x4x128xi32, #tpu.memory_space<hbm>>
      %dma_start3A_1730 = tpu.memref_squeeze %dma_start3A_1729 : memref<1x4x128xi32, #tpu.memory_space<hbm>> -> memref<4x128xi32, #tpu.memory_space<hbm>>
      %dma_start3A_1731 = arith.constant 0 : i32
      %dma_start3A_1732 = arith.constant 0 : i32
      %dma_start3A_1733 = tpu.memref_slice %arg2[%add3A, %dma_start3A_1731, %dma_start3A_1732] : memref<32x4x128xi32, #tpu.memory_space<hbm>> -> memref<1x4x128xi32, #tpu.memory_space<hbm>>
      %dma_start3A_1734 = tpu.memref_squeeze %dma_start3A_1733 : memref<1x4x128xi32, #tpu.memory_space<hbm>> -> memref<4x128xi32, #tpu.memory_space<hbm>>
      tpu.enqueue_dma source(%dma_start3A_1734 : memref<4x128xi32, #tpu.memory_space<hbm>>) target(%arg6 : memref<4x128xi32, #tpu.memory_space<vmem>>) target_semaphore(%run_scoped3A_1727 : memref<!tpu.dma_semaphore, #tpu.memory_space<semaphore_mem>>)
      %dma_wait3A = arith.constant 0 : i32
      %dma_wait3A_1735 = arith.constant 0 : i32
      %dma_wait3A_1736 = tpu.memref_slice %arg2[%add3A, %dma_wait3A, %dma_wait3A_1735] : memref<32x4x128xi32, #tpu.memory_space<hbm>> -> memref<1x4x128xi32, #tpu.memory_space<hbm>>
      %dma_wait3A_1737 = tpu.memref_squeeze %dma_wait3A_1736 : memref<1x4x128xi32, #tpu.memory_space<hbm>> -> memref<4x128xi32, #tpu.memory_space<hbm>>
      %dma_wait3A_1738 = arith.constant 0 : i32
      %dma_wait3A_1739 = arith.constant 0 : i32
      %dma_wait3A_1740 = tpu.memref_slice %arg2[%add3A, %dma_wait3A_1738, %dma_wait3A_1739] : memref<32x4x128xi32, #tpu.memory_space<hbm>> -> memref<1x4x128xi32, #tpu.memory_space<hbm>>
      %dma_wait3A_1741 = tpu.memref_squeeze %dma_wait3A_1740 : memref<1x4x128xi32, #tpu.memory_space<hbm>> -> memref<4x128xi32, #tpu.memory_space<hbm>>
      tpu.wait_dma2 semaphore(%run_scoped3A_1727 : memref<!tpu.dma_semaphore, #tpu.memory_space<semaphore_mem>>) src(%dma_wait3A_1741 : memref<4x128xi32, #tpu.memory_space<hbm>>) dst(%arg6 : memref<4x128xi32, #tpu.memory_space<vmem>>)
      tpu.yield
    }) : () -> ()
    %broadcast_in_dim3A = arith.constant 1.000000e+00 : f32
    %broadcast_in_dim3A_7 = vector.broadcast %broadcast_in_dim3A : f32 to vector<16xf32>
    %swap3A = arith.constant 0 : index
    %swap3A_8 = tpu.vector_load %arg7[%swap3A] {strides = array<i32>} : memref<128xf32, #tpu.memory_space<vmem>>, vector<16xf32>,
    %swap3A_9 = vector.shape_cast %swap3A_8 : vector<16xf32> to vector<16xf32>
    %swap3A_10 = vector.shape_cast %broadcast_in_dim3A_7 : vector<16xf32> to vector<16xf32>
    tpu.vector_store %arg7[%swap3A], %swap3A_10 {strides = array<i32>} : memref<128xf32, #tpu.memory_space<vmem>>, vector<16xf32>,
    %broadcast_in_dim3A_11 = arith.constant 1.000000e+00 : f32
    %broadcast_in_dim3A_12 = vector.broadcast %broadcast_in_dim3A_11 : f32 to vector<16xf32>
    %swap3A_13 = arith.constant 16 : index
    %swap3A_14 = tpu.vector_load %arg7[%swap3A_13] {strides = array<i32>} : memref<128xf32, #tpu.memory_space<vmem>>, vector<16xf32>,
    %swap3A_15 = vector.shape_cast %swap3A_14 : vector<16xf32> to vector<16xf32>
    %swap3A_16 = vector.shape_cast %broadcast_in_dim3A_12 : vector<16xf32> to vector<16xf32>
    tpu.vector_store %arg7[%swap3A_13], %swap3A_16 {strides = array<i32>} : memref<128xf32, #tpu.memory_space<vmem>>, vector<16xf32>,
    %broadcast_in_dim3A_17 = arith.constant 1.000000e+00 : f32
    %broadcast_in_dim3A_18 = vector.broadcast %broadcast_in_dim3A_17 : f32 to vector<16xf32>
    %swap3A_19 = arith.constant 32 : index
    %swap3A_20 = tpu.vector_load %arg7[%swap3A_19] {strides = array<i32>} : memref<128xf32, #tpu.memory_space<vmem>>, vector<16xf32>,
    %swap3A_21 = vector.shape_cast %swap3A_20 : vector<16xf32> to vector<16xf32>
    %swap3A_22 = vector.shape_cast %broadcast_in_dim3A_18 : vector<16xf32> to vector<16xf32>
    tpu.vector_store %arg7[%swap3A_19], %swap3A_22 {strides = array<i32>} : memref<128xf32, #tpu.memory_space<vmem>>, vector<16xf32>,
    %broadcast_in_dim3A_23 = arith.constant 1.000000e+00 : f32
    %broadcast_in_dim3A_24 = vector.broadcast %broadcast_in_dim3A_23 : f32 to vector<16xf32>
    %swap3A_25 = arith.constant 48 : index
    %swap3A_26 = tpu.vector_load %arg7[%swap3A_25] {strides = array<i32>} : memref<128xf32, #tpu.memory_space<vmem>>, vector<16xf32>,
    %swap3A_27 = vector.shape_cast %swap3A_26 : vector<16xf32> to vector<16xf32>
    %swap3A_28 = vector.shape_cast %broadcast_in_dim3A_24 : vector<16xf32> to vector<16xf32>
    tpu.vector_store %arg7[%swap3A_25], %swap3A_28 {strides = array<i32>} : memref<128xf32, #tpu.memory_space<vmem>>, vector<16xf32>,
    %broadcast_in_dim3A_29 = arith.constant 1.000000e+00 : f32
    %broadcast_in_dim3A_30 = vector.broadcast %broadcast_in_dim3A_29 : f32 to vector<16xf32>
    %swap3A_31 = arith.constant 64 : index
    %swap3A_32 = tpu.vector_load %arg7[%swap3A_31] {strides = array<i32>} : memref<128xf32, #tpu.memory_space<vmem>>, vector<16xf32>,
    %swap3A_33 = vector.shape_cast %swap3A_32 : vector<16xf32> to vector<16xf32>
    %swap3A_34 = vector.shape_cast %broadcast_in_dim3A_30 : vector<16xf32> to vector<16xf32>
    tpu.vector_store %arg7[%swap3A_31], %swap3A_34 {strides = array<i32>} : memref<128xf32, #tpu.memory_space<vmem>>, vector<16xf32>,
    %broadcast_in_dim3A_35 = arith.constant 1.000000e+00 : f32
    %broadcast_in_dim3A_36 = vector.broadcast %broadcast_in_dim3A_35 : f32 to vector<16xf32>
    %swap3A_37 = arith.constant 80 : index
    %swap3A_38 = tpu.vector_load %arg7[%swap3A_37] {strides = array<i32>} : memref<128xf32, #tpu.memory_space<vmem>>, vector<16xf32>,
    %swap3A_39 = vector.shape_cast %swap3A_38 : vector<16xf32> to vector<16xf32>
    %swap3A_40 = vector.shape_cast %broadcast_in_dim3A_36 : vector<16xf32> to vector<16xf32>
    tpu.vector_store %arg7[%swap3A_37], %swap3A_40 {strides = array<i32>} : memref<128xf32, #tpu.memory_space<vmem>>, vector<16xf32>,
    %broadcast_in_dim3A_41 = arith.constant 1.000000e+00 : f32
    %broadcast_in_dim3A_42 = vector.broadcast %broadcast_in_dim3A_41 : f32 to vector<16xf32>
    %swap3A_43 = arith.constant 96 : index
    %swap3A_44 = tpu.vector_load %arg7[%swap3A_43] {strides = array<i32>} : memref<128xf32, #tpu.memory_space<vmem>>, vector<16xf32>,
    %swap3A_45 = vector.shape_cast %swap3A_44 : vector<16xf32> to vector<16xf32>
    %swap3A_46 = vector.shape_cast %broadcast_in_dim3A_42 : vector<16xf32> to vector<16xf32>
    tpu.vector_store %arg7[%swap3A_43], %swap3A_46 {strides = array<i32>} : memref<128xf32, #tpu.memory_space<vmem>>, vector<16xf32>,
    %broadcast_in_dim3A_47 = arith.constant 1.000000e+00 : f32
    %broadcast_in_dim3A_48 = vector.broadcast %broadcast_in_dim3A_47 : f32 to vector<16xf32>
    %swap3A_49 = arith.constant 112 : index
    %swap3A_50 = tpu.vector_load %arg7[%swap3A_49] {strides = array<i32>} : memref<128xf32, #tpu.memory_space<vmem>>, vector<16xf32>,
    %swap3A_51 = vector.shape_cast %swap3A_50 : vector<16xf32> to vector<16xf32>
    %swap3A_52 = vector.shape_cast %broadcast_in_dim3A_48 : vector<16xf32> to vector<16xf32>
    tpu.vector_store %arg7[%swap3A_49], %swap3A_52 {strides = array<i32>} : memref<128xf32, #tpu.memory_space<vmem>>, vector<16xf32>,
    %eq3A = arith.constant 0 : i32
    %eq3A_53 = arith.cmpi eq, %arg1, %eq3A : i32
    %convert_element_type3A = arith.extui %eq3A_53 : i1 to i32
    %cond3A = arith.constant 0 : i32
    %cond3A_54 = arith.cmpi ne, %convert_element_type3A, %cond3A : i32
    scf.if %cond3A_54 {
      "tpu.region"() ({
        %run_scoped3A_1727 = tpu.sem_alloc : memref<!tpu.dma_semaphore, #tpu.memory_space<semaphore_mem>>
        tpu.enqueue_dma source(%arg3 : memref<1024xf32, #tpu.memory_space<hbm>>) target(%arg11 : memref<1024xf32, #tpu.memory_space<vmem_shared>>) target_semaphore(%run_scoped3A_1727 : memref<!tpu.dma_semaphore, #tpu.memory_space<semaphore_mem>>)
        tpu.wait_dma2 semaphore(%run_scoped3A_1727 : memref<!tpu.dma_semaphore, #tpu.memory_space<semaphore_mem>>) src(%arg3 : memref<1024xf32, #tpu.memory_space<hbm>>) dst(%arg11 : memref<1024xf32, #tpu.memory_space<vmem_shared>>)
        tpu.yield
      }) : () -> ()
    } else {
    }
    %barrier3A = arith.constant 0 : index
    tpu.barrier barrier_id(%barrier3A)
    %run_scoped3A = arith.constant 0 : i32
    "tpu.region"() ({
      %run_scoped3A_1727 = tpu.sem_alloc : memref<!tpu.dma_semaphore, #tpu.memory_space<semaphore_mem>>
      %dma_start3A = arith.constant 0 : i32
      %dma_start3A_1728 = tpu.memref_slice %arg5[%run_scoped3A, %dma_start3A] : memref<8x128xi32, #tpu.memory_space<vmem>> -> memref<1x128xi32, #tpu.memory_space<vmem>>
      %dma_start3A_1729 = tpu.memref_squeeze %dma_start3A_1728 : memref<1x128xi32, #tpu.memory_space<vmem>> -> memref<128xi32, #tpu.memory_space<vmem>>
      %dma_start3A_1730 = arith.constant 0 : i32
      %dma_start3A_1731 = tpu.memref_slice %arg11[%dma_start3A_1730] : memref<1024xf32, #tpu.memory_space<vmem_shared>> -> memref<1024xf32, #tpu.memory_space<vmem_shared>>
      tpu.enqueue_indirect_dma source(%arg7 : memref<128xf32, #tpu.memory_space<vmem>>) target(%dma_start3A_1731 : memref<1024xf32, #tpu.memory_space<vmem_shared>>) offsets(%dma_start3A_1729 : memref<128xi32, #tpu.memory_space<vmem>>) semaphore(%run_scoped3A_1727 : memref<!tpu.dma_semaphore, #tpu.memory_space<semaphore_mem>>) {add = true}
      %dma_wait3A = arith.constant 0 : i32
      %dma_wait3A_1732 = tpu.memref_slice %arg5[%run_scoped3A, %dma_wait3A] : memref<8x128xi32, #tpu.memory_space<vmem>> -> memref<1x128xi32, #tpu.memory_space<vmem>>
      %dma_wait3A_1733 = tpu.memref_squeeze %dma_wait3A_1732 : memref<1x128xi32, #tpu.memory_space<vmem>> -> memref<128xi32, #tpu.memory_space<vmem>>
      %dma_wait3A_1734 = arith.constant 0 : i32
      %dma_wait3A_1735 = tpu.memref_slice %arg11[%dma_wait3A_1734] : memref<1024xf32, #tpu.memory_space<vmem_shared>> -> memref<1024xf32, #tpu.memory_space<vmem_shared>>
      tpu.wait_indirect_dma semaphore(%run_scoped3A_1727 : memref<!tpu.dma_semaphore, #tpu.memory_space<semaphore_mem>>) src(%arg7 : memref<128xf32, #tpu.memory_space<vmem>>) dst(%dma_wait3A_1735 : memref<1024xf32, #tpu.memory_space<vmem_shared>>)
      tpu.yield
    }) : () -> ()
    %run_scoped3A_55 = arith.constant 1 : i32
    "tpu.region"() ({
      %run_scoped3A_1727 = tpu.sem_alloc : memref<!tpu.dma_semaphore, #tpu.memory_space<semaphore_mem>>
      %dma_start3A = arith.constant 0 : i32
      %dma_start3A_1728 = tpu.memref_slice %arg5[%run_scoped3A_55, %dma_start3A] : memref<8x128xi32, #tpu.memory_space<vmem>> -> memref<1x128xi32, #tpu.memory_space<vmem>>
      %dma_start3A_1729 = tpu.memref_squeeze %dma_start3A_1728 : memref<1x128xi32, #tpu.memory_space<vmem>> -> memref<128xi32, #tpu.memory_space<vmem>>
      %dma_start3A_1730 = arith.constant 0 : i32
      %dma_start3A_1731 = tpu.memref_slice %arg11[%dma_start3A_1730] : memref<1024xf32, #tpu.memory_space<vmem_shared>> -> memref<1024xf32, #tpu.memory_space<vmem_shared>>
      tpu.enqueue_indirect_dma source(%arg7 : memref<128xf32, #tpu.memory_space<vmem>>) target(%dma_start3A_1731 : memref<1024xf32, #tpu.memory_space<vmem_shared>>) offsets(%dma_start3A_1729 : memref<128xi32, #tpu.memory_space<vmem>>) semaphore(%run_scoped3A_1727 : memref<!tpu.dma_semaphore, #tpu.memory_space<semaphore_mem>>) {add = true}
      %dma_wait3A = arith.constant 0 : i32
      %dma_wait3A_1732 = tpu.memref_slice %arg5[%run_scoped3A_55, %dma_wait3A] : memref<8x128xi32, #tpu.memory_space<vmem>> -> memref<1x128xi32, #tpu.memory_space<vmem>>
      %dma_wait3A_1733 = tpu.memref_squeeze %dma_wait3A_1732 : memref<1x128xi32, #tpu.memory_space<vmem>> -> memref<128xi32, #tpu.memory_space<vmem>>
      %dma_wait3A_1734 = arith.constant 0 : i32
      %dma_wait3A_1735 = tpu.memref_slice %arg11[%dma_wait3A_1734] : memref<1024xf32, #tpu.memory_space<vmem_shared>> -> memref<1024xf32, #tpu.memory_space<vmem_shared>>
      tpu.wait_indirect_dma semaphore(%run_scoped3A_1727 : memref<!tpu.dma_semaphore, #tpu.memory_space<semaphore_mem>>) src(%arg7 : memref<128xf32, #tpu.memory_space<vmem>>) dst(%dma_wait3A_1735 : memref<1024xf32, #tpu.memory_space<vmem_shared>>)
      tpu.yield
    }) : () -> ()
    %run_scoped3A_56 = arith.constant 2 : i32
    "tpu.region"() ({
      %run_scoped3A_1727 = tpu.sem_alloc : memref<!tpu.dma_semaphore, #tpu.memory_space<semaphore_mem>>
      %dma_start3A = arith.constant 0 : i32
      %dma_start3A_1728 = tpu.memref_slice %arg5[%run_scoped3A_56, %dma_start3A] : memref<8x128xi32, #tpu.memory_space<vmem>> -> memref<1x128xi32, #tpu.memory_space<vmem>>
      %dma_start3A_1729 = tpu.memref_squeeze %dma_start3A_1728 : memref<1x128xi32, #tpu.memory_space<vmem>> -> memref<128xi32, #tpu.memory_space<vmem>>
      %dma_start3A_1730 = arith.constant 0 : i32
      %dma_start3A_1731 = tpu.memref_slice %arg11[%dma_start3A_1730] : memref<1024xf32, #tpu.memory_space<vmem_shared>> -> memref<1024xf32, #tpu.memory_space<vmem_shared>>
      tpu.enqueue_indirect_dma source(%arg7 : memref<128xf32, #tpu.memory_space<vmem>>) target(%dma_start3A_1731 : memref<1024xf32, #tpu.memory_space<vmem_shared>>) offsets(%dma_start3A_1729 : memref<128xi32, #tpu.memory_space<vmem>>) semaphore(%run_scoped3A_1727 : memref<!tpu.dma_semaphore, #tpu.memory_space<semaphore_mem>>) {add = true}
      %dma_wait3A = arith.constant 0 : i32
      %dma_wait3A_1732 = tpu.memref_slice %arg5[%run_scoped3A_56, %dma_wait3A] : memref<8x128xi32, #tpu.memory_space<vmem>> -> memref<1x128xi32, #tpu.memory_space<vmem>>
      %dma_wait3A_1733 = tpu.memref_squeeze %dma_wait3A_1732 : memref<1x128xi32, #tpu.memory_space<vmem>> -> memref<128xi32, #tpu.memory_space<vmem>>
      %dma_wait3A_1734 = arith.constant 0 : i32
      %dma_wait3A_1735 = tpu.memref_slice %arg11[%dma_wait3A_1734] : memref<1024xf32, #tpu.memory_space<vmem_shared>> -> memref<1024xf32, #tpu.memory_space<vmem_shared>>
      tpu.wait_indirect_dma semaphore(%run_scoped3A_1727 : memref<!tpu.dma_semaphore, #tpu.memory_space<semaphore_mem>>) src(%arg7 : memref<128xf32, #tpu.memory_space<vmem>>) dst(%dma_wait3A_1735 : memref<1024xf32, #tpu.memory_space<vmem_shared>>)
      tpu.yield
    }) : () -> ()
    %run_scoped3A_57 = arith.constant 3 : i32
    "tpu.region"() ({
      %run_scoped3A_1727 = tpu.sem_alloc : memref<!tpu.dma_semaphore, #tpu.memory_space<semaphore_mem>>
      %dma_start3A = arith.constant 0 : i32
      %dma_start3A_1728 = tpu.memref_slice %arg5[%run_scoped3A_57, %dma_start3A] : memref<8x128xi32, #tpu.memory_space<vmem>> -> memref<1x128xi32, #tpu.memory_space<vmem>>
      %dma_start3A_1729 = tpu.memref_squeeze %dma_start3A_1728 : memref<1x128xi32, #tpu.memory_space<vmem>> -> memref<128xi32, #tpu.memory_space<vmem>>
      %dma_start3A_1730 = arith.constant 0 : i32
      %dma_start3A_1731 = tpu.memref_slice %arg11[%dma_start3A_1730] : memref<1024xf32, #tpu.memory_space<vmem_shared>> -> memref<1024xf32, #tpu.memory_space<vmem_shared>>
      tpu.enqueue_indirect_dma source(%arg7 : memref<128xf32, #tpu.memory_space<vmem>>) target(%dma_start3A_1731 : memref<1024xf32, #tpu.memory_space<vmem_shared>>) offsets(%dma_start3A_1729 : memref<128xi32, #tpu.memory_space<vmem>>) semaphore(%run_scoped3A_1727 : memref<!tpu.dma_semaphore, #tpu.memory_space<semaphore_mem>>) {add = true}
      %dma_wait3A = arith.constant 0 : i32
      %dma_wait3A_1732 = tpu.memref_slice %arg5[%run_scoped3A_57, %dma_wait3A] : memref<8x128xi32, #tpu.memory_space<vmem>> -> memref<1x128xi32, #tpu.memory_space<vmem>>
      %dma_wait3A_1733 = tpu.memref_squeeze %dma_wait3A_1732 : memref<1x128xi32, #tpu.memory_space<vmem>> -> memref<128xi32, #tpu.memory_space<vmem>>
      %dma_wait3A_1734 = arith.constant 0 : i32
      %dma_wait3A_1735 = tpu.memref_slice %arg11[%dma_wait3A_1734] : memref<1024xf32, #tpu.memory_space<vmem_shared>> -> memref<1024xf32, #tpu.memory_space<vmem_shared>>
      tpu.wait_indirect_dma semaphore(%run_scoped3A_1727 : memref<!tpu.dma_semaphore, #tpu.memory_space<semaphore_mem>>) src(%arg7 : memref<128xf32, #tpu.memory_space<vmem>>) dst(%dma_wait3A_1735 : memref<1024xf32, #tpu.memory_space<vmem_shared>>)
      tpu.yield
    }) : () -> ()
    %run_scoped3A_58 = arith.constant 4 : i32
    "tpu.region"() ({
      %run_scoped3A_1727 = tpu.sem_alloc : memref<!tpu.dma_semaphore, #tpu.memory_space<semaphore_mem>>
      %dma_start3A = arith.constant 0 : i32
      %dma_start3A_1728 = tpu.memref_slice %arg5[%run_scoped3A_58, %dma_start3A] : memref<8x128xi32, #tpu.memory_space<vmem>> -> memref<1x128xi32, #tpu.memory_space<vmem>>
      %dma_start3A_1729 = tpu.memref_squeeze %dma_start3A_1728 : memref<1x128xi32, #tpu.memory_space<vmem>> -> memref<128xi32, #tpu.memory_space<vmem>>
      %dma_start3A_1730 = arith.constant 0 : i32
      %dma_start3A_1731 = tpu.memref_slice %arg11[%dma_start3A_1730] : memref<1024xf32, #tpu.memory_space<vmem_shared>> -> memref<1024xf32, #tpu.memory_space<vmem_shared>>
      tpu.enqueue_indirect_dma source(%arg7 : memref<128xf32, #tpu.memory_space<vmem>>) target(%dma_start3A_1731 : memref<1024xf32, #tpu.memory_space<vmem_shared>>) offsets(%dma_start3A_1729 : memref<128xi32, #tpu.memory_space<vmem>>) semaphore(%run_scoped3A_1727 : memref<!tpu.dma_semaphore, #tpu.memory_space<semaphore_mem>>) {add = true}
      %dma_wait3A = arith.constant 0 : i32
      %dma_wait3A_1732 = tpu.memref_slice %arg5[%run_scoped3A_58, %dma_wait3A] : memref<8x128xi32, #tpu.memory_space<vmem>> -> memref<1x128xi32, #tpu.memory_space<vmem>>
      %dma_wait3A_1733 = tpu.memref_squeeze %dma_wait3A_1732 : memref<1x128xi32, #tpu.memory_space<vmem>> -> memref<128xi32, #tpu.memory_space<vmem>>
      %dma_wait3A_1734 = arith.constant 0 : i32
      %dma_wait3A_1735 = tpu.memref_slice %arg11[%dma_wait3A_1734] : memref<1024xf32, #tpu.memory_space<vmem_shared>> -> memref<1024xf32, #tpu.memory_space<vmem_shared>>
      tpu.wait_indirect_dma semaphore(%run_scoped3A_1727 : memref<!tpu.dma_semaphore, #tpu.memory_space<semaphore_mem>>) src(%arg7 : memref<128xf32, #tpu.memory_space<vmem>>) dst(%dma_wait3A_1735 : memref<1024xf32, #tpu.memory_space<vmem_shared>>)
      tpu.yield
    }) : () -> ()
    %run_scoped3A_59 = arith.constant 5 : i32
    "tpu.region"() ({
      %run_scoped3A_1727 = tpu.sem_alloc : memref<!tpu.dma_semaphore, #tpu.memory_space<semaphore_mem>>
      %dma_start3A = arith.constant 0 : i32
      %dma_start3A_1728 = tpu.memref_slice %arg5[%run_scoped3A_59, %dma_start3A] : memref<8x128xi32, #tpu.memory_space<vmem>> -> memref<1x128xi32, #tpu.memory_space<vmem>>
      %dma_start3A_1729 = tpu.memref_squeeze %dma_start3A_1728 : memref<1x128xi32, #tpu.memory_space<vmem>> -> memref<128xi32, #tpu.memory_space<vmem>>
      %dma_start3A_1730 = arith.constant 0 : i32
      %dma_start3A_1731 = tpu.memref_slice %arg11[%dma_start3A_1730] : memref<1024xf32, #tpu.memory_space<vmem_shared>> -> memref<1024xf32, #tpu.memory_space<vmem_shared>>
      tpu.enqueue_indirect_dma source(%arg7 : memref<128xf32, #tpu.memory_space<vmem>>) target(%dma_start3A_1731 : memref<1024xf32, #tpu.memory_space<vmem_shared>>) offsets(%dma_start3A_1729 : memref<128xi32, #tpu.memory_space<vmem>>) semaphore(%run_scoped3A_1727 : memref<!tpu.dma_semaphore, #tpu.memory_space<semaphore_mem>>) {add = true}
      %dma_wait3A = arith.constant 0 : i32
      %dma_wait3A_1732 = tpu.memref_slice %arg5[%run_scoped3A_59, %dma_wait3A] : memref<8x128xi32, #tpu.memory_space<vmem>> -> memref<1x128xi32, #tpu.memory_space<vmem>>
      %dma_wait3A_1733 = tpu.memref_squeeze %dma_wait3A_1732 : memref<1x128xi32, #tpu.memory_space<vmem>> -> memref<128xi32, #tpu.memory_space<vmem>>
      %dma_wait3A_1734 = arith.constant 0 : i32
      %dma_wait3A_1735 = tpu.memref_slice %arg11[%dma_wait3A_1734] : memref<1024xf32, #tpu.memory_space<vmem_shared>> -> memref<1024xf32, #tpu.memory_space<vmem_shared>>
      tpu.wait_indirect_dma semaphore(%run_scoped3A_1727 : memref<!tpu.dma_semaphore, #tpu.memory_space<semaphore_mem>>) src(%arg7 : memref<128xf32, #tpu.memory_space<vmem>>) dst(%dma_wait3A_1735 : memref<1024xf32, #tpu.memory_space<vmem_shared>>)
      tpu.yield
    }) : () -> ()
    %run_scoped3A_60 = arith.constant 6 : i32
    "tpu.region"() ({
      %run_scoped3A_1727 = tpu.sem_alloc : memref<!tpu.dma_semaphore, #tpu.memory_space<semaphore_mem>>
      %dma_start3A = arith.constant 0 : i32
      %dma_start3A_1728 = tpu.memref_slice %arg5[%run_scoped3A_60, %dma_start3A] : memref<8x128xi32, #tpu.memory_space<vmem>> -> memref<1x128xi32, #tpu.memory_space<vmem>>
      %dma_start3A_1729 = tpu.memref_squeeze %dma_start3A_1728 : memref<1x128xi32, #tpu.memory_space<vmem>> -> memref<128xi32, #tpu.memory_space<vmem>>
      %dma_start3A_1730 = arith.constant 0 : i32
      %dma_start3A_1731 = tpu.memref_slice %arg11[%dma_start3A_1730] : memref<1024xf32, #tpu.memory_space<vmem_shared>> -> memref<1024xf32, #tpu.memory_space<vmem_shared>>
      tpu.enqueue_indirect_dma source(%arg7 : memref<128xf32, #tpu.memory_space<vmem>>) target(%dma_start3A_1731 : memref<1024xf32, #tpu.memory_space<vmem_shared>>) offsets(%dma_start3A_1729 : memref<128xi32, #tpu.memory_space<vmem>>) semaphore(%run_scoped3A_1727 : memref<!tpu.dma_semaphore, #tpu.memory_space<semaphore_mem>>) {add = true}
      %dma_wait3A = arith.constant 0 : i32
      %dma_wait3A_1732 = tpu.memref_slice %arg5[%run_scoped3A_60, %dma_wait3A] : memref<8x128xi32, #tpu.memory_space<vmem>> -> memref<1x128xi32, #tpu.memory_space<vmem>>
      %dma_wait3A_1733 = tpu.memref_squeeze %dma_wait3A_1732 : memref<1x128xi32, #tpu.memory_space<vmem>> -> memref<128xi32, #tpu.memory_space<vmem>>
      %dma_wait3A_1734 = arith.constant 0 : i32
      %dma_wait3A_1735 = tpu.memref_slice %arg11[%dma_wait3A_1734] : memref<1024xf32, #tpu.memory_space<vmem_shared>> -> memref<1024xf32, #tpu.memory_space<vmem_shared>>
      tpu.wait_indirect_dma semaphore(%run_scoped3A_1727 : memref<!tpu.dma_semaphore, #tpu.memory_space<semaphore_mem>>) src(%arg7 : memref<128xf32, #tpu.memory_space<vmem>>) dst(%dma_wait3A_1735 : memref<1024xf32, #tpu.memory_space<vmem_shared>>)
      tpu.yield
    }) : () -> ()
    %run_scoped3A_61 = arith.constant 7 : i32
    "tpu.region"() ({
      %run_scoped3A_1727 = tpu.sem_alloc : memref<!tpu.dma_semaphore, #tpu.memory_space<semaphore_mem>>
      %dma_start3A = arith.constant 0 : i32
      %dma_start3A_1728 = tpu.memref_slice %arg5[%run_scoped3A_61, %dma_start3A] : memref<8x128xi32, #tpu.memory_space<vmem>> -> memref<1x128xi32, #tpu.memory_space<vmem>>
      %dma_start3A_1729 = tpu.memref_squeeze %dma_start3A_1728 : memref<1x128xi32, #tpu.memory_space<vmem>> -> memref<128xi32, #tpu.memory_space<vmem>>
      %dma_start3A_1730 = arith.constant 0 : i32
      %dma_start3A_1731 = tpu.memref_slice %arg11[%dma_start3A_1730] : memref<1024xf32, #tpu.memory_space<vmem_shared>> -> memref<1024xf32, #tpu.memory_space<vmem_shared>>
      tpu.enqueue_indirect_dma source(%arg7 : memref<128xf32, #tpu.memory_space<vmem>>) target(%dma_start3A_1731 : memref<1024xf32, #tpu.memory_space<vmem_shared>>) offsets(%dma_start3A_1729 : memref<128xi32, #tpu.memory_space<vmem>>) semaphore(%run_scoped3A_1727 : memref<!tpu.dma_semaphore, #tpu.memory_space<semaphore_mem>>) {add = true}
      %dma_wait3A = arith.constant 0 : i32
      %dma_wait3A_1732 = tpu.memref_slice %arg5[%run_scoped3A_61, %dma_wait3A] : memref<8x128xi32, #tpu.memory_space<vmem>> -> memref<1x128xi32, #tpu.memory_space<vmem>>
      %dma_wait3A_1733 = tpu.memref_squeeze %dma_wait3A_1732 : memref<1x128xi32, #tpu.memory_space<vmem>> -> memref<128xi32, #tpu.memory_space<vmem>>
      %dma_wait3A_1734 = arith.constant 0 : i32
      %dma_wait3A_1735 = tpu.memref_slice %arg11[%dma_wait3A_1734] : memref<1024xf32, #tpu.memory_space<vmem_shared>> -> memref<1024xf32, #tpu.memory_space<vmem_shared>>
      tpu.wait_indirect_dma semaphore(%run_scoped3A_1727 : memref<!tpu.dma_semaphore, #tpu.memory_space<semaphore_mem>>) src(%arg7 : memref<128xf32, #tpu.memory_space<vmem>>) dst(%dma_wait3A_1735 : memref<1024xf32, #tpu.memory_space<vmem_shared>>)
      tpu.yield
    }) : () -> ()
    %barrier3A_62 = arith.constant 0 : index
    tpu.barrier barrier_id(%barrier3A_62)
    "tpu.region"() ({
      %run_scoped3A_1727 = tpu.sem_alloc : memref<!tpu.dma_semaphore, #tpu.memory_space<semaphore_mem>>
      tpu.enqueue_dma source(%arg11 : memref<1024xf32, #tpu.memory_space<vmem_shared>>) target(%arg8 : memref<1024xf32, #tpu.memory_space<vmem>>) target_semaphore(%run_scoped3A_1727 : memref<!tpu.dma_semaphore, #tpu.memory_space<semaphore_mem>>)
      tpu.wait_dma2 semaphore(%run_scoped3A_1727 : memref<!tpu.dma_semaphore, #tpu.memory_space<semaphore_mem>>) src(%arg11 : memref<1024xf32, #tpu.memory_space<vmem_shared>>) dst(%arg8 : memref<1024xf32, #tpu.memory_space<vmem>>)
      tpu.yield
    }) : () -> ()
    %broadcast_in_dim3A_63 = arith.constant 0.000000e+00 : f32
    %broadcast_in_dim3A_64 = vector.broadcast %broadcast_in_dim3A_63 : f32 to vector<16xf32>
    %get3A = arith.constant 0 : index
    %get3A_65 = tpu.vector_load %arg8[%get3A] {strides = array<i32>} : memref<1024xf32, #tpu.memory_space<vmem>>, vector<16xf32>,
    %get3A_66 = vector.shape_cast %get3A_65 : vector<16xf32> to vector<16xf32>
    %mul3A_67 = arith.constant 6.10351563E-5 : f32
    %mul3A_68 = vector.broadcast %mul3A_67 : f32 to vector<16xf32>
    %mul3A_69 = arith.mulf %get3A_66, %mul3A_68 : vector<16xf32>
    %add3A_70 = arith.constant 9.99999974E-6 : f32
    %add3A_71 = vector.broadcast %add3A_70 : f32 to vector<16xf32>
    %add3A_72 = arith.addf %mul3A_69, %add3A_71 : vector<16xf32>
    %div3A = arith.constant 1.000000e+00 : f32
    %div3A_73 = vector.broadcast %div3A : f32 to vector<16xf32>
    %div3A_74 = arith.divf %div3A_73, %add3A_72 : vector<16xf32>
    %swap3A_75 = arith.constant 0 : index
    %swap3A_76 = tpu.vector_load %arg9[%swap3A_75] {strides = array<i32>} : memref<1024xf32, #tpu.memory_space<vmem>>, vector<16xf32>,
    %swap3A_77 = vector.shape_cast %swap3A_76 : vector<16xf32> to vector<16xf32>
    %swap3A_78 = vector.shape_cast %div3A_74 : vector<16xf32> to vector<16xf32>
    tpu.vector_store %arg9[%swap3A_75], %swap3A_78 {strides = array<i32>} : memref<1024xf32, #tpu.memory_space<vmem>>, vector<16xf32>,
    %add3A_79 = arith.addf %broadcast_in_dim3A_64, %div3A_74 : vector<16xf32>
    %get3A_80 = arith.constant 16 : index
    %get3A_81 = tpu.vector_load %arg8[%get3A_80] {strides = array<i32>} : memref<1024xf32, #tpu.memory_space<vmem>>, vector<16xf32>,
    %get3A_82 = vector.shape_cast %get3A_81 : vector<16xf32> to vector<16xf32>
    %mul3A_83 = arith.constant 6.10351563E-5 : f32
    %mul3A_84 = vector.broadcast %mul3A_83 : f32 to vector<16xf32>
    %mul3A_85 = arith.mulf %get3A_82, %mul3A_84 : vector<16xf32>
    %add3A_86 = arith.constant 9.99999974E-6 : f32
    %add3A_87 = vector.broadcast %add3A_86 : f32 to vector<16xf32>
    %add3A_88 = arith.addf %mul3A_85, %add3A_87 : vector<16xf32>
    %div3A_89 = arith.constant 1.000000e+00 : f32
    %div3A_90 = vector.broadcast %div3A_89 : f32 to vector<16xf32>
    %div3A_91 = arith.divf %div3A_90, %add3A_88 : vector<16xf32>
    %swap3A_92 = arith.constant 16 : index
    %swap3A_93 = tpu.vector_load %arg9[%swap3A_92] {strides = array<i32>} : memref<1024xf32, #tpu.memory_space<vmem>>, vector<16xf32>,
    %swap3A_94 = vector.shape_cast %swap3A_93 : vector<16xf32> to vector<16xf32>
    %swap3A_95 = vector.shape_cast %div3A_91 : vector<16xf32> to vector<16xf32>
    tpu.vector_store %arg9[%swap3A_92], %swap3A_95 {strides = array<i32>} : memref<1024xf32, #tpu.memory_space<vmem>>, vector<16xf32>,
    %add3A_96 = arith.addf %add3A_79, %div3A_91 : vector<16xf32>
    %get3A_97 = arith.constant 32 : index
    %get3A_98 = tpu.vector_load %arg8[%get3A_97] {strides = array<i32>} : memref<1024xf32, #tpu.memory_space<vmem>>, vector<16xf32>,
    %get3A_99 = vector.shape_cast %get3A_98 : vector<16xf32> to vector<16xf32>
    %mul3A_100 = arith.constant 6.10351563E-5 : f32
    %mul3A_101 = vector.broadcast %mul3A_100 : f32 to vector<16xf32>
    %mul3A_102 = arith.mulf %get3A_99, %mul3A_101 : vector<16xf32>
    %add3A_103 = arith.constant 9.99999974E-6 : f32
    %add3A_104 = vector.broadcast %add3A_103 : f32 to vector<16xf32>
    %add3A_105 = arith.addf %mul3A_102, %add3A_104 : vector<16xf32>
    %div3A_106 = arith.constant 1.000000e+00 : f32
    %div3A_107 = vector.broadcast %div3A_106 : f32 to vector<16xf32>
    %div3A_108 = arith.divf %div3A_107, %add3A_105 : vector<16xf32>
    %swap3A_109 = arith.constant 32 : index
    %swap3A_110 = tpu.vector_load %arg9[%swap3A_109] {strides = array<i32>} : memref<1024xf32, #tpu.memory_space<vmem>>, vector<16xf32>,
    %swap3A_111 = vector.shape_cast %swap3A_110 : vector<16xf32> to vector<16xf32>
    %swap3A_112 = vector.shape_cast %div3A_108 : vector<16xf32> to vector<16xf32>
    tpu.vector_store %arg9[%swap3A_109], %swap3A_112 {strides = array<i32>} : memref<1024xf32, #tpu.memory_space<vmem>>, vector<16xf32>,
    %add3A_113 = arith.addf %add3A_96, %div3A_108 : vector<16xf32>
    %get3A_114 = arith.constant 48 : index
    %get3A_115 = tpu.vector_load %arg8[%get3A_114] {strides = array<i32>} : memref<1024xf32, #tpu.memory_space<vmem>>, vector<16xf32>,
    %get3A_116 = vector.shape_cast %get3A_115 : vector<16xf32> to vector<16xf32>
    %mul3A_117 = arith.constant 6.10351563E-5 : f32
    %mul3A_118 = vector.broadcast %mul3A_117 : f32 to vector<16xf32>
    %mul3A_119 = arith.mulf %get3A_116, %mul3A_118 : vector<16xf32>
    %add3A_120 = arith.constant 9.99999974E-6 : f32
    %add3A_121 = vector.broadcast %add3A_120 : f32 to vector<16xf32>
    %add3A_122 = arith.addf %mul3A_119, %add3A_121 : vector<16xf32>
    %div3A_123 = arith.constant 1.000000e+00 : f32
    %div3A_124 = vector.broadcast %div3A_123 : f32 to vector<16xf32>
    %div3A_125 = arith.divf %div3A_124, %add3A_122 : vector<16xf32>
    %swap3A_126 = arith.constant 48 : index
    %swap3A_127 = tpu.vector_load %arg9[%swap3A_126] {strides = array<i32>} : memref<1024xf32, #tpu.memory_space<vmem>>, vector<16xf32>,
    %swap3A_128 = vector.shape_cast %swap3A_127 : vector<16xf32> to vector<16xf32>
    %swap3A_129 = vector.shape_cast %div3A_125 : vector<16xf32> to vector<16xf32>
    tpu.vector_store %arg9[%swap3A_126], %swap3A_129 {strides = array<i32>} : memref<1024xf32, #tpu.memory_space<vmem>>, vector<16xf32>,
    %add3A_130 = arith.addf %add3A_113, %div3A_125 : vector<16xf32>
    %get3A_131 = arith.constant 64 : index
    %get3A_132 = tpu.vector_load %arg8[%get3A_131] {strides = array<i32>} : memref<1024xf32, #tpu.memory_space<vmem>>, vector<16xf32>,
    %get3A_133 = vector.shape_cast %get3A_132 : vector<16xf32> to vector<16xf32>
    %mul3A_134 = arith.constant 6.10351563E-5 : f32
    %mul3A_135 = vector.broadcast %mul3A_134 : f32 to vector<16xf32>
    %mul3A_136 = arith.mulf %get3A_133, %mul3A_135 : vector<16xf32>
    %add3A_137 = arith.constant 9.99999974E-6 : f32
    %add3A_138 = vector.broadcast %add3A_137 : f32 to vector<16xf32>
    %add3A_139 = arith.addf %mul3A_136, %add3A_138 : vector<16xf32>
    %div3A_140 = arith.constant 1.000000e+00 : f32
    %div3A_141 = vector.broadcast %div3A_140 : f32 to vector<16xf32>
    %div3A_142 = arith.divf %div3A_141, %add3A_139 : vector<16xf32>
    %swap3A_143 = arith.constant 64 : index
    %swap3A_144 = tpu.vector_load %arg9[%swap3A_143] {strides = array<i32>} : memref<1024xf32, #tpu.memory_space<vmem>>, vector<16xf32>,
    %swap3A_145 = vector.shape_cast %swap3A_144 : vector<16xf32> to vector<16xf32>
    %swap3A_146 = vector.shape_cast %div3A_142 : vector<16xf32> to vector<16xf32>
    tpu.vector_store %arg9[%swap3A_143], %swap3A_146 {strides = array<i32>} : memref<1024xf32, #tpu.memory_space<vmem>>, vector<16xf32>,
    %add3A_147 = arith.addf %add3A_130, %div3A_142 : vector<16xf32>
    %get3A_148 = arith.constant 80 : index
    %get3A_149 = tpu.vector_load %arg8[%get3A_148] {strides = array<i32>} : memref<1024xf32, #tpu.memory_space<vmem>>, vector<16xf32>,
    %get3A_150 = vector.shape_cast %get3A_149 : vector<16xf32> to vector<16xf32>
    %mul3A_151 = arith.constant 6.10351563E-5 : f32
    %mul3A_152 = vector.broadcast %mul3A_151 : f32 to vector<16xf32>
    %mul3A_153 = arith.mulf %get3A_150, %mul3A_152 : vector<16xf32>
    %add3A_154 = arith.constant 9.99999974E-6 : f32
    %add3A_155 = vector.broadcast %add3A_154 : f32 to vector<16xf32>
    %add3A_156 = arith.addf %mul3A_153, %add3A_155 : vector<16xf32>
    %div3A_157 = arith.constant 1.000000e+00 : f32
    %div3A_158 = vector.broadcast %div3A_157 : f32 to vector<16xf32>
    %div3A_159 = arith.divf %div3A_158, %add3A_156 : vector<16xf32>
    %swap3A_160 = arith.constant 80 : index
    %swap3A_161 = tpu.vector_load %arg9[%swap3A_160] {strides = array<i32>} : memref<1024xf32, #tpu.memory_space<vmem>>, vector<16xf32>,
    %swap3A_162 = vector.shape_cast %swap3A_161 : vector<16xf32> to vector<16xf32>
    %swap3A_163 = vector.shape_cast %div3A_159 : vector<16xf32> to vector<16xf32>
    tpu.vector_store %arg9[%swap3A_160], %swap3A_163 {strides = array<i32>} : memref<1024xf32, #tpu.memory_space<vmem>>, vector<16xf32>,
    %add3A_164 = arith.addf %add3A_147, %div3A_159 : vector<16xf32>
    %get3A_165 = arith.constant 96 : index
    %get3A_166 = tpu.vector_load %arg8[%get3A_165] {strides = array<i32>} : memref<1024xf32, #tpu.memory_space<vmem>>, vector<16xf32>,
    %get3A_167 = vector.shape_cast %get3A_166 : vector<16xf32> to vector<16xf32>
    %mul3A_168 = arith.constant 6.10351563E-5 : f32
    %mul3A_169 = vector.broadcast %mul3A_168 : f32 to vector<16xf32>
    %mul3A_170 = arith.mulf %get3A_167, %mul3A_169 : vector<16xf32>
    %add3A_171 = arith.constant 9.99999974E-6 : f32
    %add3A_172 = vector.broadcast %add3A_171 : f32 to vector<16xf32>
    %add3A_173 = arith.addf %mul3A_170, %add3A_172 : vector<16xf32>
    %div3A_174 = arith.constant 1.000000e+00 : f32
    %div3A_175 = vector.broadcast %div3A_174 : f32 to vector<16xf32>
    %div3A_176 = arith.divf %div3A_175, %add3A_173 : vector<16xf32>
    %swap3A_177 = arith.constant 96 : index
    %swap3A_178 = tpu.vector_load %arg9[%swap3A_177] {strides = array<i32>} : memref<1024xf32, #tpu.memory_space<vmem>>, vector<16xf32>,
    %swap3A_179 = vector.shape_cast %swap3A_178 : vector<16xf32> to vector<16xf32>
    %swap3A_180 = vector.shape_cast %div3A_176 : vector<16xf32> to vector<16xf32>
    tpu.vector_store %arg9[%swap3A_177], %swap3A_180 {strides = array<i32>} : memref<1024xf32, #tpu.memory_space<vmem>>, vector<16xf32>,
    %add3A_181 = arith.addf %add3A_164, %div3A_176 : vector<16xf32>
    %get3A_182 = arith.constant 112 : index
    %get3A_183 = tpu.vector_load %arg8[%get3A_182] {strides = array<i32>} : memref<1024xf32, #tpu.memory_space<vmem>>, vector<16xf32>,
    %get3A_184 = vector.shape_cast %get3A_183 : vector<16xf32> to vector<16xf32>
    %mul3A_185 = arith.constant 6.10351563E-5 : f32
    %mul3A_186 = vector.broadcast %mul3A_185 : f32 to vector<16xf32>
    %mul3A_187 = arith.mulf %get3A_184, %mul3A_186 : vector<16xf32>
    %add3A_188 = arith.constant 9.99999974E-6 : f32
    %add3A_189 = vector.broadcast %add3A_188 : f32 to vector<16xf32>
    %add3A_190 = arith.addf %mul3A_187, %add3A_189 : vector<16xf32>
    %div3A_191 = arith.constant 1.000000e+00 : f32
    %div3A_192 = vector.broadcast %div3A_191 : f32 to vector<16xf32>
    %div3A_193 = arith.divf %div3A_192, %add3A_190 : vector<16xf32>
    %swap3A_194 = arith.constant 112 : index
    %swap3A_195 = tpu.vector_load %arg9[%swap3A_194] {strides = array<i32>} : memref<1024xf32, #tpu.memory_space<vmem>>, vector<16xf32>,
    %swap3A_196 = vector.shape_cast %swap3A_195 : vector<16xf32> to vector<16xf32>
    %swap3A_197 = vector.shape_cast %div3A_193 : vector<16xf32> to vector<16xf32>
    tpu.vector_store %arg9[%swap3A_194], %swap3A_197 {strides = array<i32>} : memref<1024xf32, #tpu.memory_space<vmem>>, vector<16xf32>,
    %add3A_198 = arith.addf %add3A_181, %div3A_193 : vector<16xf32>
    %get3A_199 = arith.constant 128 : index
    %get3A_200 = tpu.vector_load %arg8[%get3A_199] {strides = array<i32>} : memref<1024xf32, #tpu.memory_space<vmem>>, vector<16xf32>,
    %get3A_201 = vector.shape_cast %get3A_200 : vector<16xf32> to vector<16xf32>
    %mul3A_202 = arith.constant 6.10351563E-5 : f32
    %mul3A_203 = vector.broadcast %mul3A_202 : f32 to vector<16xf32>
    %mul3A_204 = arith.mulf %get3A_201, %mul3A_203 : vector<16xf32>
    %add3A_205 = arith.constant 9.99999974E-6 : f32
    %add3A_206 = vector.broadcast %add3A_205 : f32 to vector<16xf32>
    %add3A_207 = arith.addf %mul3A_204, %add3A_206 : vector<16xf32>
    %div3A_208 = arith.constant 1.000000e+00 : f32
    %div3A_209 = vector.broadcast %div3A_208 : f32 to vector<16xf32>
    %div3A_210 = arith.divf %div3A_209, %add3A_207 : vector<16xf32>
    %swap3A_211 = arith.constant 128 : index
    %swap3A_212 = tpu.vector_load %arg9[%swap3A_211] {strides = array<i32>} : memref<1024xf32, #tpu.memory_space<vmem>>, vector<16xf32>,
    %swap3A_213 = vector.shape_cast %swap3A_212 : vector<16xf32> to vector<16xf32>
    %swap3A_214 = vector.shape_cast %div3A_210 : vector<16xf32> to vector<16xf32>
    tpu.vector_store %arg9[%swap3A_211], %swap3A_214 {strides = array<i32>} : memref<1024xf32, #tpu.memory_space<vmem>>, vector<16xf32>,
    %add3A_215 = arith.addf %add3A_198, %div3A_210 : vector<16xf32>
    %get3A_216 = arith.constant 144 : index
    %get3A_217 = tpu.vector_load %arg8[%get3A_216] {strides = array<i32>} : memref<1024xf32, #tpu.memory_space<vmem>>, vector<16xf32>,
    %get3A_218 = vector.shape_cast %get3A_217 : vector<16xf32> to vector<16xf32>
    %mul3A_219 = arith.constant 6.10351563E-5 : f32
    %mul3A_220 = vector.broadcast %mul3A_219 : f32 to vector<16xf32>
    %mul3A_221 = arith.mulf %get3A_218, %mul3A_220 : vector<16xf32>
    %add3A_222 = arith.constant 9.99999974E-6 : f32
    %add3A_223 = vector.broadcast %add3A_222 : f32 to vector<16xf32>
    %add3A_224 = arith.addf %mul3A_221, %add3A_223 : vector<16xf32>
    %div3A_225 = arith.constant 1.000000e+00 : f32
    %div3A_226 = vector.broadcast %div3A_225 : f32 to vector<16xf32>
    %div3A_227 = arith.divf %div3A_226, %add3A_224 : vector<16xf32>
    %swap3A_228 = arith.constant 144 : index
    %swap3A_229 = tpu.vector_load %arg9[%swap3A_228] {strides = array<i32>} : memref<1024xf32, #tpu.memory_space<vmem>>, vector<16xf32>,
    %swap3A_230 = vector.shape_cast %swap3A_229 : vector<16xf32> to vector<16xf32>
    %swap3A_231 = vector.shape_cast %div3A_227 : vector<16xf32> to vector<16xf32>
    tpu.vector_store %arg9[%swap3A_228], %swap3A_231 {strides = array<i32>} : memref<1024xf32, #tpu.memory_space<vmem>>, vector<16xf32>,
    %add3A_232 = arith.addf %add3A_215, %div3A_227 : vector<16xf32>
    %get3A_233 = arith.constant 160 : index
    %get3A_234 = tpu.vector_load %arg8[%get3A_233] {strides = array<i32>} : memref<1024xf32, #tpu.memory_space<vmem>>, vector<16xf32>,
    %get3A_235 = vector.shape_cast %get3A_234 : vector<16xf32> to vector<16xf32>
    %mul3A_236 = arith.constant 6.10351563E-5 : f32
    %mul3A_237 = vector.broadcast %mul3A_236 : f32 to vector<16xf32>
    %mul3A_238 = arith.mulf %get3A_235, %mul3A_237 : vector<16xf32>
    %add3A_239 = arith.constant 9.99999974E-6 : f32
    %add3A_240 = vector.broadcast %add3A_239 : f32 to vector<16xf32>
    %add3A_241 = arith.addf %mul3A_238, %add3A_240 : vector<16xf32>
    %div3A_242 = arith.constant 1.000000e+00 : f32
    %div3A_243 = vector.broadcast %div3A_242 : f32 to vector<16xf32>
    %div3A_244 = arith.divf %div3A_243, %add3A_241 : vector<16xf32>
    %swap3A_245 = arith.constant 160 : index
    %swap3A_246 = tpu.vector_load %arg9[%swap3A_245] {strides = array<i32>} : memref<1024xf32, #tpu.memory_space<vmem>>, vector<16xf32>,
    %swap3A_247 = vector.shape_cast %swap3A_246 : vector<16xf32> to vector<16xf32>
    %swap3A_248 = vector.shape_cast %div3A_244 : vector<16xf32> to vector<16xf32>
    tpu.vector_store %arg9[%swap3A_245], %swap3A_248 {strides = array<i32>} : memref<1024xf32, #tpu.memory_space<vmem>>, vector<16xf32>,
    %add3A_249 = arith.addf %add3A_232, %div3A_244 : vector<16xf32>
    %get3A_250 = arith.constant 176 : index
    %get3A_251 = tpu.vector_load %arg8[%get3A_250] {strides = array<i32>} : memref<1024xf32, #tpu.memory_space<vmem>>, vector<16xf32>,
    %get3A_252 = vector.shape_cast %get3A_251 : vector<16xf32> to vector<16xf32>
    %mul3A_253 = arith.constant 6.10351563E-5 : f32
    %mul3A_254 = vector.broadcast %mul3A_253 : f32 to vector<16xf32>
    %mul3A_255 = arith.mulf %get3A_252, %mul3A_254 : vector<16xf32>
    %add3A_256 = arith.constant 9.99999974E-6 : f32
    %add3A_257 = vector.broadcast %add3A_256 : f32 to vector<16xf32>
    %add3A_258 = arith.addf %mul3A_255, %add3A_257 : vector<16xf32>
    %div3A_259 = arith.constant 1.000000e+00 : f32
    %div3A_260 = vector.broadcast %div3A_259 : f32 to vector<16xf32>
    %div3A_261 = arith.divf %div3A_260, %add3A_258 : vector<16xf32>
    %swap3A_262 = arith.constant 176 : index
    %swap3A_263 = tpu.vector_load %arg9[%swap3A_262] {strides = array<i32>} : memref<1024xf32, #tpu.memory_space<vmem>>, vector<16xf32>,
    %swap3A_264 = vector.shape_cast %swap3A_263 : vector<16xf32> to vector<16xf32>
    %swap3A_265 = vector.shape_cast %div3A_261 : vector<16xf32> to vector<16xf32>
    tpu.vector_store %arg9[%swap3A_262], %swap3A_265 {strides = array<i32>} : memref<1024xf32, #tpu.memory_space<vmem>>, vector<16xf32>,
    %add3A_266 = arith.addf %add3A_249, %div3A_261 : vector<16xf32>
    %get3A_267 = arith.constant 192 : index
    %get3A_268 = tpu.vector_load %arg8[%get3A_267] {strides = array<i32>} : memref<1024xf32, #tpu.memory_space<vmem>>, vector<16xf32>,
    %get3A_269 = vector.shape_cast %get3A_268 : vector<16xf32> to vector<16xf32>
    %mul3A_270 = arith.constant 6.10351563E-5 : f32
    %mul3A_271 = vector.broadcast %mul3A_270 : f32 to vector<16xf32>
    %mul3A_272 = arith.mulf %get3A_269, %mul3A_271 : vector<16xf32>
    %add3A_273 = arith.constant 9.99999974E-6 : f32
    %add3A_274 = vector.broadcast %add3A_273 : f32 to vector<16xf32>
    %add3A_275 = arith.addf %mul3A_272, %add3A_274 : vector<16xf32>
    %div3A_276 = arith.constant 1.000000e+00 : f32
    %div3A_277 = vector.broadcast %div3A_276 : f32 to vector<16xf32>
    %div3A_278 = arith.divf %div3A_277, %add3A_275 : vector<16xf32>
    %swap3A_279 = arith.constant 192 : index
    %swap3A_280 = tpu.vector_load %arg9[%swap3A_279] {strides = array<i32>} : memref<1024xf32, #tpu.memory_space<vmem>>, vector<16xf32>,
    %swap3A_281 = vector.shape_cast %swap3A_280 : vector<16xf32> to vector<16xf32>
    %swap3A_282 = vector.shape_cast %div3A_278 : vector<16xf32> to vector<16xf32>
    tpu.vector_store %arg9[%swap3A_279], %swap3A_282 {strides = array<i32>} : memref<1024xf32, #tpu.memory_space<vmem>>, vector<16xf32>,
    %add3A_283 = arith.addf %add3A_266, %div3A_278 : vector<16xf32>
    %get3A_284 = arith.constant 208 : index
    %get3A_285 = tpu.vector_load %arg8[%get3A_284] {strides = array<i32>} : memref<1024xf32, #tpu.memory_space<vmem>>, vector<16xf32>,
    %get3A_286 = vector.shape_cast %get3A_285 : vector<16xf32> to vector<16xf32>
    %mul3A_287 = arith.constant 6.10351563E-5 : f32
    %mul3A_288 = vector.broadcast %mul3A_287 : f32 to vector<16xf32>
    %mul3A_289 = arith.mulf %get3A_286, %mul3A_288 : vector<16xf32>
    %add3A_290 = arith.constant 9.99999974E-6 : f32
    %add3A_291 = vector.broadcast %add3A_290 : f32 to vector<16xf32>
    %add3A_292 = arith.addf %mul3A_289, %add3A_291 : vector<16xf32>
    %div3A_293 = arith.constant 1.000000e+00 : f32
    %div3A_294 = vector.broadcast %div3A_293 : f32 to vector<16xf32>
    %div3A_295 = arith.divf %div3A_294, %add3A_292 : vector<16xf32>
    %swap3A_296 = arith.constant 208 : index
    %swap3A_297 = tpu.vector_load %arg9[%swap3A_296] {strides = array<i32>} : memref<1024xf32, #tpu.memory_space<vmem>>, vector<16xf32>,
    %swap3A_298 = vector.shape_cast %swap3A_297 : vector<16xf32> to vector<16xf32>
    %swap3A_299 = vector.shape_cast %div3A_295 : vector<16xf32> to vector<16xf32>
    tpu.vector_store %arg9[%swap3A_296], %swap3A_299 {strides = array<i32>} : memref<1024xf32, #tpu.memory_space<vmem>>, vector<16xf32>,
    %add3A_300 = arith.addf %add3A_283, %div3A_295 : vector<16xf32>
    %get3A_301 = arith.constant 224 : index
    %get3A_302 = tpu.vector_load %arg8[%get3A_301] {strides = array<i32>} : memref<1024xf32, #tpu.memory_space<vmem>>, vector<16xf32>,
    %get3A_303 = vector.shape_cast %get3A_302 : vector<16xf32> to vector<16xf32>
    %mul3A_304 = arith.constant 6.10351563E-5 : f32
    %mul3A_305 = vector.broadcast %mul3A_304 : f32 to vector<16xf32>
    %mul3A_306 = arith.mulf %get3A_303, %mul3A_305 : vector<16xf32>
    %add3A_307 = arith.constant 9.99999974E-6 : f32
    %add3A_308 = vector.broadcast %add3A_307 : f32 to vector<16xf32>
    %add3A_309 = arith.addf %mul3A_306, %add3A_308 : vector<16xf32>
    %div3A_310 = arith.constant 1.000000e+00 : f32
    %div3A_311 = vector.broadcast %div3A_310 : f32 to vector<16xf32>
    %div3A_312 = arith.divf %div3A_311, %add3A_309 : vector<16xf32>
    %swap3A_313 = arith.constant 224 : index
    %swap3A_314 = tpu.vector_load %arg9[%swap3A_313] {strides = array<i32>} : memref<1024xf32, #tpu.memory_space<vmem>>, vector<16xf32>,
    %swap3A_315 = vector.shape_cast %swap3A_314 : vector<16xf32> to vector<16xf32>
    %swap3A_316 = vector.shape_cast %div3A_312 : vector<16xf32> to vector<16xf32>
    tpu.vector_store %arg9[%swap3A_313], %swap3A_316 {strides = array<i32>} : memref<1024xf32, #tpu.memory_space<vmem>>, vector<16xf32>,
    %add3A_317 = arith.addf %add3A_300, %div3A_312 : vector<16xf32>
    %get3A_318 = arith.constant 240 : index
    %get3A_319 = tpu.vector_load %arg8[%get3A_318] {strides = array<i32>} : memref<1024xf32, #tpu.memory_space<vmem>>, vector<16xf32>,
    %get3A_320 = vector.shape_cast %get3A_319 : vector<16xf32> to vector<16xf32>
    %mul3A_321 = arith.constant 6.10351563E-5 : f32
    %mul3A_322 = vector.broadcast %mul3A_321 : f32 to vector<16xf32>
    %mul3A_323 = arith.mulf %get3A_320, %mul3A_322 : vector<16xf32>
    %add3A_324 = arith.constant 9.99999974E-6 : f32
    %add3A_325 = vector.broadcast %add3A_324 : f32 to vector<16xf32>
    %add3A_326 = arith.addf %mul3A_323, %add3A_325 : vector<16xf32>
    %div3A_327 = arith.constant 1.000000e+00 : f32
    %div3A_328 = vector.broadcast %div3A_327 : f32 to vector<16xf32>
    %div3A_329 = arith.divf %div3A_328, %add3A_326 : vector<16xf32>
    %swap3A_330 = arith.constant 240 : index
    %swap3A_331 = tpu.vector_load %arg9[%swap3A_330] {strides = array<i32>} : memref<1024xf32, #tpu.memory_space<vmem>>, vector<16xf32>,
    %swap3A_332 = vector.shape_cast %swap3A_331 : vector<16xf32> to vector<16xf32>
    %swap3A_333 = vector.shape_cast %div3A_329 : vector<16xf32> to vector<16xf32>
    tpu.vector_store %arg9[%swap3A_330], %swap3A_333 {strides = array<i32>} : memref<1024xf32, #tpu.memory_space<vmem>>, vector<16xf32>,
    %add3A_334 = arith.addf %add3A_317, %div3A_329 : vector<16xf32>
    %get3A_335 = arith.constant 256 : index
    %get3A_336 = tpu.vector_load %arg8[%get3A_335] {strides = array<i32>} : memref<1024xf32, #tpu.memory_space<vmem>>, vector<16xf32>,
    %get3A_337 = vector.shape_cast %get3A_336 : vector<16xf32> to vector<16xf32>
    %mul3A_338 = arith.constant 6.10351563E-5 : f32
    %mul3A_339 = vector.broadcast %mul3A_338 : f32 to vector<16xf32>
    %mul3A_340 = arith.mulf %get3A_337, %mul3A_339 : vector<16xf32>
    %add3A_341 = arith.constant 9.99999974E-6 : f32
    %add3A_342 = vector.broadcast %add3A_341 : f32 to vector<16xf32>
    %add3A_343 = arith.addf %mul3A_340, %add3A_342 : vector<16xf32>
    %div3A_344 = arith.constant 1.000000e+00 : f32
    %div3A_345 = vector.broadcast %div3A_344 : f32 to vector<16xf32>
    %div3A_346 = arith.divf %div3A_345, %add3A_343 : vector<16xf32>
    %swap3A_347 = arith.constant 256 : index
    %swap3A_348 = tpu.vector_load %arg9[%swap3A_347] {strides = array<i32>} : memref<1024xf32, #tpu.memory_space<vmem>>, vector<16xf32>,
    %swap3A_349 = vector.shape_cast %swap3A_348 : vector<16xf32> to vector<16xf32>
    %swap3A_350 = vector.shape_cast %div3A_346 : vector<16xf32> to vector<16xf32>
    tpu.vector_store %arg9[%swap3A_347], %swap3A_350 {strides = array<i32>} : memref<1024xf32, #tpu.memory_space<vmem>>, vector<16xf32>,
    %add3A_351 = arith.addf %add3A_334, %div3A_346 : vector<16xf32>
    %get3A_352 = arith.constant 272 : index
    %get3A_353 = tpu.vector_load %arg8[%get3A_352] {strides = array<i32>} : memref<1024xf32, #tpu.memory_space<vmem>>, vector<16xf32>,
    %get3A_354 = vector.shape_cast %get3A_353 : vector<16xf32> to vector<16xf32>
    %mul3A_355 = arith.constant 6.10351563E-5 : f32
    %mul3A_356 = vector.broadcast %mul3A_355 : f32 to vector<16xf32>
    %mul3A_357 = arith.mulf %get3A_354, %mul3A_356 : vector<16xf32>
    %add3A_358 = arith.constant 9.99999974E-6 : f32
    %add3A_359 = vector.broadcast %add3A_358 : f32 to vector<16xf32>
    %add3A_360 = arith.addf %mul3A_357, %add3A_359 : vector<16xf32>
    %div3A_361 = arith.constant 1.000000e+00 : f32
    %div3A_362 = vector.broadcast %div3A_361 : f32 to vector<16xf32>
    %div3A_363 = arith.divf %div3A_362, %add3A_360 : vector<16xf32>
    %swap3A_364 = arith.constant 272 : index
    %swap3A_365 = tpu.vector_load %arg9[%swap3A_364] {strides = array<i32>} : memref<1024xf32, #tpu.memory_space<vmem>>, vector<16xf32>,
    %swap3A_366 = vector.shape_cast %swap3A_365 : vector<16xf32> to vector<16xf32>
    %swap3A_367 = vector.shape_cast %div3A_363 : vector<16xf32> to vector<16xf32>
    tpu.vector_store %arg9[%swap3A_364], %swap3A_367 {strides = array<i32>} : memref<1024xf32, #tpu.memory_space<vmem>>, vector<16xf32>,
    %add3A_368 = arith.addf %add3A_351, %div3A_363 : vector<16xf32>
    %get3A_369 = arith.constant 288 : index
    %get3A_370 = tpu.vector_load %arg8[%get3A_369] {strides = array<i32>} : memref<1024xf32, #tpu.memory_space<vmem>>, vector<16xf32>,
    %get3A_371 = vector.shape_cast %get3A_370 : vector<16xf32> to vector<16xf32>
    %mul3A_372 = arith.constant 6.10351563E-5 : f32
    %mul3A_373 = vector.broadcast %mul3A_372 : f32 to vector<16xf32>
    %mul3A_374 = arith.mulf %get3A_371, %mul3A_373 : vector<16xf32>
    %add3A_375 = arith.constant 9.99999974E-6 : f32
    %add3A_376 = vector.broadcast %add3A_375 : f32 to vector<16xf32>
    %add3A_377 = arith.addf %mul3A_374, %add3A_376 : vector<16xf32>
    %div3A_378 = arith.constant 1.000000e+00 : f32
    %div3A_379 = vector.broadcast %div3A_378 : f32 to vector<16xf32>
    %div3A_380 = arith.divf %div3A_379, %add3A_377 : vector<16xf32>
    %swap3A_381 = arith.constant 288 : index
    %swap3A_382 = tpu.vector_load %arg9[%swap3A_381] {strides = array<i32>} : memref<1024xf32, #tpu.memory_space<vmem>>, vector<16xf32>,
    %swap3A_383 = vector.shape_cast %swap3A_382 : vector<16xf32> to vector<16xf32>
    %swap3A_384 = vector.shape_cast %div3A_380 : vector<16xf32> to vector<16xf32>
    tpu.vector_store %arg9[%swap3A_381], %swap3A_384 {strides = array<i32>} : memref<1024xf32, #tpu.memory_space<vmem>>, vector<16xf32>,
    %add3A_385 = arith.addf %add3A_368, %div3A_380 : vector<16xf32>
    %get3A_386 = arith.constant 304 : index
    %get3A_387 = tpu.vector_load %arg8[%get3A_386] {strides = array<i32>} : memref<1024xf32, #tpu.memory_space<vmem>>, vector<16xf32>,
    %get3A_388 = vector.shape_cast %get3A_387 : vector<16xf32> to vector<16xf32>
    %mul3A_389 = arith.constant 6.10351563E-5 : f32
    %mul3A_390 = vector.broadcast %mul3A_389 : f32 to vector<16xf32>
    %mul3A_391 = arith.mulf %get3A_388, %mul3A_390 : vector<16xf32>
    %add3A_392 = arith.constant 9.99999974E-6 : f32
    %add3A_393 = vector.broadcast %add3A_392 : f32 to vector<16xf32>
    %add3A_394 = arith.addf %mul3A_391, %add3A_393 : vector<16xf32>
    %div3A_395 = arith.constant 1.000000e+00 : f32
    %div3A_396 = vector.broadcast %div3A_395 : f32 to vector<16xf32>
    %div3A_397 = arith.divf %div3A_396, %add3A_394 : vector<16xf32>
    %swap3A_398 = arith.constant 304 : index
    %swap3A_399 = tpu.vector_load %arg9[%swap3A_398] {strides = array<i32>} : memref<1024xf32, #tpu.memory_space<vmem>>, vector<16xf32>,
    %swap3A_400 = vector.shape_cast %swap3A_399 : vector<16xf32> to vector<16xf32>
    %swap3A_401 = vector.shape_cast %div3A_397 : vector<16xf32> to vector<16xf32>
    tpu.vector_store %arg9[%swap3A_398], %swap3A_401 {strides = array<i32>} : memref<1024xf32, #tpu.memory_space<vmem>>, vector<16xf32>,
    %add3A_402 = arith.addf %add3A_385, %div3A_397 : vector<16xf32>
    %get3A_403 = arith.constant 320 : index
    %get3A_404 = tpu.vector_load %arg8[%get3A_403] {strides = array<i32>} : memref<1024xf32, #tpu.memory_space<vmem>>, vector<16xf32>,
    %get3A_405 = vector.shape_cast %get3A_404 : vector<16xf32> to vector<16xf32>
    %mul3A_406 = arith.constant 6.10351563E-5 : f32
    %mul3A_407 = vector.broadcast %mul3A_406 : f32 to vector<16xf32>
    %mul3A_408 = arith.mulf %get3A_405, %mul3A_407 : vector<16xf32>
    %add3A_409 = arith.constant 9.99999974E-6 : f32
    %add3A_410 = vector.broadcast %add3A_409 : f32 to vector<16xf32>
    %add3A_411 = arith.addf %mul3A_408, %add3A_410 : vector<16xf32>
    %div3A_412 = arith.constant 1.000000e+00 : f32
    %div3A_413 = vector.broadcast %div3A_412 : f32 to vector<16xf32>
    %div3A_414 = arith.divf %div3A_413, %add3A_411 : vector<16xf32>
    %swap3A_415 = arith.constant 320 : index
    %swap3A_416 = tpu.vector_load %arg9[%swap3A_415] {strides = array<i32>} : memref<1024xf32, #tpu.memory_space<vmem>>, vector<16xf32>,
    %swap3A_417 = vector.shape_cast %swap3A_416 : vector<16xf32> to vector<16xf32>
    %swap3A_418 = vector.shape_cast %div3A_414 : vector<16xf32> to vector<16xf32>
    tpu.vector_store %arg9[%swap3A_415], %swap3A_418 {strides = array<i32>} : memref<1024xf32, #tpu.memory_space<vmem>>, vector<16xf32>,
    %add3A_419 = arith.addf %add3A_402, %div3A_414 : vector<16xf32>
    %get3A_420 = arith.constant 336 : index
    %get3A_421 = tpu.vector_load %arg8[%get3A_420] {strides = array<i32>} : memref<1024xf32, #tpu.memory_space<vmem>>, vector<16xf32>,
    %get3A_422 = vector.shape_cast %get3A_421 : vector<16xf32> to vector<16xf32>
    %mul3A_423 = arith.constant 6.10351563E-5 : f32
    %mul3A_424 = vector.broadcast %mul3A_423 : f32 to vector<16xf32>
    %mul3A_425 = arith.mulf %get3A_422, %mul3A_424 : vector<16xf32>
    %add3A_426 = arith.constant 9.99999974E-6 : f32
    %add3A_427 = vector.broadcast %add3A_426 : f32 to vector<16xf32>
    %add3A_428 = arith.addf %mul3A_425, %add3A_427 : vector<16xf32>
    %div3A_429 = arith.constant 1.000000e+00 : f32
    %div3A_430 = vector.broadcast %div3A_429 : f32 to vector<16xf32>
    %div3A_431 = arith.divf %div3A_430, %add3A_428 : vector<16xf32>
    %swap3A_432 = arith.constant 336 : index
    %swap3A_433 = tpu.vector_load %arg9[%swap3A_432] {strides = array<i32>} : memref<1024xf32, #tpu.memory_space<vmem>>, vector<16xf32>,
    %swap3A_434 = vector.shape_cast %swap3A_433 : vector<16xf32> to vector<16xf32>
    %swap3A_435 = vector.shape_cast %div3A_431 : vector<16xf32> to vector<16xf32>
    tpu.vector_store %arg9[%swap3A_432], %swap3A_435 {strides = array<i32>} : memref<1024xf32, #tpu.memory_space<vmem>>, vector<16xf32>,
    %add3A_436 = arith.addf %add3A_419, %div3A_431 : vector<16xf32>
    %get3A_437 = arith.constant 352 : index
    %get3A_438 = tpu.vector_load %arg8[%get3A_437] {strides = array<i32>} : memref<1024xf32, #tpu.memory_space<vmem>>, vector<16xf32>,
    %get3A_439 = vector.shape_cast %get3A_438 : vector<16xf32> to vector<16xf32>
    %mul3A_440 = arith.constant 6.10351563E-5 : f32
    %mul3A_441 = vector.broadcast %mul3A_440 : f32 to vector<16xf32>
    %mul3A_442 = arith.mulf %get3A_439, %mul3A_441 : vector<16xf32>
    %add3A_443 = arith.constant 9.99999974E-6 : f32
    %add3A_444 = vector.broadcast %add3A_443 : f32 to vector<16xf32>
    %add3A_445 = arith.addf %mul3A_442, %add3A_444 : vector<16xf32>
    %div3A_446 = arith.constant 1.000000e+00 : f32
    %div3A_447 = vector.broadcast %div3A_446 : f32 to vector<16xf32>
    %div3A_448 = arith.divf %div3A_447, %add3A_445 : vector<16xf32>
    %swap3A_449 = arith.constant 352 : index
    %swap3A_450 = tpu.vector_load %arg9[%swap3A_449] {strides = array<i32>} : memref<1024xf32, #tpu.memory_space<vmem>>, vector<16xf32>,
    %swap3A_451 = vector.shape_cast %swap3A_450 : vector<16xf32> to vector<16xf32>
    %swap3A_452 = vector.shape_cast %div3A_448 : vector<16xf32> to vector<16xf32>
    tpu.vector_store %arg9[%swap3A_449], %swap3A_452 {strides = array<i32>} : memref<1024xf32, #tpu.memory_space<vmem>>, vector<16xf32>,
    %add3A_453 = arith.addf %add3A_436, %div3A_448 : vector<16xf32>
    %get3A_454 = arith.constant 368 : index
    %get3A_455 = tpu.vector_load %arg8[%get3A_454] {strides = array<i32>} : memref<1024xf32, #tpu.memory_space<vmem>>, vector<16xf32>,
    %get3A_456 = vector.shape_cast %get3A_455 : vector<16xf32> to vector<16xf32>
    %mul3A_457 = arith.constant 6.10351563E-5 : f32
    %mul3A_458 = vector.broadcast %mul3A_457 : f32 to vector<16xf32>
    %mul3A_459 = arith.mulf %get3A_456, %mul3A_458 : vector<16xf32>
    %add3A_460 = arith.constant 9.99999974E-6 : f32
    %add3A_461 = vector.broadcast %add3A_460 : f32 to vector<16xf32>
    %add3A_462 = arith.addf %mul3A_459, %add3A_461 : vector<16xf32>
    %div3A_463 = arith.constant 1.000000e+00 : f32
    %div3A_464 = vector.broadcast %div3A_463 : f32 to vector<16xf32>
    %div3A_465 = arith.divf %div3A_464, %add3A_462 : vector<16xf32>
    %swap3A_466 = arith.constant 368 : index
    %swap3A_467 = tpu.vector_load %arg9[%swap3A_466] {strides = array<i32>} : memref<1024xf32, #tpu.memory_space<vmem>>, vector<16xf32>,
    %swap3A_468 = vector.shape_cast %swap3A_467 : vector<16xf32> to vector<16xf32>
    %swap3A_469 = vector.shape_cast %div3A_465 : vector<16xf32> to vector<16xf32>
    tpu.vector_store %arg9[%swap3A_466], %swap3A_469 {strides = array<i32>} : memref<1024xf32, #tpu.memory_space<vmem>>, vector<16xf32>,
    %add3A_470 = arith.addf %add3A_453, %div3A_465 : vector<16xf32>
    %get3A_471 = arith.constant 384 : index
    %get3A_472 = tpu.vector_load %arg8[%get3A_471] {strides = array<i32>} : memref<1024xf32, #tpu.memory_space<vmem>>, vector<16xf32>,
    %get3A_473 = vector.shape_cast %get3A_472 : vector<16xf32> to vector<16xf32>
    %mul3A_474 = arith.constant 6.10351563E-5 : f32
    %mul3A_475 = vector.broadcast %mul3A_474 : f32 to vector<16xf32>
    %mul3A_476 = arith.mulf %get3A_473, %mul3A_475 : vector<16xf32>
    %add3A_477 = arith.constant 9.99999974E-6 : f32
    %add3A_478 = vector.broadcast %add3A_477 : f32 to vector<16xf32>
    %add3A_479 = arith.addf %mul3A_476, %add3A_478 : vector<16xf32>
    %div3A_480 = arith.constant 1.000000e+00 : f32
    %div3A_481 = vector.broadcast %div3A_480 : f32 to vector<16xf32>
    %div3A_482 = arith.divf %div3A_481, %add3A_479 : vector<16xf32>
    %swap3A_483 = arith.constant 384 : index
    %swap3A_484 = tpu.vector_load %arg9[%swap3A_483] {strides = array<i32>} : memref<1024xf32, #tpu.memory_space<vmem>>, vector<16xf32>,
    %swap3A_485 = vector.shape_cast %swap3A_484 : vector<16xf32> to vector<16xf32>
    %swap3A_486 = vector.shape_cast %div3A_482 : vector<16xf32> to vector<16xf32>
    tpu.vector_store %arg9[%swap3A_483], %swap3A_486 {strides = array<i32>} : memref<1024xf32, #tpu.memory_space<vmem>>, vector<16xf32>,
    %add3A_487 = arith.addf %add3A_470, %div3A_482 : vector<16xf32>
    %get3A_488 = arith.constant 400 : index
    %get3A_489 = tpu.vector_load %arg8[%get3A_488] {strides = array<i32>} : memref<1024xf32, #tpu.memory_space<vmem>>, vector<16xf32>,
    %get3A_490 = vector.shape_cast %get3A_489 : vector<16xf32> to vector<16xf32>
    %mul3A_491 = arith.constant 6.10351563E-5 : f32
    %mul3A_492 = vector.broadcast %mul3A_491 : f32 to vector<16xf32>
    %mul3A_493 = arith.mulf %get3A_490, %mul3A_492 : vector<16xf32>
    %add3A_494 = arith.constant 9.99999974E-6 : f32
    %add3A_495 = vector.broadcast %add3A_494 : f32 to vector<16xf32>
    %add3A_496 = arith.addf %mul3A_493, %add3A_495 : vector<16xf32>
    %div3A_497 = arith.constant 1.000000e+00 : f32
    %div3A_498 = vector.broadcast %div3A_497 : f32 to vector<16xf32>
    %div3A_499 = arith.divf %div3A_498, %add3A_496 : vector<16xf32>
    %swap3A_500 = arith.constant 400 : index
    %swap3A_501 = tpu.vector_load %arg9[%swap3A_500] {strides = array<i32>} : memref<1024xf32, #tpu.memory_space<vmem>>, vector<16xf32>,
    %swap3A_502 = vector.shape_cast %swap3A_501 : vector<16xf32> to vector<16xf32>
    %swap3A_503 = vector.shape_cast %div3A_499 : vector<16xf32> to vector<16xf32>
    tpu.vector_store %arg9[%swap3A_500], %swap3A_503 {strides = array<i32>} : memref<1024xf32, #tpu.memory_space<vmem>>, vector<16xf32>,
    %add3A_504 = arith.addf %add3A_487, %div3A_499 : vector<16xf32>
    %get3A_505 = arith.constant 416 : index
    %get3A_506 = tpu.vector_load %arg8[%get3A_505] {strides = array<i32>} : memref<1024xf32, #tpu.memory_space<vmem>>, vector<16xf32>,
    %get3A_507 = vector.shape_cast %get3A_506 : vector<16xf32> to vector<16xf32>
    %mul3A_508 = arith.constant 6.10351563E-5 : f32
    %mul3A_509 = vector.broadcast %mul3A_508 : f32 to vector<16xf32>
    %mul3A_510 = arith.mulf %get3A_507, %mul3A_509 : vector<16xf32>
    %add3A_511 = arith.constant 9.99999974E-6 : f32
    %add3A_512 = vector.broadcast %add3A_511 : f32 to vector<16xf32>
    %add3A_513 = arith.addf %mul3A_510, %add3A_512 : vector<16xf32>
    %div3A_514 = arith.constant 1.000000e+00 : f32
    %div3A_515 = vector.broadcast %div3A_514 : f32 to vector<16xf32>
    %div3A_516 = arith.divf %div3A_515, %add3A_513 : vector<16xf32>
    %swap3A_517 = arith.constant 416 : index
    %swap3A_518 = tpu.vector_load %arg9[%swap3A_517] {strides = array<i32>} : memref<1024xf32, #tpu.memory_space<vmem>>, vector<16xf32>,
    %swap3A_519 = vector.shape_cast %swap3A_518 : vector<16xf32> to vector<16xf32>
    %swap3A_520 = vector.shape_cast %div3A_516 : vector<16xf32> to vector<16xf32>
    tpu.vector_store %arg9[%swap3A_517], %swap3A_520 {strides = array<i32>} : memref<1024xf32, #tpu.memory_space<vmem>>, vector<16xf32>,
    %add3A_521 = arith.addf %add3A_504, %div3A_516 : vector<16xf32>
    %get3A_522 = arith.constant 432 : index
    %get3A_523 = tpu.vector_load %arg8[%get3A_522] {strides = array<i32>} : memref<1024xf32, #tpu.memory_space<vmem>>, vector<16xf32>,
    %get3A_524 = vector.shape_cast %get3A_523 : vector<16xf32> to vector<16xf32>
    %mul3A_525 = arith.constant 6.10351563E-5 : f32
    %mul3A_526 = vector.broadcast %mul3A_525 : f32 to vector<16xf32>
    %mul3A_527 = arith.mulf %get3A_524, %mul3A_526 : vector<16xf32>
    %add3A_528 = arith.constant 9.99999974E-6 : f32
    %add3A_529 = vector.broadcast %add3A_528 : f32 to vector<16xf32>
    %add3A_530 = arith.addf %mul3A_527, %add3A_529 : vector<16xf32>
    %div3A_531 = arith.constant 1.000000e+00 : f32
    %div3A_532 = vector.broadcast %div3A_531 : f32 to vector<16xf32>
    %div3A_533 = arith.divf %div3A_532, %add3A_530 : vector<16xf32>
    %swap3A_534 = arith.constant 432 : index
    %swap3A_535 = tpu.vector_load %arg9[%swap3A_534] {strides = array<i32>} : memref<1024xf32, #tpu.memory_space<vmem>>, vector<16xf32>,
    %swap3A_536 = vector.shape_cast %swap3A_535 : vector<16xf32> to vector<16xf32>
    %swap3A_537 = vector.shape_cast %div3A_533 : vector<16xf32> to vector<16xf32>
    tpu.vector_store %arg9[%swap3A_534], %swap3A_537 {strides = array<i32>} : memref<1024xf32, #tpu.memory_space<vmem>>, vector<16xf32>,
    %add3A_538 = arith.addf %add3A_521, %div3A_533 : vector<16xf32>
    %get3A_539 = arith.constant 448 : index
    %get3A_540 = tpu.vector_load %arg8[%get3A_539] {strides = array<i32>} : memref<1024xf32, #tpu.memory_space<vmem>>, vector<16xf32>,
    %get3A_541 = vector.shape_cast %get3A_540 : vector<16xf32> to vector<16xf32>
    %mul3A_542 = arith.constant 6.10351563E-5 : f32
    %mul3A_543 = vector.broadcast %mul3A_542 : f32 to vector<16xf32>
    %mul3A_544 = arith.mulf %get3A_541, %mul3A_543 : vector<16xf32>
    %add3A_545 = arith.constant 9.99999974E-6 : f32
    %add3A_546 = vector.broadcast %add3A_545 : f32 to vector<16xf32>
    %add3A_547 = arith.addf %mul3A_544, %add3A_546 : vector<16xf32>
    %div3A_548 = arith.constant 1.000000e+00 : f32
    %div3A_549 = vector.broadcast %div3A_548 : f32 to vector<16xf32>
    %div3A_550 = arith.divf %div3A_549, %add3A_547 : vector<16xf32>
    %swap3A_551 = arith.constant 448 : index
    %swap3A_552 = tpu.vector_load %arg9[%swap3A_551] {strides = array<i32>} : memref<1024xf32, #tpu.memory_space<vmem>>, vector<16xf32>,
    %swap3A_553 = vector.shape_cast %swap3A_552 : vector<16xf32> to vector<16xf32>
    %swap3A_554 = vector.shape_cast %div3A_550 : vector<16xf32> to vector<16xf32>
    tpu.vector_store %arg9[%swap3A_551], %swap3A_554 {strides = array<i32>} : memref<1024xf32, #tpu.memory_space<vmem>>, vector<16xf32>,
    %add3A_555 = arith.addf %add3A_538, %div3A_550 : vector<16xf32>
    %get3A_556 = arith.constant 464 : index
    %get3A_557 = tpu.vector_load %arg8[%get3A_556] {strides = array<i32>} : memref<1024xf32, #tpu.memory_space<vmem>>, vector<16xf32>,
    %get3A_558 = vector.shape_cast %get3A_557 : vector<16xf32> to vector<16xf32>
    %mul3A_559 = arith.constant 6.10351563E-5 : f32
    %mul3A_560 = vector.broadcast %mul3A_559 : f32 to vector<16xf32>
    %mul3A_561 = arith.mulf %get3A_558, %mul3A_560 : vector<16xf32>
    %add3A_562 = arith.constant 9.99999974E-6 : f32
    %add3A_563 = vector.broadcast %add3A_562 : f32 to vector<16xf32>
    %add3A_564 = arith.addf %mul3A_561, %add3A_563 : vector<16xf32>
    %div3A_565 = arith.constant 1.000000e+00 : f32
    %div3A_566 = vector.broadcast %div3A_565 : f32 to vector<16xf32>
    %div3A_567 = arith.divf %div3A_566, %add3A_564 : vector<16xf32>
    %swap3A_568 = arith.constant 464 : index
    %swap3A_569 = tpu.vector_load %arg9[%swap3A_568] {strides = array<i32>} : memref<1024xf32, #tpu.memory_space<vmem>>, vector<16xf32>,
    %swap3A_570 = vector.shape_cast %swap3A_569 : vector<16xf32> to vector<16xf32>
    %swap3A_571 = vector.shape_cast %div3A_567 : vector<16xf32> to vector<16xf32>
    tpu.vector_store %arg9[%swap3A_568], %swap3A_571 {strides = array<i32>} : memref<1024xf32, #tpu.memory_space<vmem>>, vector<16xf32>,
    %add3A_572 = arith.addf %add3A_555, %div3A_567 : vector<16xf32>
    %get3A_573 = arith.constant 480 : index
    %get3A_574 = tpu.vector_load %arg8[%get3A_573] {strides = array<i32>} : memref<1024xf32, #tpu.memory_space<vmem>>, vector<16xf32>,
    %get3A_575 = vector.shape_cast %get3A_574 : vector<16xf32> to vector<16xf32>
    %mul3A_576 = arith.constant 6.10351563E-5 : f32
    %mul3A_577 = vector.broadcast %mul3A_576 : f32 to vector<16xf32>
    %mul3A_578 = arith.mulf %get3A_575, %mul3A_577 : vector<16xf32>
    %add3A_579 = arith.constant 9.99999974E-6 : f32
    %add3A_580 = vector.broadcast %add3A_579 : f32 to vector<16xf32>
    %add3A_581 = arith.addf %mul3A_578, %add3A_580 : vector<16xf32>
    %div3A_582 = arith.constant 1.000000e+00 : f32
    %div3A_583 = vector.broadcast %div3A_582 : f32 to vector<16xf32>
    %div3A_584 = arith.divf %div3A_583, %add3A_581 : vector<16xf32>
    %swap3A_585 = arith.constant 480 : index
    %swap3A_586 = tpu.vector_load %arg9[%swap3A_585] {strides = array<i32>} : memref<1024xf32, #tpu.memory_space<vmem>>, vector<16xf32>,
    %swap3A_587 = vector.shape_cast %swap3A_586 : vector<16xf32> to vector<16xf32>
    %swap3A_588 = vector.shape_cast %div3A_584 : vector<16xf32> to vector<16xf32>
    tpu.vector_store %arg9[%swap3A_585], %swap3A_588 {strides = array<i32>} : memref<1024xf32, #tpu.memory_space<vmem>>, vector<16xf32>,
    %add3A_589 = arith.addf %add3A_572, %div3A_584 : vector<16xf32>
    %get3A_590 = arith.constant 496 : index
    %get3A_591 = tpu.vector_load %arg8[%get3A_590] {strides = array<i32>} : memref<1024xf32, #tpu.memory_space<vmem>>, vector<16xf32>,
    %get3A_592 = vector.shape_cast %get3A_591 : vector<16xf32> to vector<16xf32>
    %mul3A_593 = arith.constant 6.10351563E-5 : f32
    %mul3A_594 = vector.broadcast %mul3A_593 : f32 to vector<16xf32>
    %mul3A_595 = arith.mulf %get3A_592, %mul3A_594 : vector<16xf32>
    %add3A_596 = arith.constant 9.99999974E-6 : f32
    %add3A_597 = vector.broadcast %add3A_596 : f32 to vector<16xf32>
    %add3A_598 = arith.addf %mul3A_595, %add3A_597 : vector<16xf32>
    %div3A_599 = arith.constant 1.000000e+00 : f32
    %div3A_600 = vector.broadcast %div3A_599 : f32 to vector<16xf32>
    %div3A_601 = arith.divf %div3A_600, %add3A_598 : vector<16xf32>
    %swap3A_602 = arith.constant 496 : index
    %swap3A_603 = tpu.vector_load %arg9[%swap3A_602] {strides = array<i32>} : memref<1024xf32, #tpu.memory_space<vmem>>, vector<16xf32>,
    %swap3A_604 = vector.shape_cast %swap3A_603 : vector<16xf32> to vector<16xf32>
    %swap3A_605 = vector.shape_cast %div3A_601 : vector<16xf32> to vector<16xf32>
    tpu.vector_store %arg9[%swap3A_602], %swap3A_605 {strides = array<i32>} : memref<1024xf32, #tpu.memory_space<vmem>>, vector<16xf32>,
    %add3A_606 = arith.addf %add3A_589, %div3A_601 : vector<16xf32>
    %get3A_607 = arith.constant 512 : index
    %get3A_608 = tpu.vector_load %arg8[%get3A_607] {strides = array<i32>} : memref<1024xf32, #tpu.memory_space<vmem>>, vector<16xf32>,
    %get3A_609 = vector.shape_cast %get3A_608 : vector<16xf32> to vector<16xf32>
    %mul3A_610 = arith.constant 6.10351563E-5 : f32
    %mul3A_611 = vector.broadcast %mul3A_610 : f32 to vector<16xf32>
    %mul3A_612 = arith.mulf %get3A_609, %mul3A_611 : vector<16xf32>
    %add3A_613 = arith.constant 9.99999974E-6 : f32
    %add3A_614 = vector.broadcast %add3A_613 : f32 to vector<16xf32>
    %add3A_615 = arith.addf %mul3A_612, %add3A_614 : vector<16xf32>
    %div3A_616 = arith.constant 1.000000e+00 : f32
    %div3A_617 = vector.broadcast %div3A_616 : f32 to vector<16xf32>
    %div3A_618 = arith.divf %div3A_617, %add3A_615 : vector<16xf32>
    %swap3A_619 = arith.constant 512 : index
    %swap3A_620 = tpu.vector_load %arg9[%swap3A_619] {strides = array<i32>} : memref<1024xf32, #tpu.memory_space<vmem>>, vector<16xf32>,
    %swap3A_621 = vector.shape_cast %swap3A_620 : vector<16xf32> to vector<16xf32>
    %swap3A_622 = vector.shape_cast %div3A_618 : vector<16xf32> to vector<16xf32>
    tpu.vector_store %arg9[%swap3A_619], %swap3A_622 {strides = array<i32>} : memref<1024xf32, #tpu.memory_space<vmem>>, vector<16xf32>,
    %add3A_623 = arith.addf %add3A_606, %div3A_618 : vector<16xf32>
    %get3A_624 = arith.constant 528 : index
    %get3A_625 = tpu.vector_load %arg8[%get3A_624] {strides = array<i32>} : memref<1024xf32, #tpu.memory_space<vmem>>, vector<16xf32>,
    %get3A_626 = vector.shape_cast %get3A_625 : vector<16xf32> to vector<16xf32>
    %mul3A_627 = arith.constant 6.10351563E-5 : f32
    %mul3A_628 = vector.broadcast %mul3A_627 : f32 to vector<16xf32>
    %mul3A_629 = arith.mulf %get3A_626, %mul3A_628 : vector<16xf32>
    %add3A_630 = arith.constant 9.99999974E-6 : f32
    %add3A_631 = vector.broadcast %add3A_630 : f32 to vector<16xf32>
    %add3A_632 = arith.addf %mul3A_629, %add3A_631 : vector<16xf32>
    %div3A_633 = arith.constant 1.000000e+00 : f32
    %div3A_634 = vector.broadcast %div3A_633 : f32 to vector<16xf32>
    %div3A_635 = arith.divf %div3A_634, %add3A_632 : vector<16xf32>
    %swap3A_636 = arith.constant 528 : index
    %swap3A_637 = tpu.vector_load %arg9[%swap3A_636] {strides = array<i32>} : memref<1024xf32, #tpu.memory_space<vmem>>, vector<16xf32>,
    %swap3A_638 = vector.shape_cast %swap3A_637 : vector<16xf32> to vector<16xf32>
    %swap3A_639 = vector.shape_cast %div3A_635 : vector<16xf32> to vector<16xf32>
    tpu.vector_store %arg9[%swap3A_636], %swap3A_639 {strides = array<i32>} : memref<1024xf32, #tpu.memory_space<vmem>>, vector<16xf32>,
    %add3A_640 = arith.addf %add3A_623, %div3A_635 : vector<16xf32>
    %get3A_641 = arith.constant 544 : index
    %get3A_642 = tpu.vector_load %arg8[%get3A_641] {strides = array<i32>} : memref<1024xf32, #tpu.memory_space<vmem>>, vector<16xf32>,
    %get3A_643 = vector.shape_cast %get3A_642 : vector<16xf32> to vector<16xf32>
    %mul3A_644 = arith.constant 6.10351563E-5 : f32
    %mul3A_645 = vector.broadcast %mul3A_644 : f32 to vector<16xf32>
    %mul3A_646 = arith.mulf %get3A_643, %mul3A_645 : vector<16xf32>
    %add3A_647 = arith.constant 9.99999974E-6 : f32
    %add3A_648 = vector.broadcast %add3A_647 : f32 to vector<16xf32>
    %add3A_649 = arith.addf %mul3A_646, %add3A_648 : vector<16xf32>
    %div3A_650 = arith.constant 1.000000e+00 : f32
    %div3A_651 = vector.broadcast %div3A_650 : f32 to vector<16xf32>
    %div3A_652 = arith.divf %div3A_651, %add3A_649 : vector<16xf32>
    %swap3A_653 = arith.constant 544 : index
    %swap3A_654 = tpu.vector_load %arg9[%swap3A_653] {strides = array<i32>} : memref<1024xf32, #tpu.memory_space<vmem>>, vector<16xf32>,
    %swap3A_655 = vector.shape_cast %swap3A_654 : vector<16xf32> to vector<16xf32>
    %swap3A_656 = vector.shape_cast %div3A_652 : vector<16xf32> to vector<16xf32>
    tpu.vector_store %arg9[%swap3A_653], %swap3A_656 {strides = array<i32>} : memref<1024xf32, #tpu.memory_space<vmem>>, vector<16xf32>,
    %add3A_657 = arith.addf %add3A_640, %div3A_652 : vector<16xf32>
    %get3A_658 = arith.constant 560 : index
    %get3A_659 = tpu.vector_load %arg8[%get3A_658] {strides = array<i32>} : memref<1024xf32, #tpu.memory_space<vmem>>, vector<16xf32>,
    %get3A_660 = vector.shape_cast %get3A_659 : vector<16xf32> to vector<16xf32>
    %mul3A_661 = arith.constant 6.10351563E-5 : f32
    %mul3A_662 = vector.broadcast %mul3A_661 : f32 to vector<16xf32>
    %mul3A_663 = arith.mulf %get3A_660, %mul3A_662 : vector<16xf32>
    %add3A_664 = arith.constant 9.99999974E-6 : f32
    %add3A_665 = vector.broadcast %add3A_664 : f32 to vector<16xf32>
    %add3A_666 = arith.addf %mul3A_663, %add3A_665 : vector<16xf32>
    %div3A_667 = arith.constant 1.000000e+00 : f32
    %div3A_668 = vector.broadcast %div3A_667 : f32 to vector<16xf32>
    %div3A_669 = arith.divf %div3A_668, %add3A_666 : vector<16xf32>
    %swap3A_670 = arith.constant 560 : index
    %swap3A_671 = tpu.vector_load %arg9[%swap3A_670] {strides = array<i32>} : memref<1024xf32, #tpu.memory_space<vmem>>, vector<16xf32>,
    %swap3A_672 = vector.shape_cast %swap3A_671 : vector<16xf32> to vector<16xf32>
    %swap3A_673 = vector.shape_cast %div3A_669 : vector<16xf32> to vector<16xf32>
    tpu.vector_store %arg9[%swap3A_670], %swap3A_673 {strides = array<i32>} : memref<1024xf32, #tpu.memory_space<vmem>>, vector<16xf32>,
    %add3A_674 = arith.addf %add3A_657, %div3A_669 : vector<16xf32>
    %get3A_675 = arith.constant 576 : index
    %get3A_676 = tpu.vector_load %arg8[%get3A_675] {strides = array<i32>} : memref<1024xf32, #tpu.memory_space<vmem>>, vector<16xf32>,
    %get3A_677 = vector.shape_cast %get3A_676 : vector<16xf32> to vector<16xf32>
    %mul3A_678 = arith.constant 6.10351563E-5 : f32
    %mul3A_679 = vector.broadcast %mul3A_678 : f32 to vector<16xf32>
    %mul3A_680 = arith.mulf %get3A_677, %mul3A_679 : vector<16xf32>
    %add3A_681 = arith.constant 9.99999974E-6 : f32
    %add3A_682 = vector.broadcast %add3A_681 : f32 to vector<16xf32>
    %add3A_683 = arith.addf %mul3A_680, %add3A_682 : vector<16xf32>
    %div3A_684 = arith.constant 1.000000e+00 : f32
    %div3A_685 = vector.broadcast %div3A_684 : f32 to vector<16xf32>
    %div3A_686 = arith.divf %div3A_685, %add3A_683 : vector<16xf32>
    %swap3A_687 = arith.constant 576 : index
    %swap3A_688 = tpu.vector_load %arg9[%swap3A_687] {strides = array<i32>} : memref<1024xf32, #tpu.memory_space<vmem>>, vector<16xf32>,
    %swap3A_689 = vector.shape_cast %swap3A_688 : vector<16xf32> to vector<16xf32>
    %swap3A_690 = vector.shape_cast %div3A_686 : vector<16xf32> to vector<16xf32>
    tpu.vector_store %arg9[%swap3A_687], %swap3A_690 {strides = array<i32>} : memref<1024xf32, #tpu.memory_space<vmem>>, vector<16xf32>,
    %add3A_691 = arith.addf %add3A_674, %div3A_686 : vector<16xf32>
    %get3A_692 = arith.constant 592 : index
    %get3A_693 = tpu.vector_load %arg8[%get3A_692] {strides = array<i32>} : memref<1024xf32, #tpu.memory_space<vmem>>, vector<16xf32>,
    %get3A_694 = vector.shape_cast %get3A_693 : vector<16xf32> to vector<16xf32>
    %mul3A_695 = arith.constant 6.10351563E-5 : f32
    %mul3A_696 = vector.broadcast %mul3A_695 : f32 to vector<16xf32>
    %mul3A_697 = arith.mulf %get3A_694, %mul3A_696 : vector<16xf32>
    %add3A_698 = arith.constant 9.99999974E-6 : f32
    %add3A_699 = vector.broadcast %add3A_698 : f32 to vector<16xf32>
    %add3A_700 = arith.addf %mul3A_697, %add3A_699 : vector<16xf32>
    %div3A_701 = arith.constant 1.000000e+00 : f32
    %div3A_702 = vector.broadcast %div3A_701 : f32 to vector<16xf32>
    %div3A_703 = arith.divf %div3A_702, %add3A_700 : vector<16xf32>
    %swap3A_704 = arith.constant 592 : index
    %swap3A_705 = tpu.vector_load %arg9[%swap3A_704] {strides = array<i32>} : memref<1024xf32, #tpu.memory_space<vmem>>, vector<16xf32>,
    %swap3A_706 = vector.shape_cast %swap3A_705 : vector<16xf32> to vector<16xf32>
    %swap3A_707 = vector.shape_cast %div3A_703 : vector<16xf32> to vector<16xf32>
    tpu.vector_store %arg9[%swap3A_704], %swap3A_707 {strides = array<i32>} : memref<1024xf32, #tpu.memory_space<vmem>>, vector<16xf32>,
    %add3A_708 = arith.addf %add3A_691, %div3A_703 : vector<16xf32>
    %get3A_709 = arith.constant 608 : index
    %get3A_710 = tpu.vector_load %arg8[%get3A_709] {strides = array<i32>} : memref<1024xf32, #tpu.memory_space<vmem>>, vector<16xf32>,
    %get3A_711 = vector.shape_cast %get3A_710 : vector<16xf32> to vector<16xf32>
    %mul3A_712 = arith.constant 6.10351563E-5 : f32
    %mul3A_713 = vector.broadcast %mul3A_712 : f32 to vector<16xf32>
    %mul3A_714 = arith.mulf %get3A_711, %mul3A_713 : vector<16xf32>
    %add3A_715 = arith.constant 9.99999974E-6 : f32
    %add3A_716 = vector.broadcast %add3A_715 : f32 to vector<16xf32>
    %add3A_717 = arith.addf %mul3A_714, %add3A_716 : vector<16xf32>
    %div3A_718 = arith.constant 1.000000e+00 : f32
    %div3A_719 = vector.broadcast %div3A_718 : f32 to vector<16xf32>
    %div3A_720 = arith.divf %div3A_719, %add3A_717 : vector<16xf32>
    %swap3A_721 = arith.constant 608 : index
    %swap3A_722 = tpu.vector_load %arg9[%swap3A_721] {strides = array<i32>} : memref<1024xf32, #tpu.memory_space<vmem>>, vector<16xf32>,
    %swap3A_723 = vector.shape_cast %swap3A_722 : vector<16xf32> to vector<16xf32>
    %swap3A_724 = vector.shape_cast %div3A_720 : vector<16xf32> to vector<16xf32>
    tpu.vector_store %arg9[%swap3A_721], %swap3A_724 {strides = array<i32>} : memref<1024xf32, #tpu.memory_space<vmem>>, vector<16xf32>,
    %add3A_725 = arith.addf %add3A_708, %div3A_720 : vector<16xf32>
    %get3A_726 = arith.constant 624 : index
    %get3A_727 = tpu.vector_load %arg8[%get3A_726] {strides = array<i32>} : memref<1024xf32, #tpu.memory_space<vmem>>, vector<16xf32>,
    %get3A_728 = vector.shape_cast %get3A_727 : vector<16xf32> to vector<16xf32>
    %mul3A_729 = arith.constant 6.10351563E-5 : f32
    %mul3A_730 = vector.broadcast %mul3A_729 : f32 to vector<16xf32>
    %mul3A_731 = arith.mulf %get3A_728, %mul3A_730 : vector<16xf32>
    %add3A_732 = arith.constant 9.99999974E-6 : f32
    %add3A_733 = vector.broadcast %add3A_732 : f32 to vector<16xf32>
    %add3A_734 = arith.addf %mul3A_731, %add3A_733 : vector<16xf32>
    %div3A_735 = arith.constant 1.000000e+00 : f32
    %div3A_736 = vector.broadcast %div3A_735 : f32 to vector<16xf32>
    %div3A_737 = arith.divf %div3A_736, %add3A_734 : vector<16xf32>
    %swap3A_738 = arith.constant 624 : index
    %swap3A_739 = tpu.vector_load %arg9[%swap3A_738] {strides = array<i32>} : memref<1024xf32, #tpu.memory_space<vmem>>, vector<16xf32>,
    %swap3A_740 = vector.shape_cast %swap3A_739 : vector<16xf32> to vector<16xf32>
    %swap3A_741 = vector.shape_cast %div3A_737 : vector<16xf32> to vector<16xf32>
    tpu.vector_store %arg9[%swap3A_738], %swap3A_741 {strides = array<i32>} : memref<1024xf32, #tpu.memory_space<vmem>>, vector<16xf32>,
    %add3A_742 = arith.addf %add3A_725, %div3A_737 : vector<16xf32>
    %get3A_743 = arith.constant 640 : index
    %get3A_744 = tpu.vector_load %arg8[%get3A_743] {strides = array<i32>} : memref<1024xf32, #tpu.memory_space<vmem>>, vector<16xf32>,
    %get3A_745 = vector.shape_cast %get3A_744 : vector<16xf32> to vector<16xf32>
    %mul3A_746 = arith.constant 6.10351563E-5 : f32
    %mul3A_747 = vector.broadcast %mul3A_746 : f32 to vector<16xf32>
    %mul3A_748 = arith.mulf %get3A_745, %mul3A_747 : vector<16xf32>
    %add3A_749 = arith.constant 9.99999974E-6 : f32
    %add3A_750 = vector.broadcast %add3A_749 : f32 to vector<16xf32>
    %add3A_751 = arith.addf %mul3A_748, %add3A_750 : vector<16xf32>
    %div3A_752 = arith.constant 1.000000e+00 : f32
    %div3A_753 = vector.broadcast %div3A_752 : f32 to vector<16xf32>
    %div3A_754 = arith.divf %div3A_753, %add3A_751 : vector<16xf32>
    %swap3A_755 = arith.constant 640 : index
    %swap3A_756 = tpu.vector_load %arg9[%swap3A_755] {strides = array<i32>} : memref<1024xf32, #tpu.memory_space<vmem>>, vector<16xf32>,
    %swap3A_757 = vector.shape_cast %swap3A_756 : vector<16xf32> to vector<16xf32>
    %swap3A_758 = vector.shape_cast %div3A_754 : vector<16xf32> to vector<16xf32>
    tpu.vector_store %arg9[%swap3A_755], %swap3A_758 {strides = array<i32>} : memref<1024xf32, #tpu.memory_space<vmem>>, vector<16xf32>,
    %add3A_759 = arith.addf %add3A_742, %div3A_754 : vector<16xf32>
    %get3A_760 = arith.constant 656 : index
    %get3A_761 = tpu.vector_load %arg8[%get3A_760] {strides = array<i32>} : memref<1024xf32, #tpu.memory_space<vmem>>, vector<16xf32>,
    %get3A_762 = vector.shape_cast %get3A_761 : vector<16xf32> to vector<16xf32>
    %mul3A_763 = arith.constant 6.10351563E-5 : f32
    %mul3A_764 = vector.broadcast %mul3A_763 : f32 to vector<16xf32>
    %mul3A_765 = arith.mulf %get3A_762, %mul3A_764 : vector<16xf32>
    %add3A_766 = arith.constant 9.99999974E-6 : f32
    %add3A_767 = vector.broadcast %add3A_766 : f32 to vector<16xf32>
    %add3A_768 = arith.addf %mul3A_765, %add3A_767 : vector<16xf32>
    %div3A_769 = arith.constant 1.000000e+00 : f32
    %div3A_770 = vector.broadcast %div3A_769 : f32 to vector<16xf32>
    %div3A_771 = arith.divf %div3A_770, %add3A_768 : vector<16xf32>
    %swap3A_772 = arith.constant 656 : index
    %swap3A_773 = tpu.vector_load %arg9[%swap3A_772] {strides = array<i32>} : memref<1024xf32, #tpu.memory_space<vmem>>, vector<16xf32>,
    %swap3A_774 = vector.shape_cast %swap3A_773 : vector<16xf32> to vector<16xf32>
    %swap3A_775 = vector.shape_cast %div3A_771 : vector<16xf32> to vector<16xf32>
    tpu.vector_store %arg9[%swap3A_772], %swap3A_775 {strides = array<i32>} : memref<1024xf32, #tpu.memory_space<vmem>>, vector<16xf32>,
    %add3A_776 = arith.addf %add3A_759, %div3A_771 : vector<16xf32>
    %get3A_777 = arith.constant 672 : index
    %get3A_778 = tpu.vector_load %arg8[%get3A_777] {strides = array<i32>} : memref<1024xf32, #tpu.memory_space<vmem>>, vector<16xf32>,
    %get3A_779 = vector.shape_cast %get3A_778 : vector<16xf32> to vector<16xf32>
    %mul3A_780 = arith.constant 6.10351563E-5 : f32
    %mul3A_781 = vector.broadcast %mul3A_780 : f32 to vector<16xf32>
    %mul3A_782 = arith.mulf %get3A_779, %mul3A_781 : vector<16xf32>
    %add3A_783 = arith.constant 9.99999974E-6 : f32
    %add3A_784 = vector.broadcast %add3A_783 : f32 to vector<16xf32>
    %add3A_785 = arith.addf %mul3A_782, %add3A_784 : vector<16xf32>
    %div3A_786 = arith.constant 1.000000e+00 : f32
    %div3A_787 = vector.broadcast %div3A_786 : f32 to vector<16xf32>
    %div3A_788 = arith.divf %div3A_787, %add3A_785 : vector<16xf32>
    %swap3A_789 = arith.constant 672 : index
    %swap3A_790 = tpu.vector_load %arg9[%swap3A_789] {strides = array<i32>} : memref<1024xf32, #tpu.memory_space<vmem>>, vector<16xf32>,
    %swap3A_791 = vector.shape_cast %swap3A_790 : vector<16xf32> to vector<16xf32>
    %swap3A_792 = vector.shape_cast %div3A_788 : vector<16xf32> to vector<16xf32>
    tpu.vector_store %arg9[%swap3A_789], %swap3A_792 {strides = array<i32>} : memref<1024xf32, #tpu.memory_space<vmem>>, vector<16xf32>,
    %add3A_793 = arith.addf %add3A_776, %div3A_788 : vector<16xf32>
    %get3A_794 = arith.constant 688 : index
    %get3A_795 = tpu.vector_load %arg8[%get3A_794] {strides = array<i32>} : memref<1024xf32, #tpu.memory_space<vmem>>, vector<16xf32>,
    %get3A_796 = vector.shape_cast %get3A_795 : vector<16xf32> to vector<16xf32>
    %mul3A_797 = arith.constant 6.10351563E-5 : f32
    %mul3A_798 = vector.broadcast %mul3A_797 : f32 to vector<16xf32>
    %mul3A_799 = arith.mulf %get3A_796, %mul3A_798 : vector<16xf32>
    %add3A_800 = arith.constant 9.99999974E-6 : f32
    %add3A_801 = vector.broadcast %add3A_800 : f32 to vector<16xf32>
    %add3A_802 = arith.addf %mul3A_799, %add3A_801 : vector<16xf32>
    %div3A_803 = arith.constant 1.000000e+00 : f32
    %div3A_804 = vector.broadcast %div3A_803 : f32 to vector<16xf32>
    %div3A_805 = arith.divf %div3A_804, %add3A_802 : vector<16xf32>
    %swap3A_806 = arith.constant 688 : index
    %swap3A_807 = tpu.vector_load %arg9[%swap3A_806] {strides = array<i32>} : memref<1024xf32, #tpu.memory_space<vmem>>, vector<16xf32>,
    %swap3A_808 = vector.shape_cast %swap3A_807 : vector<16xf32> to vector<16xf32>
    %swap3A_809 = vector.shape_cast %div3A_805 : vector<16xf32> to vector<16xf32>
    tpu.vector_store %arg9[%swap3A_806], %swap3A_809 {strides = array<i32>} : memref<1024xf32, #tpu.memory_space<vmem>>, vector<16xf32>,
    %add3A_810 = arith.addf %add3A_793, %div3A_805 : vector<16xf32>
    %get3A_811 = arith.constant 704 : index
    %get3A_812 = tpu.vector_load %arg8[%get3A_811] {strides = array<i32>} : memref<1024xf32, #tpu.memory_space<vmem>>, vector<16xf32>,
    %get3A_813 = vector.shape_cast %get3A_812 : vector<16xf32> to vector<16xf32>
    %mul3A_814 = arith.constant 6.10351563E-5 : f32
    %mul3A_815 = vector.broadcast %mul3A_814 : f32 to vector<16xf32>
    %mul3A_816 = arith.mulf %get3A_813, %mul3A_815 : vector<16xf32>
    %add3A_817 = arith.constant 9.99999974E-6 : f32
    %add3A_818 = vector.broadcast %add3A_817 : f32 to vector<16xf32>
    %add3A_819 = arith.addf %mul3A_816, %add3A_818 : vector<16xf32>
    %div3A_820 = arith.constant 1.000000e+00 : f32
    %div3A_821 = vector.broadcast %div3A_820 : f32 to vector<16xf32>
    %div3A_822 = arith.divf %div3A_821, %add3A_819 : vector<16xf32>
    %swap3A_823 = arith.constant 704 : index
    %swap3A_824 = tpu.vector_load %arg9[%swap3A_823] {strides = array<i32>} : memref<1024xf32, #tpu.memory_space<vmem>>, vector<16xf32>,
    %swap3A_825 = vector.shape_cast %swap3A_824 : vector<16xf32> to vector<16xf32>
    %swap3A_826 = vector.shape_cast %div3A_822 : vector<16xf32> to vector<16xf32>
    tpu.vector_store %arg9[%swap3A_823], %swap3A_826 {strides = array<i32>} : memref<1024xf32, #tpu.memory_space<vmem>>, vector<16xf32>,
    %add3A_827 = arith.addf %add3A_810, %div3A_822 : vector<16xf32>
    %get3A_828 = arith.constant 720 : index
    %get3A_829 = tpu.vector_load %arg8[%get3A_828] {strides = array<i32>} : memref<1024xf32, #tpu.memory_space<vmem>>, vector<16xf32>,
    %get3A_830 = vector.shape_cast %get3A_829 : vector<16xf32> to vector<16xf32>
    %mul3A_831 = arith.constant 6.10351563E-5 : f32
    %mul3A_832 = vector.broadcast %mul3A_831 : f32 to vector<16xf32>
    %mul3A_833 = arith.mulf %get3A_830, %mul3A_832 : vector<16xf32>
    %add3A_834 = arith.constant 9.99999974E-6 : f32
    %add3A_835 = vector.broadcast %add3A_834 : f32 to vector<16xf32>
    %add3A_836 = arith.addf %mul3A_833, %add3A_835 : vector<16xf32>
    %div3A_837 = arith.constant 1.000000e+00 : f32
    %div3A_838 = vector.broadcast %div3A_837 : f32 to vector<16xf32>
    %div3A_839 = arith.divf %div3A_838, %add3A_836 : vector<16xf32>
    %swap3A_840 = arith.constant 720 : index
    %swap3A_841 = tpu.vector_load %arg9[%swap3A_840] {strides = array<i32>} : memref<1024xf32, #tpu.memory_space<vmem>>, vector<16xf32>,
    %swap3A_842 = vector.shape_cast %swap3A_841 : vector<16xf32> to vector<16xf32>
    %swap3A_843 = vector.shape_cast %div3A_839 : vector<16xf32> to vector<16xf32>
    tpu.vector_store %arg9[%swap3A_840], %swap3A_843 {strides = array<i32>} : memref<1024xf32, #tpu.memory_space<vmem>>, vector<16xf32>,
    %add3A_844 = arith.addf %add3A_827, %div3A_839 : vector<16xf32>
    %get3A_845 = arith.constant 736 : index
    %get3A_846 = tpu.vector_load %arg8[%get3A_845] {strides = array<i32>} : memref<1024xf32, #tpu.memory_space<vmem>>, vector<16xf32>,
    %get3A_847 = vector.shape_cast %get3A_846 : vector<16xf32> to vector<16xf32>
    %mul3A_848 = arith.constant 6.10351563E-5 : f32
    %mul3A_849 = vector.broadcast %mul3A_848 : f32 to vector<16xf32>
    %mul3A_850 = arith.mulf %get3A_847, %mul3A_849 : vector<16xf32>
    %add3A_851 = arith.constant 9.99999974E-6 : f32
    %add3A_852 = vector.broadcast %add3A_851 : f32 to vector<16xf32>
    %add3A_853 = arith.addf %mul3A_850, %add3A_852 : vector<16xf32>
    %div3A_854 = arith.constant 1.000000e+00 : f32
    %div3A_855 = vector.broadcast %div3A_854 : f32 to vector<16xf32>
    %div3A_856 = arith.divf %div3A_855, %add3A_853 : vector<16xf32>
    %swap3A_857 = arith.constant 736 : index
    %swap3A_858 = tpu.vector_load %arg9[%swap3A_857] {strides = array<i32>} : memref<1024xf32, #tpu.memory_space<vmem>>, vector<16xf32>,
    %swap3A_859 = vector.shape_cast %swap3A_858 : vector<16xf32> to vector<16xf32>
    %swap3A_860 = vector.shape_cast %div3A_856 : vector<16xf32> to vector<16xf32>
    tpu.vector_store %arg9[%swap3A_857], %swap3A_860 {strides = array<i32>} : memref<1024xf32, #tpu.memory_space<vmem>>, vector<16xf32>,
    %add3A_861 = arith.addf %add3A_844, %div3A_856 : vector<16xf32>
    %get3A_862 = arith.constant 752 : index
    %get3A_863 = tpu.vector_load %arg8[%get3A_862] {strides = array<i32>} : memref<1024xf32, #tpu.memory_space<vmem>>, vector<16xf32>,
    %get3A_864 = vector.shape_cast %get3A_863 : vector<16xf32> to vector<16xf32>
    %mul3A_865 = arith.constant 6.10351563E-5 : f32
    %mul3A_866 = vector.broadcast %mul3A_865 : f32 to vector<16xf32>
    %mul3A_867 = arith.mulf %get3A_864, %mul3A_866 : vector<16xf32>
    %add3A_868 = arith.constant 9.99999974E-6 : f32
    %add3A_869 = vector.broadcast %add3A_868 : f32 to vector<16xf32>
    %add3A_870 = arith.addf %mul3A_867, %add3A_869 : vector<16xf32>
    %div3A_871 = arith.constant 1.000000e+00 : f32
    %div3A_872 = vector.broadcast %div3A_871 : f32 to vector<16xf32>
    %div3A_873 = arith.divf %div3A_872, %add3A_870 : vector<16xf32>
    %swap3A_874 = arith.constant 752 : index
    %swap3A_875 = tpu.vector_load %arg9[%swap3A_874] {strides = array<i32>} : memref<1024xf32, #tpu.memory_space<vmem>>, vector<16xf32>,
    %swap3A_876 = vector.shape_cast %swap3A_875 : vector<16xf32> to vector<16xf32>
    %swap3A_877 = vector.shape_cast %div3A_873 : vector<16xf32> to vector<16xf32>
    tpu.vector_store %arg9[%swap3A_874], %swap3A_877 {strides = array<i32>} : memref<1024xf32, #tpu.memory_space<vmem>>, vector<16xf32>,
    %add3A_878 = arith.addf %add3A_861, %div3A_873 : vector<16xf32>
    %get3A_879 = arith.constant 768 : index
    %get3A_880 = tpu.vector_load %arg8[%get3A_879] {strides = array<i32>} : memref<1024xf32, #tpu.memory_space<vmem>>, vector<16xf32>,
    %get3A_881 = vector.shape_cast %get3A_880 : vector<16xf32> to vector<16xf32>
    %mul3A_882 = arith.constant 6.10351563E-5 : f32
    %mul3A_883 = vector.broadcast %mul3A_882 : f32 to vector<16xf32>
    %mul3A_884 = arith.mulf %get3A_881, %mul3A_883 : vector<16xf32>
    %add3A_885 = arith.constant 9.99999974E-6 : f32
    %add3A_886 = vector.broadcast %add3A_885 : f32 to vector<16xf32>
    %add3A_887 = arith.addf %mul3A_884, %add3A_886 : vector<16xf32>
    %div3A_888 = arith.constant 1.000000e+00 : f32
    %div3A_889 = vector.broadcast %div3A_888 : f32 to vector<16xf32>
    %div3A_890 = arith.divf %div3A_889, %add3A_887 : vector<16xf32>
    %swap3A_891 = arith.constant 768 : index
    %swap3A_892 = tpu.vector_load %arg9[%swap3A_891] {strides = array<i32>} : memref<1024xf32, #tpu.memory_space<vmem>>, vector<16xf32>,
    %swap3A_893 = vector.shape_cast %swap3A_892 : vector<16xf32> to vector<16xf32>
    %swap3A_894 = vector.shape_cast %div3A_890 : vector<16xf32> to vector<16xf32>
    tpu.vector_store %arg9[%swap3A_891], %swap3A_894 {strides = array<i32>} : memref<1024xf32, #tpu.memory_space<vmem>>, vector<16xf32>,
    %add3A_895 = arith.addf %add3A_878, %div3A_890 : vector<16xf32>
    %get3A_896 = arith.constant 784 : index
    %get3A_897 = tpu.vector_load %arg8[%get3A_896] {strides = array<i32>} : memref<1024xf32, #tpu.memory_space<vmem>>, vector<16xf32>,
    %get3A_898 = vector.shape_cast %get3A_897 : vector<16xf32> to vector<16xf32>
    %mul3A_899 = arith.constant 6.10351563E-5 : f32
    %mul3A_900 = vector.broadcast %mul3A_899 : f32 to vector<16xf32>
    %mul3A_901 = arith.mulf %get3A_898, %mul3A_900 : vector<16xf32>
    %add3A_902 = arith.constant 9.99999974E-6 : f32
    %add3A_903 = vector.broadcast %add3A_902 : f32 to vector<16xf32>
    %add3A_904 = arith.addf %mul3A_901, %add3A_903 : vector<16xf32>
    %div3A_905 = arith.constant 1.000000e+00 : f32
    %div3A_906 = vector.broadcast %div3A_905 : f32 to vector<16xf32>
    %div3A_907 = arith.divf %div3A_906, %add3A_904 : vector<16xf32>
    %swap3A_908 = arith.constant 784 : index
    %swap3A_909 = tpu.vector_load %arg9[%swap3A_908] {strides = array<i32>} : memref<1024xf32, #tpu.memory_space<vmem>>, vector<16xf32>,
    %swap3A_910 = vector.shape_cast %swap3A_909 : vector<16xf32> to vector<16xf32>
    %swap3A_911 = vector.shape_cast %div3A_907 : vector<16xf32> to vector<16xf32>
    tpu.vector_store %arg9[%swap3A_908], %swap3A_911 {strides = array<i32>} : memref<1024xf32, #tpu.memory_space<vmem>>, vector<16xf32>,
    %add3A_912 = arith.addf %add3A_895, %div3A_907 : vector<16xf32>
    %get3A_913 = arith.constant 800 : index
    %get3A_914 = tpu.vector_load %arg8[%get3A_913] {strides = array<i32>} : memref<1024xf32, #tpu.memory_space<vmem>>, vector<16xf32>,
    %get3A_915 = vector.shape_cast %get3A_914 : vector<16xf32> to vector<16xf32>
    %mul3A_916 = arith.constant 6.10351563E-5 : f32
    %mul3A_917 = vector.broadcast %mul3A_916 : f32 to vector<16xf32>
    %mul3A_918 = arith.mulf %get3A_915, %mul3A_917 : vector<16xf32>
    %add3A_919 = arith.constant 9.99999974E-6 : f32
    %add3A_920 = vector.broadcast %add3A_919 : f32 to vector<16xf32>
    %add3A_921 = arith.addf %mul3A_918, %add3A_920 : vector<16xf32>
    %div3A_922 = arith.constant 1.000000e+00 : f32
    %div3A_923 = vector.broadcast %div3A_922 : f32 to vector<16xf32>
    %div3A_924 = arith.divf %div3A_923, %add3A_921 : vector<16xf32>
    %swap3A_925 = arith.constant 800 : index
    %swap3A_926 = tpu.vector_load %arg9[%swap3A_925] {strides = array<i32>} : memref<1024xf32, #tpu.memory_space<vmem>>, vector<16xf32>,
    %swap3A_927 = vector.shape_cast %swap3A_926 : vector<16xf32> to vector<16xf32>
    %swap3A_928 = vector.shape_cast %div3A_924 : vector<16xf32> to vector<16xf32>
    tpu.vector_store %arg9[%swap3A_925], %swap3A_928 {strides = array<i32>} : memref<1024xf32, #tpu.memory_space<vmem>>, vector<16xf32>,
    %add3A_929 = arith.addf %add3A_912, %div3A_924 : vector<16xf32>
    %get3A_930 = arith.constant 816 : index
    %get3A_931 = tpu.vector_load %arg8[%get3A_930] {strides = array<i32>} : memref<1024xf32, #tpu.memory_space<vmem>>, vector<16xf32>,
    %get3A_932 = vector.shape_cast %get3A_931 : vector<16xf32> to vector<16xf32>
    %mul3A_933 = arith.constant 6.10351563E-5 : f32
    %mul3A_934 = vector.broadcast %mul3A_933 : f32 to vector<16xf32>
    %mul3A_935 = arith.mulf %get3A_932, %mul3A_934 : vector<16xf32>
    %add3A_936 = arith.constant 9.99999974E-6 : f32
    %add3A_937 = vector.broadcast %add3A_936 : f32 to vector<16xf32>
    %add3A_938 = arith.addf %mul3A_935, %add3A_937 : vector<16xf32>
    %div3A_939 = arith.constant 1.000000e+00 : f32
    %div3A_940 = vector.broadcast %div3A_939 : f32 to vector<16xf32>
    %div3A_941 = arith.divf %div3A_940, %add3A_938 : vector<16xf32>
    %swap3A_942 = arith.constant 816 : index
    %swap3A_943 = tpu.vector_load %arg9[%swap3A_942] {strides = array<i32>} : memref<1024xf32, #tpu.memory_space<vmem>>, vector<16xf32>,
    %swap3A_944 = vector.shape_cast %swap3A_943 : vector<16xf32> to vector<16xf32>
    %swap3A_945 = vector.shape_cast %div3A_941 : vector<16xf32> to vector<16xf32>
    tpu.vector_store %arg9[%swap3A_942], %swap3A_945 {strides = array<i32>} : memref<1024xf32, #tpu.memory_space<vmem>>, vector<16xf32>,
    %add3A_946 = arith.addf %add3A_929, %div3A_941 : vector<16xf32>
    %get3A_947 = arith.constant 832 : index
    %get3A_948 = tpu.vector_load %arg8[%get3A_947] {strides = array<i32>} : memref<1024xf32, #tpu.memory_space<vmem>>, vector<16xf32>,
    %get3A_949 = vector.shape_cast %get3A_948 : vector<16xf32> to vector<16xf32>
    %mul3A_950 = arith.constant 6.10351563E-5 : f32
    %mul3A_951 = vector.broadcast %mul3A_950 : f32 to vector<16xf32>
    %mul3A_952 = arith.mulf %get3A_949, %mul3A_951 : vector<16xf32>
    %add3A_953 = arith.constant 9.99999974E-6 : f32
    %add3A_954 = vector.broadcast %add3A_953 : f32 to vector<16xf32>
    %add3A_955 = arith.addf %mul3A_952, %add3A_954 : vector<16xf32>
    %div3A_956 = arith.constant 1.000000e+00 : f32
    %div3A_957 = vector.broadcast %div3A_956 : f32 to vector<16xf32>
    %div3A_958 = arith.divf %div3A_957, %add3A_955 : vector<16xf32>
    %swap3A_959 = arith.constant 832 : index
    %swap3A_960 = tpu.vector_load %arg9[%swap3A_959] {strides = array<i32>} : memref<1024xf32, #tpu.memory_space<vmem>>, vector<16xf32>,
    %swap3A_961 = vector.shape_cast %swap3A_960 : vector<16xf32> to vector<16xf32>
    %swap3A_962 = vector.shape_cast %div3A_958 : vector<16xf32> to vector<16xf32>
    tpu.vector_store %arg9[%swap3A_959], %swap3A_962 {strides = array<i32>} : memref<1024xf32, #tpu.memory_space<vmem>>, vector<16xf32>,
    %add3A_963 = arith.addf %add3A_946, %div3A_958 : vector<16xf32>
    %get3A_964 = arith.constant 848 : index
    %get3A_965 = tpu.vector_load %arg8[%get3A_964] {strides = array<i32>} : memref<1024xf32, #tpu.memory_space<vmem>>, vector<16xf32>,
    %get3A_966 = vector.shape_cast %get3A_965 : vector<16xf32> to vector<16xf32>
    %mul3A_967 = arith.constant 6.10351563E-5 : f32
    %mul3A_968 = vector.broadcast %mul3A_967 : f32 to vector<16xf32>
    %mul3A_969 = arith.mulf %get3A_966, %mul3A_968 : vector<16xf32>
    %add3A_970 = arith.constant 9.99999974E-6 : f32
    %add3A_971 = vector.broadcast %add3A_970 : f32 to vector<16xf32>
    %add3A_972 = arith.addf %mul3A_969, %add3A_971 : vector<16xf32>
    %div3A_973 = arith.constant 1.000000e+00 : f32
    %div3A_974 = vector.broadcast %div3A_973 : f32 to vector<16xf32>
    %div3A_975 = arith.divf %div3A_974, %add3A_972 : vector<16xf32>
    %swap3A_976 = arith.constant 848 : index
    %swap3A_977 = tpu.vector_load %arg9[%swap3A_976] {strides = array<i32>} : memref<1024xf32, #tpu.memory_space<vmem>>, vector<16xf32>,
    %swap3A_978 = vector.shape_cast %swap3A_977 : vector<16xf32> to vector<16xf32>
    %swap3A_979 = vector.shape_cast %div3A_975 : vector<16xf32> to vector<16xf32>
    tpu.vector_store %arg9[%swap3A_976], %swap3A_979 {strides = array<i32>} : memref<1024xf32, #tpu.memory_space<vmem>>, vector<16xf32>,
    %add3A_980 = arith.addf %add3A_963, %div3A_975 : vector<16xf32>
    %get3A_981 = arith.constant 864 : index
    %get3A_982 = tpu.vector_load %arg8[%get3A_981] {strides = array<i32>} : memref<1024xf32, #tpu.memory_space<vmem>>, vector<16xf32>,
    %get3A_983 = vector.shape_cast %get3A_982 : vector<16xf32> to vector<16xf32>
    %mul3A_984 = arith.constant 6.10351563E-5 : f32
    %mul3A_985 = vector.broadcast %mul3A_984 : f32 to vector<16xf32>
    %mul3A_986 = arith.mulf %get3A_983, %mul3A_985 : vector<16xf32>
    %add3A_987 = arith.constant 9.99999974E-6 : f32
    %add3A_988 = vector.broadcast %add3A_987 : f32 to vector<16xf32>
    %add3A_989 = arith.addf %mul3A_986, %add3A_988 : vector<16xf32>
    %div3A_990 = arith.constant 1.000000e+00 : f32
    %div3A_991 = vector.broadcast %div3A_990 : f32 to vector<16xf32>
    %div3A_992 = arith.divf %div3A_991, %add3A_989 : vector<16xf32>
    %swap3A_993 = arith.constant 864 : index
    %swap3A_994 = tpu.vector_load %arg9[%swap3A_993] {strides = array<i32>} : memref<1024xf32, #tpu.memory_space<vmem>>, vector<16xf32>,
    %swap3A_995 = vector.shape_cast %swap3A_994 : vector<16xf32> to vector<16xf32>
    %swap3A_996 = vector.shape_cast %div3A_992 : vector<16xf32> to vector<16xf32>
    tpu.vector_store %arg9[%swap3A_993], %swap3A_996 {strides = array<i32>} : memref<1024xf32, #tpu.memory_space<vmem>>, vector<16xf32>,
    %add3A_997 = arith.addf %add3A_980, %div3A_992 : vector<16xf32>
    %get3A_998 = arith.constant 880 : index
    %get3A_999 = tpu.vector_load %arg8[%get3A_998] {strides = array<i32>} : memref<1024xf32, #tpu.memory_space<vmem>>, vector<16xf32>,
    %get3A_1000 = vector.shape_cast %get3A_999 : vector<16xf32> to vector<16xf32>
    %mul3A_1001 = arith.constant 6.10351563E-5 : f32
    %mul3A_1002 = vector.broadcast %mul3A_1001 : f32 to vector<16xf32>
    %mul3A_1003 = arith.mulf %get3A_1000, %mul3A_1002 : vector<16xf32>
    %add3A_1004 = arith.constant 9.99999974E-6 : f32
    %add3A_1005 = vector.broadcast %add3A_1004 : f32 to vector<16xf32>
    %add3A_1006 = arith.addf %mul3A_1003, %add3A_1005 : vector<16xf32>
    %div3A_1007 = arith.constant 1.000000e+00 : f32
    %div3A_1008 = vector.broadcast %div3A_1007 : f32 to vector<16xf32>
    %div3A_1009 = arith.divf %div3A_1008, %add3A_1006 : vector<16xf32>
    %swap3A_1010 = arith.constant 880 : index
    %swap3A_1011 = tpu.vector_load %arg9[%swap3A_1010] {strides = array<i32>} : memref<1024xf32, #tpu.memory_space<vmem>>, vector<16xf32>,
    %swap3A_1012 = vector.shape_cast %swap3A_1011 : vector<16xf32> to vector<16xf32>
    %swap3A_1013 = vector.shape_cast %div3A_1009 : vector<16xf32> to vector<16xf32>
    tpu.vector_store %arg9[%swap3A_1010], %swap3A_1013 {strides = array<i32>} : memref<1024xf32, #tpu.memory_space<vmem>>, vector<16xf32>,
    %add3A_1014 = arith.addf %add3A_997, %div3A_1009 : vector<16xf32>
    %get3A_1015 = arith.constant 896 : index
    %get3A_1016 = tpu.vector_load %arg8[%get3A_1015] {strides = array<i32>} : memref<1024xf32, #tpu.memory_space<vmem>>, vector<16xf32>,
    %get3A_1017 = vector.shape_cast %get3A_1016 : vector<16xf32> to vector<16xf32>
    %mul3A_1018 = arith.constant 6.10351563E-5 : f32
    %mul3A_1019 = vector.broadcast %mul3A_1018 : f32 to vector<16xf32>
    %mul3A_1020 = arith.mulf %get3A_1017, %mul3A_1019 : vector<16xf32>
    %add3A_1021 = arith.constant 9.99999974E-6 : f32
    %add3A_1022 = vector.broadcast %add3A_1021 : f32 to vector<16xf32>
    %add3A_1023 = arith.addf %mul3A_1020, %add3A_1022 : vector<16xf32>
    %div3A_1024 = arith.constant 1.000000e+00 : f32
    %div3A_1025 = vector.broadcast %div3A_1024 : f32 to vector<16xf32>
    %div3A_1026 = arith.divf %div3A_1025, %add3A_1023 : vector<16xf32>
    %swap3A_1027 = arith.constant 896 : index
    %swap3A_1028 = tpu.vector_load %arg9[%swap3A_1027] {strides = array<i32>} : memref<1024xf32, #tpu.memory_space<vmem>>, vector<16xf32>,
    %swap3A_1029 = vector.shape_cast %swap3A_1028 : vector<16xf32> to vector<16xf32>
    %swap3A_1030 = vector.shape_cast %div3A_1026 : vector<16xf32> to vector<16xf32>
    tpu.vector_store %arg9[%swap3A_1027], %swap3A_1030 {strides = array<i32>} : memref<1024xf32, #tpu.memory_space<vmem>>, vector<16xf32>,
    %add3A_1031 = arith.addf %add3A_1014, %div3A_1026 : vector<16xf32>
    %get3A_1032 = arith.constant 912 : index
    %get3A_1033 = tpu.vector_load %arg8[%get3A_1032] {strides = array<i32>} : memref<1024xf32, #tpu.memory_space<vmem>>, vector<16xf32>,
    %get3A_1034 = vector.shape_cast %get3A_1033 : vector<16xf32> to vector<16xf32>
    %mul3A_1035 = arith.constant 6.10351563E-5 : f32
    %mul3A_1036 = vector.broadcast %mul3A_1035 : f32 to vector<16xf32>
    %mul3A_1037 = arith.mulf %get3A_1034, %mul3A_1036 : vector<16xf32>
    %add3A_1038 = arith.constant 9.99999974E-6 : f32
    %add3A_1039 = vector.broadcast %add3A_1038 : f32 to vector<16xf32>
    %add3A_1040 = arith.addf %mul3A_1037, %add3A_1039 : vector<16xf32>
    %div3A_1041 = arith.constant 1.000000e+00 : f32
    %div3A_1042 = vector.broadcast %div3A_1041 : f32 to vector<16xf32>
    %div3A_1043 = arith.divf %div3A_1042, %add3A_1040 : vector<16xf32>
    %swap3A_1044 = arith.constant 912 : index
    %swap3A_1045 = tpu.vector_load %arg9[%swap3A_1044] {strides = array<i32>} : memref<1024xf32, #tpu.memory_space<vmem>>, vector<16xf32>,
    %swap3A_1046 = vector.shape_cast %swap3A_1045 : vector<16xf32> to vector<16xf32>
    %swap3A_1047 = vector.shape_cast %div3A_1043 : vector<16xf32> to vector<16xf32>
    tpu.vector_store %arg9[%swap3A_1044], %swap3A_1047 {strides = array<i32>} : memref<1024xf32, #tpu.memory_space<vmem>>, vector<16xf32>,
    %add3A_1048 = arith.addf %add3A_1031, %div3A_1043 : vector<16xf32>
    %get3A_1049 = arith.constant 928 : index
    %get3A_1050 = tpu.vector_load %arg8[%get3A_1049] {strides = array<i32>} : memref<1024xf32, #tpu.memory_space<vmem>>, vector<16xf32>,
    %get3A_1051 = vector.shape_cast %get3A_1050 : vector<16xf32> to vector<16xf32>
    %mul3A_1052 = arith.constant 6.10351563E-5 : f32
    %mul3A_1053 = vector.broadcast %mul3A_1052 : f32 to vector<16xf32>
    %mul3A_1054 = arith.mulf %get3A_1051, %mul3A_1053 : vector<16xf32>
    %add3A_1055 = arith.constant 9.99999974E-6 : f32
    %add3A_1056 = vector.broadcast %add3A_1055 : f32 to vector<16xf32>
    %add3A_1057 = arith.addf %mul3A_1054, %add3A_1056 : vector<16xf32>
    %div3A_1058 = arith.constant 1.000000e+00 : f32
    %div3A_1059 = vector.broadcast %div3A_1058 : f32 to vector<16xf32>
    %div3A_1060 = arith.divf %div3A_1059, %add3A_1057 : vector<16xf32>
    %swap3A_1061 = arith.constant 928 : index
    %swap3A_1062 = tpu.vector_load %arg9[%swap3A_1061] {strides = array<i32>} : memref<1024xf32, #tpu.memory_space<vmem>>, vector<16xf32>,
    %swap3A_1063 = vector.shape_cast %swap3A_1062 : vector<16xf32> to vector<16xf32>
    %swap3A_1064 = vector.shape_cast %div3A_1060 : vector<16xf32> to vector<16xf32>
    tpu.vector_store %arg9[%swap3A_1061], %swap3A_1064 {strides = array<i32>} : memref<1024xf32, #tpu.memory_space<vmem>>, vector<16xf32>,
    %add3A_1065 = arith.addf %add3A_1048, %div3A_1060 : vector<16xf32>
    %get3A_1066 = arith.constant 944 : index
    %get3A_1067 = tpu.vector_load %arg8[%get3A_1066] {strides = array<i32>} : memref<1024xf32, #tpu.memory_space<vmem>>, vector<16xf32>,
    %get3A_1068 = vector.shape_cast %get3A_1067 : vector<16xf32> to vector<16xf32>
    %mul3A_1069 = arith.constant 6.10351563E-5 : f32
    %mul3A_1070 = vector.broadcast %mul3A_1069 : f32 to vector<16xf32>
    %mul3A_1071 = arith.mulf %get3A_1068, %mul3A_1070 : vector<16xf32>
    %add3A_1072 = arith.constant 9.99999974E-6 : f32
    %add3A_1073 = vector.broadcast %add3A_1072 : f32 to vector<16xf32>
    %add3A_1074 = arith.addf %mul3A_1071, %add3A_1073 : vector<16xf32>
    %div3A_1075 = arith.constant 1.000000e+00 : f32
    %div3A_1076 = vector.broadcast %div3A_1075 : f32 to vector<16xf32>
    %div3A_1077 = arith.divf %div3A_1076, %add3A_1074 : vector<16xf32>
    %swap3A_1078 = arith.constant 944 : index
    %swap3A_1079 = tpu.vector_load %arg9[%swap3A_1078] {strides = array<i32>} : memref<1024xf32, #tpu.memory_space<vmem>>, vector<16xf32>,
    %swap3A_1080 = vector.shape_cast %swap3A_1079 : vector<16xf32> to vector<16xf32>
    %swap3A_1081 = vector.shape_cast %div3A_1077 : vector<16xf32> to vector<16xf32>
    tpu.vector_store %arg9[%swap3A_1078], %swap3A_1081 {strides = array<i32>} : memref<1024xf32, #tpu.memory_space<vmem>>, vector<16xf32>,
    %add3A_1082 = arith.addf %add3A_1065, %div3A_1077 : vector<16xf32>
    %get3A_1083 = arith.constant 960 : index
    %get3A_1084 = tpu.vector_load %arg8[%get3A_1083] {strides = array<i32>} : memref<1024xf32, #tpu.memory_space<vmem>>, vector<16xf32>,
    %get3A_1085 = vector.shape_cast %get3A_1084 : vector<16xf32> to vector<16xf32>
    %mul3A_1086 = arith.constant 6.10351563E-5 : f32
    %mul3A_1087 = vector.broadcast %mul3A_1086 : f32 to vector<16xf32>
    %mul3A_1088 = arith.mulf %get3A_1085, %mul3A_1087 : vector<16xf32>
    %add3A_1089 = arith.constant 9.99999974E-6 : f32
    %add3A_1090 = vector.broadcast %add3A_1089 : f32 to vector<16xf32>
    %add3A_1091 = arith.addf %mul3A_1088, %add3A_1090 : vector<16xf32>
    %div3A_1092 = arith.constant 1.000000e+00 : f32
    %div3A_1093 = vector.broadcast %div3A_1092 : f32 to vector<16xf32>
    %div3A_1094 = arith.divf %div3A_1093, %add3A_1091 : vector<16xf32>
    %swap3A_1095 = arith.constant 960 : index
    %swap3A_1096 = tpu.vector_load %arg9[%swap3A_1095] {strides = array<i32>} : memref<1024xf32, #tpu.memory_space<vmem>>, vector<16xf32>,
    %swap3A_1097 = vector.shape_cast %swap3A_1096 : vector<16xf32> to vector<16xf32>
    %swap3A_1098 = vector.shape_cast %div3A_1094 : vector<16xf32> to vector<16xf32>
    tpu.vector_store %arg9[%swap3A_1095], %swap3A_1098 {strides = array<i32>} : memref<1024xf32, #tpu.memory_space<vmem>>, vector<16xf32>,
    %add3A_1099 = arith.addf %add3A_1082, %div3A_1094 : vector<16xf32>
    %get3A_1100 = arith.constant 976 : index
    %get3A_1101 = tpu.vector_load %arg8[%get3A_1100] {strides = array<i32>} : memref<1024xf32, #tpu.memory_space<vmem>>, vector<16xf32>,
    %get3A_1102 = vector.shape_cast %get3A_1101 : vector<16xf32> to vector<16xf32>
    %mul3A_1103 = arith.constant 6.10351563E-5 : f32
    %mul3A_1104 = vector.broadcast %mul3A_1103 : f32 to vector<16xf32>
    %mul3A_1105 = arith.mulf %get3A_1102, %mul3A_1104 : vector<16xf32>
    %add3A_1106 = arith.constant 9.99999974E-6 : f32
    %add3A_1107 = vector.broadcast %add3A_1106 : f32 to vector<16xf32>
    %add3A_1108 = arith.addf %mul3A_1105, %add3A_1107 : vector<16xf32>
    %div3A_1109 = arith.constant 1.000000e+00 : f32
    %div3A_1110 = vector.broadcast %div3A_1109 : f32 to vector<16xf32>
    %div3A_1111 = arith.divf %div3A_1110, %add3A_1108 : vector<16xf32>
    %swap3A_1112 = arith.constant 976 : index
    %swap3A_1113 = tpu.vector_load %arg9[%swap3A_1112] {strides = array<i32>} : memref<1024xf32, #tpu.memory_space<vmem>>, vector<16xf32>,
    %swap3A_1114 = vector.shape_cast %swap3A_1113 : vector<16xf32> to vector<16xf32>
    %swap3A_1115 = vector.shape_cast %div3A_1111 : vector<16xf32> to vector<16xf32>
    tpu.vector_store %arg9[%swap3A_1112], %swap3A_1115 {strides = array<i32>} : memref<1024xf32, #tpu.memory_space<vmem>>, vector<16xf32>,
    %add3A_1116 = arith.addf %add3A_1099, %div3A_1111 : vector<16xf32>
    %get3A_1117 = arith.constant 992 : index
    %get3A_1118 = tpu.vector_load %arg8[%get3A_1117] {strides = array<i32>} : memref<1024xf32, #tpu.memory_space<vmem>>, vector<16xf32>,
    %get3A_1119 = vector.shape_cast %get3A_1118 : vector<16xf32> to vector<16xf32>
    %mul3A_1120 = arith.constant 6.10351563E-5 : f32
    %mul3A_1121 = vector.broadcast %mul3A_1120 : f32 to vector<16xf32>
    %mul3A_1122 = arith.mulf %get3A_1119, %mul3A_1121 : vector<16xf32>
    %add3A_1123 = arith.constant 9.99999974E-6 : f32
    %add3A_1124 = vector.broadcast %add3A_1123 : f32 to vector<16xf32>
    %add3A_1125 = arith.addf %mul3A_1122, %add3A_1124 : vector<16xf32>
    %div3A_1126 = arith.constant 1.000000e+00 : f32
    %div3A_1127 = vector.broadcast %div3A_1126 : f32 to vector<16xf32>
    %div3A_1128 = arith.divf %div3A_1127, %add3A_1125 : vector<16xf32>
    %swap3A_1129 = arith.constant 992 : index
    %swap3A_1130 = tpu.vector_load %arg9[%swap3A_1129] {strides = array<i32>} : memref<1024xf32, #tpu.memory_space<vmem>>, vector<16xf32>,
    %swap3A_1131 = vector.shape_cast %swap3A_1130 : vector<16xf32> to vector<16xf32>
    %swap3A_1132 = vector.shape_cast %div3A_1128 : vector<16xf32> to vector<16xf32>
    tpu.vector_store %arg9[%swap3A_1129], %swap3A_1132 {strides = array<i32>} : memref<1024xf32, #tpu.memory_space<vmem>>, vector<16xf32>,
    %add3A_1133 = arith.addf %add3A_1116, %div3A_1128 : vector<16xf32>
    %get3A_1134 = arith.constant 1008 : index
    %get3A_1135 = tpu.vector_load %arg8[%get3A_1134] {strides = array<i32>} : memref<1024xf32, #tpu.memory_space<vmem>>, vector<16xf32>,
    %get3A_1136 = vector.shape_cast %get3A_1135 : vector<16xf32> to vector<16xf32>
    %mul3A_1137 = arith.constant 6.10351563E-5 : f32
    %mul3A_1138 = vector.broadcast %mul3A_1137 : f32 to vector<16xf32>
    %mul3A_1139 = arith.mulf %get3A_1136, %mul3A_1138 : vector<16xf32>
    %add3A_1140 = arith.constant 9.99999974E-6 : f32
    %add3A_1141 = vector.broadcast %add3A_1140 : f32 to vector<16xf32>
    %add3A_1142 = arith.addf %mul3A_1139, %add3A_1141 : vector<16xf32>
    %div3A_1143 = arith.constant 1.000000e+00 : f32
    %div3A_1144 = vector.broadcast %div3A_1143 : f32 to vector<16xf32>
    %div3A_1145 = arith.divf %div3A_1144, %add3A_1142 : vector<16xf32>
    %swap3A_1146 = arith.constant 1008 : index
    %swap3A_1147 = tpu.vector_load %arg9[%swap3A_1146] {strides = array<i32>} : memref<1024xf32, #tpu.memory_space<vmem>>, vector<16xf32>,
    %swap3A_1148 = vector.shape_cast %swap3A_1147 : vector<16xf32> to vector<16xf32>
    %swap3A_1149 = vector.shape_cast %div3A_1145 : vector<16xf32> to vector<16xf32>
    tpu.vector_store %arg9[%swap3A_1146], %swap3A_1149 {strides = array<i32>} : memref<1024xf32, #tpu.memory_space<vmem>>, vector<16xf32>,
    %add3A_1150 = arith.addf %add3A_1133, %div3A_1145 : vector<16xf32>
    %slice3A = vector.extract_strided_slice %add3A_1150 {offsets = [0], sizes = [1], strides = [1]} : vector<16xf32> to vector<1xf32>
    %squeeze3A = vector.extract %slice3A[0] : f32 from vector<1xf32>
    %slice3A_1151 = vector.extract_strided_slice %add3A_1150 {offsets = [1], sizes = [1], strides = [1]} : vector<16xf32> to vector<1xf32>
    %squeeze3A_1152 = vector.extract %slice3A_1151[0] : f32 from vector<1xf32>
    %add3A_1153 = arith.addf %squeeze3A, %squeeze3A_1152 : f32
    %slice3A_1154 = vector.extract_strided_slice %add3A_1150 {offsets = [2], sizes = [1], strides = [1]} : vector<16xf32> to vector<1xf32>
    %squeeze3A_1155 = vector.extract %slice3A_1154[0] : f32 from vector<1xf32>
    %add3A_1156 = arith.addf %add3A_1153, %squeeze3A_1155 : f32
    %slice3A_1157 = vector.extract_strided_slice %add3A_1150 {offsets = [3], sizes = [1], strides = [1]} : vector<16xf32> to vector<1xf32>
    %squeeze3A_1158 = vector.extract %slice3A_1157[0] : f32 from vector<1xf32>
    %add3A_1159 = arith.addf %add3A_1156, %squeeze3A_1158 : f32
    %slice3A_1160 = vector.extract_strided_slice %add3A_1150 {offsets = [4], sizes = [1], strides = [1]} : vector<16xf32> to vector<1xf32>
    %squeeze3A_1161 = vector.extract %slice3A_1160[0] : f32 from vector<1xf32>
    %add3A_1162 = arith.addf %add3A_1159, %squeeze3A_1161 : f32
    %slice3A_1163 = vector.extract_strided_slice %add3A_1150 {offsets = [5], sizes = [1], strides = [1]} : vector<16xf32> to vector<1xf32>
    %squeeze3A_1164 = vector.extract %slice3A_1163[0] : f32 from vector<1xf32>
    %add3A_1165 = arith.addf %add3A_1162, %squeeze3A_1164 : f32
    %slice3A_1166 = vector.extract_strided_slice %add3A_1150 {offsets = [6], sizes = [1], strides = [1]} : vector<16xf32> to vector<1xf32>
    %squeeze3A_1167 = vector.extract %slice3A_1166[0] : f32 from vector<1xf32>
    %add3A_1168 = arith.addf %add3A_1165, %squeeze3A_1167 : f32
    %slice3A_1169 = vector.extract_strided_slice %add3A_1150 {offsets = [7], sizes = [1], strides = [1]} : vector<16xf32> to vector<1xf32>
    %squeeze3A_1170 = vector.extract %slice3A_1169[0] : f32 from vector<1xf32>
    %add3A_1171 = arith.addf %add3A_1168, %squeeze3A_1170 : f32
    %slice3A_1172 = vector.extract_strided_slice %add3A_1150 {offsets = [8], sizes = [1], strides = [1]} : vector<16xf32> to vector<1xf32>
    %squeeze3A_1173 = vector.extract %slice3A_1172[0] : f32 from vector<1xf32>
    %add3A_1174 = arith.addf %add3A_1171, %squeeze3A_1173 : f32
    %slice3A_1175 = vector.extract_strided_slice %add3A_1150 {offsets = [9], sizes = [1], strides = [1]} : vector<16xf32> to vector<1xf32>
    %squeeze3A_1176 = vector.extract %slice3A_1175[0] : f32 from vector<1xf32>
    %add3A_1177 = arith.addf %add3A_1174, %squeeze3A_1176 : f32
    %slice3A_1178 = vector.extract_strided_slice %add3A_1150 {offsets = [10], sizes = [1], strides = [1]} : vector<16xf32> to vector<1xf32>
    %squeeze3A_1179 = vector.extract %slice3A_1178[0] : f32 from vector<1xf32>
    %add3A_1180 = arith.addf %add3A_1177, %squeeze3A_1179 : f32
    %slice3A_1181 = vector.extract_strided_slice %add3A_1150 {offsets = [11], sizes = [1], strides = [1]} : vector<16xf32> to vector<1xf32>
    %squeeze3A_1182 = vector.extract %slice3A_1181[0] : f32 from vector<1xf32>
    %add3A_1183 = arith.addf %add3A_1180, %squeeze3A_1182 : f32
    %slice3A_1184 = vector.extract_strided_slice %add3A_1150 {offsets = [12], sizes = [1], strides = [1]} : vector<16xf32> to vector<1xf32>
    %squeeze3A_1185 = vector.extract %slice3A_1184[0] : f32 from vector<1xf32>
    %add3A_1186 = arith.addf %add3A_1183, %squeeze3A_1185 : f32
    %slice3A_1187 = vector.extract_strided_slice %add3A_1150 {offsets = [13], sizes = [1], strides = [1]} : vector<16xf32> to vector<1xf32>
    %squeeze3A_1188 = vector.extract %slice3A_1187[0] : f32 from vector<1xf32>
    %add3A_1189 = arith.addf %add3A_1186, %squeeze3A_1188 : f32
    %slice3A_1190 = vector.extract_strided_slice %add3A_1150 {offsets = [14], sizes = [1], strides = [1]} : vector<16xf32> to vector<1xf32>
    %squeeze3A_1191 = vector.extract %slice3A_1190[0] : f32 from vector<1xf32>
    %add3A_1192 = arith.addf %add3A_1189, %squeeze3A_1191 : f32
    %slice3A_1193 = vector.extract_strided_slice %add3A_1150 {offsets = [15], sizes = [1], strides = [1]} : vector<16xf32> to vector<1xf32>
    %squeeze3A_1194 = vector.extract %slice3A_1193[0] : f32 from vector<1xf32>
    %add3A_1195 = arith.addf %add3A_1192, %squeeze3A_1194 : f32
    %broadcast_in_dim3A_1196 = arith.constant 1.000000e+00 : f32
    %broadcast_in_dim3A_1197 = vector.broadcast %broadcast_in_dim3A_1196 : f32 to vector<16xf32>
    %mul3A_1198 = vector.broadcast %add3A_1195 : f32 to vector<16xf32>
    %mul3A_1199 = arith.mulf %broadcast_in_dim3A_1197, %mul3A_1198 : vector<16xf32>
    %div3A_1200 = arith.constant 1.000000e+00 : f32
    %div3A_1201 = vector.broadcast %div3A_1200 : f32 to vector<16xf32>
    %div3A_1202 = arith.divf %div3A_1201, %mul3A_1199 : vector<16xf32>
    %get3A_1203 = arith.constant 0 : index
    %get3A_1204 = tpu.vector_load %arg9[%get3A_1203] {strides = array<i32>} : memref<1024xf32, #tpu.memory_space<vmem>>, vector<16xf32>,
    %get3A_1205 = vector.shape_cast %get3A_1204 : vector<16xf32> to vector<16xf32>
    %mul3A_1206 = arith.mulf %get3A_1205, %div3A_1202 : vector<16xf32>
    %swap3A_1207 = arith.constant 0 : index
    %swap3A_1208 = tpu.vector_load %arg9[%swap3A_1207] {strides = array<i32>} : memref<1024xf32, #tpu.memory_space<vmem>>, vector<16xf32>,
    %swap3A_1209 = vector.shape_cast %swap3A_1208 : vector<16xf32> to vector<16xf32>
    %swap3A_1210 = vector.shape_cast %mul3A_1206 : vector<16xf32> to vector<16xf32>
    tpu.vector_store %arg9[%swap3A_1207], %swap3A_1210 {strides = array<i32>} : memref<1024xf32, #tpu.memory_space<vmem>>, vector<16xf32>,
    %get3A_1211 = arith.constant 16 : index
    %get3A_1212 = tpu.vector_load %arg9[%get3A_1211] {strides = array<i32>} : memref<1024xf32, #tpu.memory_space<vmem>>, vector<16xf32>,
    %get3A_1213 = vector.shape_cast %get3A_1212 : vector<16xf32> to vector<16xf32>
    %mul3A_1214 = arith.mulf %get3A_1213, %div3A_1202 : vector<16xf32>
    %swap3A_1215 = arith.constant 16 : index
    %swap3A_1216 = tpu.vector_load %arg9[%swap3A_1215] {strides = array<i32>} : memref<1024xf32, #tpu.memory_space<vmem>>, vector<16xf32>,
    %swap3A_1217 = vector.shape_cast %swap3A_1216 : vector<16xf32> to vector<16xf32>
    %swap3A_1218 = vector.shape_cast %mul3A_1214 : vector<16xf32> to vector<16xf32>
    tpu.vector_store %arg9[%swap3A_1215], %swap3A_1218 {strides = array<i32>} : memref<1024xf32, #tpu.memory_space<vmem>>, vector<16xf32>,
    %get3A_1219 = arith.constant 32 : index
    %get3A_1220 = tpu.vector_load %arg9[%get3A_1219] {strides = array<i32>} : memref<1024xf32, #tpu.memory_space<vmem>>, vector<16xf32>,
    %get3A_1221 = vector.shape_cast %get3A_1220 : vector<16xf32> to vector<16xf32>
    %mul3A_1222 = arith.mulf %get3A_1221, %div3A_1202 : vector<16xf32>
    %swap3A_1223 = arith.constant 32 : index
    %swap3A_1224 = tpu.vector_load %arg9[%swap3A_1223] {strides = array<i32>} : memref<1024xf32, #tpu.memory_space<vmem>>, vector<16xf32>,
    %swap3A_1225 = vector.shape_cast %swap3A_1224 : vector<16xf32> to vector<16xf32>
    %swap3A_1226 = vector.shape_cast %mul3A_1222 : vector<16xf32> to vector<16xf32>
    tpu.vector_store %arg9[%swap3A_1223], %swap3A_1226 {strides = array<i32>} : memref<1024xf32, #tpu.memory_space<vmem>>, vector<16xf32>,
    %get3A_1227 = arith.constant 48 : index
    %get3A_1228 = tpu.vector_load %arg9[%get3A_1227] {strides = array<i32>} : memref<1024xf32, #tpu.memory_space<vmem>>, vector<16xf32>,
    %get3A_1229 = vector.shape_cast %get3A_1228 : vector<16xf32> to vector<16xf32>
    %mul3A_1230 = arith.mulf %get3A_1229, %div3A_1202 : vector<16xf32>
    %swap3A_1231 = arith.constant 48 : index
    %swap3A_1232 = tpu.vector_load %arg9[%swap3A_1231] {strides = array<i32>} : memref<1024xf32, #tpu.memory_space<vmem>>, vector<16xf32>,
    %swap3A_1233 = vector.shape_cast %swap3A_1232 : vector<16xf32> to vector<16xf32>
    %swap3A_1234 = vector.shape_cast %mul3A_1230 : vector<16xf32> to vector<16xf32>
    tpu.vector_store %arg9[%swap3A_1231], %swap3A_1234 {strides = array<i32>} : memref<1024xf32, #tpu.memory_space<vmem>>, vector<16xf32>,
    %get3A_1235 = arith.constant 64 : index
    %get3A_1236 = tpu.vector_load %arg9[%get3A_1235] {strides = array<i32>} : memref<1024xf32, #tpu.memory_space<vmem>>, vector<16xf32>,
    %get3A_1237 = vector.shape_cast %get3A_1236 : vector<16xf32> to vector<16xf32>
    %mul3A_1238 = arith.mulf %get3A_1237, %div3A_1202 : vector<16xf32>
    %swap3A_1239 = arith.constant 64 : index
    %swap3A_1240 = tpu.vector_load %arg9[%swap3A_1239] {strides = array<i32>} : memref<1024xf32, #tpu.memory_space<vmem>>, vector<16xf32>,
    %swap3A_1241 = vector.shape_cast %swap3A_1240 : vector<16xf32> to vector<16xf32>
    %swap3A_1242 = vector.shape_cast %mul3A_1238 : vector<16xf32> to vector<16xf32>
    tpu.vector_store %arg9[%swap3A_1239], %swap3A_1242 {strides = array<i32>} : memref<1024xf32, #tpu.memory_space<vmem>>, vector<16xf32>,
    %get3A_1243 = arith.constant 80 : index
    %get3A_1244 = tpu.vector_load %arg9[%get3A_1243] {strides = array<i32>} : memref<1024xf32, #tpu.memory_space<vmem>>, vector<16xf32>,
    %get3A_1245 = vector.shape_cast %get3A_1244 : vector<16xf32> to vector<16xf32>
    %mul3A_1246 = arith.mulf %get3A_1245, %div3A_1202 : vector<16xf32>
    %swap3A_1247 = arith.constant 80 : index
    %swap3A_1248 = tpu.vector_load %arg9[%swap3A_1247] {strides = array<i32>} : memref<1024xf32, #tpu.memory_space<vmem>>, vector<16xf32>,
    %swap3A_1249 = vector.shape_cast %swap3A_1248 : vector<16xf32> to vector<16xf32>
    %swap3A_1250 = vector.shape_cast %mul3A_1246 : vector<16xf32> to vector<16xf32>
    tpu.vector_store %arg9[%swap3A_1247], %swap3A_1250 {strides = array<i32>} : memref<1024xf32, #tpu.memory_space<vmem>>, vector<16xf32>,
    %get3A_1251 = arith.constant 96 : index
    %get3A_1252 = tpu.vector_load %arg9[%get3A_1251] {strides = array<i32>} : memref<1024xf32, #tpu.memory_space<vmem>>, vector<16xf32>,
    %get3A_1253 = vector.shape_cast %get3A_1252 : vector<16xf32> to vector<16xf32>
    %mul3A_1254 = arith.mulf %get3A_1253, %div3A_1202 : vector<16xf32>
    %swap3A_1255 = arith.constant 96 : index
    %swap3A_1256 = tpu.vector_load %arg9[%swap3A_1255] {strides = array<i32>} : memref<1024xf32, #tpu.memory_space<vmem>>, vector<16xf32>,
    %swap3A_1257 = vector.shape_cast %swap3A_1256 : vector<16xf32> to vector<16xf32>
    %swap3A_1258 = vector.shape_cast %mul3A_1254 : vector<16xf32> to vector<16xf32>
    tpu.vector_store %arg9[%swap3A_1255], %swap3A_1258 {strides = array<i32>} : memref<1024xf32, #tpu.memory_space<vmem>>, vector<16xf32>,
    %get3A_1259 = arith.constant 112 : index
    %get3A_1260 = tpu.vector_load %arg9[%get3A_1259] {strides = array<i32>} : memref<1024xf32, #tpu.memory_space<vmem>>, vector<16xf32>,
    %get3A_1261 = vector.shape_cast %get3A_1260 : vector<16xf32> to vector<16xf32>
    %mul3A_1262 = arith.mulf %get3A_1261, %div3A_1202 : vector<16xf32>
    %swap3A_1263 = arith.constant 112 : index
    %swap3A_1264 = tpu.vector_load %arg9[%swap3A_1263] {strides = array<i32>} : memref<1024xf32, #tpu.memory_space<vmem>>, vector<16xf32>,
    %swap3A_1265 = vector.shape_cast %swap3A_1264 : vector<16xf32> to vector<16xf32>
    %swap3A_1266 = vector.shape_cast %mul3A_1262 : vector<16xf32> to vector<16xf32>
    tpu.vector_store %arg9[%swap3A_1263], %swap3A_1266 {strides = array<i32>} : memref<1024xf32, #tpu.memory_space<vmem>>, vector<16xf32>,
    %get3A_1267 = arith.constant 128 : index
    %get3A_1268 = tpu.vector_load %arg9[%get3A_1267] {strides = array<i32>} : memref<1024xf32, #tpu.memory_space<vmem>>, vector<16xf32>,
    %get3A_1269 = vector.shape_cast %get3A_1268 : vector<16xf32> to vector<16xf32>
    %mul3A_1270 = arith.mulf %get3A_1269, %div3A_1202 : vector<16xf32>
    %swap3A_1271 = arith.constant 128 : index
    %swap3A_1272 = tpu.vector_load %arg9[%swap3A_1271] {strides = array<i32>} : memref<1024xf32, #tpu.memory_space<vmem>>, vector<16xf32>,
    %swap3A_1273 = vector.shape_cast %swap3A_1272 : vector<16xf32> to vector<16xf32>
    %swap3A_1274 = vector.shape_cast %mul3A_1270 : vector<16xf32> to vector<16xf32>
    tpu.vector_store %arg9[%swap3A_1271], %swap3A_1274 {strides = array<i32>} : memref<1024xf32, #tpu.memory_space<vmem>>, vector<16xf32>,
    %get3A_1275 = arith.constant 144 : index
    %get3A_1276 = tpu.vector_load %arg9[%get3A_1275] {strides = array<i32>} : memref<1024xf32, #tpu.memory_space<vmem>>, vector<16xf32>,
    %get3A_1277 = vector.shape_cast %get3A_1276 : vector<16xf32> to vector<16xf32>
    %mul3A_1278 = arith.mulf %get3A_1277, %div3A_1202 : vector<16xf32>
    %swap3A_1279 = arith.constant 144 : index
    %swap3A_1280 = tpu.vector_load %arg9[%swap3A_1279] {strides = array<i32>} : memref<1024xf32, #tpu.memory_space<vmem>>, vector<16xf32>,
    %swap3A_1281 = vector.shape_cast %swap3A_1280 : vector<16xf32> to vector<16xf32>
    %swap3A_1282 = vector.shape_cast %mul3A_1278 : vector<16xf32> to vector<16xf32>
    tpu.vector_store %arg9[%swap3A_1279], %swap3A_1282 {strides = array<i32>} : memref<1024xf32, #tpu.memory_space<vmem>>, vector<16xf32>,
    %get3A_1283 = arith.constant 160 : index
    %get3A_1284 = tpu.vector_load %arg9[%get3A_1283] {strides = array<i32>} : memref<1024xf32, #tpu.memory_space<vmem>>, vector<16xf32>,
    %get3A_1285 = vector.shape_cast %get3A_1284 : vector<16xf32> to vector<16xf32>
    %mul3A_1286 = arith.mulf %get3A_1285, %div3A_1202 : vector<16xf32>
    %swap3A_1287 = arith.constant 160 : index
    %swap3A_1288 = tpu.vector_load %arg9[%swap3A_1287] {strides = array<i32>} : memref<1024xf32, #tpu.memory_space<vmem>>, vector<16xf32>,
    %swap3A_1289 = vector.shape_cast %swap3A_1288 : vector<16xf32> to vector<16xf32>
    %swap3A_1290 = vector.shape_cast %mul3A_1286 : vector<16xf32> to vector<16xf32>
    tpu.vector_store %arg9[%swap3A_1287], %swap3A_1290 {strides = array<i32>} : memref<1024xf32, #tpu.memory_space<vmem>>, vector<16xf32>,
    %get3A_1291 = arith.constant 176 : index
    %get3A_1292 = tpu.vector_load %arg9[%get3A_1291] {strides = array<i32>} : memref<1024xf32, #tpu.memory_space<vmem>>, vector<16xf32>,
    %get3A_1293 = vector.shape_cast %get3A_1292 : vector<16xf32> to vector<16xf32>
    %mul3A_1294 = arith.mulf %get3A_1293, %div3A_1202 : vector<16xf32>
    %swap3A_1295 = arith.constant 176 : index
    %swap3A_1296 = tpu.vector_load %arg9[%swap3A_1295] {strides = array<i32>} : memref<1024xf32, #tpu.memory_space<vmem>>, vector<16xf32>,
    %swap3A_1297 = vector.shape_cast %swap3A_1296 : vector<16xf32> to vector<16xf32>
    %swap3A_1298 = vector.shape_cast %mul3A_1294 : vector<16xf32> to vector<16xf32>
    tpu.vector_store %arg9[%swap3A_1295], %swap3A_1298 {strides = array<i32>} : memref<1024xf32, #tpu.memory_space<vmem>>, vector<16xf32>,
    %get3A_1299 = arith.constant 192 : index
    %get3A_1300 = tpu.vector_load %arg9[%get3A_1299] {strides = array<i32>} : memref<1024xf32, #tpu.memory_space<vmem>>, vector<16xf32>,
    %get3A_1301 = vector.shape_cast %get3A_1300 : vector<16xf32> to vector<16xf32>
    %mul3A_1302 = arith.mulf %get3A_1301, %div3A_1202 : vector<16xf32>
    %swap3A_1303 = arith.constant 192 : index
    %swap3A_1304 = tpu.vector_load %arg9[%swap3A_1303] {strides = array<i32>} : memref<1024xf32, #tpu.memory_space<vmem>>, vector<16xf32>,
    %swap3A_1305 = vector.shape_cast %swap3A_1304 : vector<16xf32> to vector<16xf32>
    %swap3A_1306 = vector.shape_cast %mul3A_1302 : vector<16xf32> to vector<16xf32>
    tpu.vector_store %arg9[%swap3A_1303], %swap3A_1306 {strides = array<i32>} : memref<1024xf32, #tpu.memory_space<vmem>>, vector<16xf32>,
    %get3A_1307 = arith.constant 208 : index
    %get3A_1308 = tpu.vector_load %arg9[%get3A_1307] {strides = array<i32>} : memref<1024xf32, #tpu.memory_space<vmem>>, vector<16xf32>,
    %get3A_1309 = vector.shape_cast %get3A_1308 : vector<16xf32> to vector<16xf32>
    %mul3A_1310 = arith.mulf %get3A_1309, %div3A_1202 : vector<16xf32>
    %swap3A_1311 = arith.constant 208 : index
    %swap3A_1312 = tpu.vector_load %arg9[%swap3A_1311] {strides = array<i32>} : memref<1024xf32, #tpu.memory_space<vmem>>, vector<16xf32>,
    %swap3A_1313 = vector.shape_cast %swap3A_1312 : vector<16xf32> to vector<16xf32>
    %swap3A_1314 = vector.shape_cast %mul3A_1310 : vector<16xf32> to vector<16xf32>
    tpu.vector_store %arg9[%swap3A_1311], %swap3A_1314 {strides = array<i32>} : memref<1024xf32, #tpu.memory_space<vmem>>, vector<16xf32>,
    %get3A_1315 = arith.constant 224 : index
    %get3A_1316 = tpu.vector_load %arg9[%get3A_1315] {strides = array<i32>} : memref<1024xf32, #tpu.memory_space<vmem>>, vector<16xf32>,
    %get3A_1317 = vector.shape_cast %get3A_1316 : vector<16xf32> to vector<16xf32>
    %mul3A_1318 = arith.mulf %get3A_1317, %div3A_1202 : vector<16xf32>
    %swap3A_1319 = arith.constant 224 : index
    %swap3A_1320 = tpu.vector_load %arg9[%swap3A_1319] {strides = array<i32>} : memref<1024xf32, #tpu.memory_space<vmem>>, vector<16xf32>,
    %swap3A_1321 = vector.shape_cast %swap3A_1320 : vector<16xf32> to vector<16xf32>
    %swap3A_1322 = vector.shape_cast %mul3A_1318 : vector<16xf32> to vector<16xf32>
    tpu.vector_store %arg9[%swap3A_1319], %swap3A_1322 {strides = array<i32>} : memref<1024xf32, #tpu.memory_space<vmem>>, vector<16xf32>,
    %get3A_1323 = arith.constant 240 : index
    %get3A_1324 = tpu.vector_load %arg9[%get3A_1323] {strides = array<i32>} : memref<1024xf32, #tpu.memory_space<vmem>>, vector<16xf32>,
    %get3A_1325 = vector.shape_cast %get3A_1324 : vector<16xf32> to vector<16xf32>
    %mul3A_1326 = arith.mulf %get3A_1325, %div3A_1202 : vector<16xf32>
    %swap3A_1327 = arith.constant 240 : index
    %swap3A_1328 = tpu.vector_load %arg9[%swap3A_1327] {strides = array<i32>} : memref<1024xf32, #tpu.memory_space<vmem>>, vector<16xf32>,
    %swap3A_1329 = vector.shape_cast %swap3A_1328 : vector<16xf32> to vector<16xf32>
    %swap3A_1330 = vector.shape_cast %mul3A_1326 : vector<16xf32> to vector<16xf32>
    tpu.vector_store %arg9[%swap3A_1327], %swap3A_1330 {strides = array<i32>} : memref<1024xf32, #tpu.memory_space<vmem>>, vector<16xf32>,
    %get3A_1331 = arith.constant 256 : index
    %get3A_1332 = tpu.vector_load %arg9[%get3A_1331] {strides = array<i32>} : memref<1024xf32, #tpu.memory_space<vmem>>, vector<16xf32>,
    %get3A_1333 = vector.shape_cast %get3A_1332 : vector<16xf32> to vector<16xf32>
    %mul3A_1334 = arith.mulf %get3A_1333, %div3A_1202 : vector<16xf32>
    %swap3A_1335 = arith.constant 256 : index
    %swap3A_1336 = tpu.vector_load %arg9[%swap3A_1335] {strides = array<i32>} : memref<1024xf32, #tpu.memory_space<vmem>>, vector<16xf32>,
    %swap3A_1337 = vector.shape_cast %swap3A_1336 : vector<16xf32> to vector<16xf32>
    %swap3A_1338 = vector.shape_cast %mul3A_1334 : vector<16xf32> to vector<16xf32>
    tpu.vector_store %arg9[%swap3A_1335], %swap3A_1338 {strides = array<i32>} : memref<1024xf32, #tpu.memory_space<vmem>>, vector<16xf32>,
    %get3A_1339 = arith.constant 272 : index
    %get3A_1340 = tpu.vector_load %arg9[%get3A_1339] {strides = array<i32>} : memref<1024xf32, #tpu.memory_space<vmem>>, vector<16xf32>,
    %get3A_1341 = vector.shape_cast %get3A_1340 : vector<16xf32> to vector<16xf32>
    %mul3A_1342 = arith.mulf %get3A_1341, %div3A_1202 : vector<16xf32>
    %swap3A_1343 = arith.constant 272 : index
    %swap3A_1344 = tpu.vector_load %arg9[%swap3A_1343] {strides = array<i32>} : memref<1024xf32, #tpu.memory_space<vmem>>, vector<16xf32>,
    %swap3A_1345 = vector.shape_cast %swap3A_1344 : vector<16xf32> to vector<16xf32>
    %swap3A_1346 = vector.shape_cast %mul3A_1342 : vector<16xf32> to vector<16xf32>
    tpu.vector_store %arg9[%swap3A_1343], %swap3A_1346 {strides = array<i32>} : memref<1024xf32, #tpu.memory_space<vmem>>, vector<16xf32>,
    %get3A_1347 = arith.constant 288 : index
    %get3A_1348 = tpu.vector_load %arg9[%get3A_1347] {strides = array<i32>} : memref<1024xf32, #tpu.memory_space<vmem>>, vector<16xf32>,
    %get3A_1349 = vector.shape_cast %get3A_1348 : vector<16xf32> to vector<16xf32>
    %mul3A_1350 = arith.mulf %get3A_1349, %div3A_1202 : vector<16xf32>
    %swap3A_1351 = arith.constant 288 : index
    %swap3A_1352 = tpu.vector_load %arg9[%swap3A_1351] {strides = array<i32>} : memref<1024xf32, #tpu.memory_space<vmem>>, vector<16xf32>,
    %swap3A_1353 = vector.shape_cast %swap3A_1352 : vector<16xf32> to vector<16xf32>
    %swap3A_1354 = vector.shape_cast %mul3A_1350 : vector<16xf32> to vector<16xf32>
    tpu.vector_store %arg9[%swap3A_1351], %swap3A_1354 {strides = array<i32>} : memref<1024xf32, #tpu.memory_space<vmem>>, vector<16xf32>,
    %get3A_1355 = arith.constant 304 : index
    %get3A_1356 = tpu.vector_load %arg9[%get3A_1355] {strides = array<i32>} : memref<1024xf32, #tpu.memory_space<vmem>>, vector<16xf32>,
    %get3A_1357 = vector.shape_cast %get3A_1356 : vector<16xf32> to vector<16xf32>
    %mul3A_1358 = arith.mulf %get3A_1357, %div3A_1202 : vector<16xf32>
    %swap3A_1359 = arith.constant 304 : index
    %swap3A_1360 = tpu.vector_load %arg9[%swap3A_1359] {strides = array<i32>} : memref<1024xf32, #tpu.memory_space<vmem>>, vector<16xf32>,
    %swap3A_1361 = vector.shape_cast %swap3A_1360 : vector<16xf32> to vector<16xf32>
    %swap3A_1362 = vector.shape_cast %mul3A_1358 : vector<16xf32> to vector<16xf32>
    tpu.vector_store %arg9[%swap3A_1359], %swap3A_1362 {strides = array<i32>} : memref<1024xf32, #tpu.memory_space<vmem>>, vector<16xf32>,
    %get3A_1363 = arith.constant 320 : index
    %get3A_1364 = tpu.vector_load %arg9[%get3A_1363] {strides = array<i32>} : memref<1024xf32, #tpu.memory_space<vmem>>, vector<16xf32>,
    %get3A_1365 = vector.shape_cast %get3A_1364 : vector<16xf32> to vector<16xf32>
    %mul3A_1366 = arith.mulf %get3A_1365, %div3A_1202 : vector<16xf32>
    %swap3A_1367 = arith.constant 320 : index
    %swap3A_1368 = tpu.vector_load %arg9[%swap3A_1367] {strides = array<i32>} : memref<1024xf32, #tpu.memory_space<vmem>>, vector<16xf32>,
    %swap3A_1369 = vector.shape_cast %swap3A_1368 : vector<16xf32> to vector<16xf32>
    %swap3A_1370 = vector.shape_cast %mul3A_1366 : vector<16xf32> to vector<16xf32>
    tpu.vector_store %arg9[%swap3A_1367], %swap3A_1370 {strides = array<i32>} : memref<1024xf32, #tpu.memory_space<vmem>>, vector<16xf32>,
    %get3A_1371 = arith.constant 336 : index
    %get3A_1372 = tpu.vector_load %arg9[%get3A_1371] {strides = array<i32>} : memref<1024xf32, #tpu.memory_space<vmem>>, vector<16xf32>,
    %get3A_1373 = vector.shape_cast %get3A_1372 : vector<16xf32> to vector<16xf32>
    %mul3A_1374 = arith.mulf %get3A_1373, %div3A_1202 : vector<16xf32>
    %swap3A_1375 = arith.constant 336 : index
    %swap3A_1376 = tpu.vector_load %arg9[%swap3A_1375] {strides = array<i32>} : memref<1024xf32, #tpu.memory_space<vmem>>, vector<16xf32>,
    %swap3A_1377 = vector.shape_cast %swap3A_1376 : vector<16xf32> to vector<16xf32>
    %swap3A_1378 = vector.shape_cast %mul3A_1374 : vector<16xf32> to vector<16xf32>
    tpu.vector_store %arg9[%swap3A_1375], %swap3A_1378 {strides = array<i32>} : memref<1024xf32, #tpu.memory_space<vmem>>, vector<16xf32>,
    %get3A_1379 = arith.constant 352 : index
    %get3A_1380 = tpu.vector_load %arg9[%get3A_1379] {strides = array<i32>} : memref<1024xf32, #tpu.memory_space<vmem>>, vector<16xf32>,
    %get3A_1381 = vector.shape_cast %get3A_1380 : vector<16xf32> to vector<16xf32>
    %mul3A_1382 = arith.mulf %get3A_1381, %div3A_1202 : vector<16xf32>
    %swap3A_1383 = arith.constant 352 : index
    %swap3A_1384 = tpu.vector_load %arg9[%swap3A_1383] {strides = array<i32>} : memref<1024xf32, #tpu.memory_space<vmem>>, vector<16xf32>,
    %swap3A_1385 = vector.shape_cast %swap3A_1384 : vector<16xf32> to vector<16xf32>
    %swap3A_1386 = vector.shape_cast %mul3A_1382 : vector<16xf32> to vector<16xf32>
    tpu.vector_store %arg9[%swap3A_1383], %swap3A_1386 {strides = array<i32>} : memref<1024xf32, #tpu.memory_space<vmem>>, vector<16xf32>,
    %get3A_1387 = arith.constant 368 : index
    %get3A_1388 = tpu.vector_load %arg9[%get3A_1387] {strides = array<i32>} : memref<1024xf32, #tpu.memory_space<vmem>>, vector<16xf32>,
    %get3A_1389 = vector.shape_cast %get3A_1388 : vector<16xf32> to vector<16xf32>
    %mul3A_1390 = arith.mulf %get3A_1389, %div3A_1202 : vector<16xf32>
    %swap3A_1391 = arith.constant 368 : index
    %swap3A_1392 = tpu.vector_load %arg9[%swap3A_1391] {strides = array<i32>} : memref<1024xf32, #tpu.memory_space<vmem>>, vector<16xf32>,
    %swap3A_1393 = vector.shape_cast %swap3A_1392 : vector<16xf32> to vector<16xf32>
    %swap3A_1394 = vector.shape_cast %mul3A_1390 : vector<16xf32> to vector<16xf32>
    tpu.vector_store %arg9[%swap3A_1391], %swap3A_1394 {strides = array<i32>} : memref<1024xf32, #tpu.memory_space<vmem>>, vector<16xf32>,
    %get3A_1395 = arith.constant 384 : index
    %get3A_1396 = tpu.vector_load %arg9[%get3A_1395] {strides = array<i32>} : memref<1024xf32, #tpu.memory_space<vmem>>, vector<16xf32>,
    %get3A_1397 = vector.shape_cast %get3A_1396 : vector<16xf32> to vector<16xf32>
    %mul3A_1398 = arith.mulf %get3A_1397, %div3A_1202 : vector<16xf32>
    %swap3A_1399 = arith.constant 384 : index
    %swap3A_1400 = tpu.vector_load %arg9[%swap3A_1399] {strides = array<i32>} : memref<1024xf32, #tpu.memory_space<vmem>>, vector<16xf32>,
    %swap3A_1401 = vector.shape_cast %swap3A_1400 : vector<16xf32> to vector<16xf32>
    %swap3A_1402 = vector.shape_cast %mul3A_1398 : vector<16xf32> to vector<16xf32>
    tpu.vector_store %arg9[%swap3A_1399], %swap3A_1402 {strides = array<i32>} : memref<1024xf32, #tpu.memory_space<vmem>>, vector<16xf32>,
    %get3A_1403 = arith.constant 400 : index
    %get3A_1404 = tpu.vector_load %arg9[%get3A_1403] {strides = array<i32>} : memref<1024xf32, #tpu.memory_space<vmem>>, vector<16xf32>,
    %get3A_1405 = vector.shape_cast %get3A_1404 : vector<16xf32> to vector<16xf32>
    %mul3A_1406 = arith.mulf %get3A_1405, %div3A_1202 : vector<16xf32>
    %swap3A_1407 = arith.constant 400 : index
    %swap3A_1408 = tpu.vector_load %arg9[%swap3A_1407] {strides = array<i32>} : memref<1024xf32, #tpu.memory_space<vmem>>, vector<16xf32>,
    %swap3A_1409 = vector.shape_cast %swap3A_1408 : vector<16xf32> to vector<16xf32>
    %swap3A_1410 = vector.shape_cast %mul3A_1406 : vector<16xf32> to vector<16xf32>
    tpu.vector_store %arg9[%swap3A_1407], %swap3A_1410 {strides = array<i32>} : memref<1024xf32, #tpu.memory_space<vmem>>, vector<16xf32>,
    %get3A_1411 = arith.constant 416 : index
    %get3A_1412 = tpu.vector_load %arg9[%get3A_1411] {strides = array<i32>} : memref<1024xf32, #tpu.memory_space<vmem>>, vector<16xf32>,
    %get3A_1413 = vector.shape_cast %get3A_1412 : vector<16xf32> to vector<16xf32>
    %mul3A_1414 = arith.mulf %get3A_1413, %div3A_1202 : vector<16xf32>
    %swap3A_1415 = arith.constant 416 : index
    %swap3A_1416 = tpu.vector_load %arg9[%swap3A_1415] {strides = array<i32>} : memref<1024xf32, #tpu.memory_space<vmem>>, vector<16xf32>,
    %swap3A_1417 = vector.shape_cast %swap3A_1416 : vector<16xf32> to vector<16xf32>
    %swap3A_1418 = vector.shape_cast %mul3A_1414 : vector<16xf32> to vector<16xf32>
    tpu.vector_store %arg9[%swap3A_1415], %swap3A_1418 {strides = array<i32>} : memref<1024xf32, #tpu.memory_space<vmem>>, vector<16xf32>,
    %get3A_1419 = arith.constant 432 : index
    %get3A_1420 = tpu.vector_load %arg9[%get3A_1419] {strides = array<i32>} : memref<1024xf32, #tpu.memory_space<vmem>>, vector<16xf32>,
    %get3A_1421 = vector.shape_cast %get3A_1420 : vector<16xf32> to vector<16xf32>
    %mul3A_1422 = arith.mulf %get3A_1421, %div3A_1202 : vector<16xf32>
    %swap3A_1423 = arith.constant 432 : index
    %swap3A_1424 = tpu.vector_load %arg9[%swap3A_1423] {strides = array<i32>} : memref<1024xf32, #tpu.memory_space<vmem>>, vector<16xf32>,
    %swap3A_1425 = vector.shape_cast %swap3A_1424 : vector<16xf32> to vector<16xf32>
    %swap3A_1426 = vector.shape_cast %mul3A_1422 : vector<16xf32> to vector<16xf32>
    tpu.vector_store %arg9[%swap3A_1423], %swap3A_1426 {strides = array<i32>} : memref<1024xf32, #tpu.memory_space<vmem>>, vector<16xf32>,
    %get3A_1427 = arith.constant 448 : index
    %get3A_1428 = tpu.vector_load %arg9[%get3A_1427] {strides = array<i32>} : memref<1024xf32, #tpu.memory_space<vmem>>, vector<16xf32>,
    %get3A_1429 = vector.shape_cast %get3A_1428 : vector<16xf32> to vector<16xf32>
    %mul3A_1430 = arith.mulf %get3A_1429, %div3A_1202 : vector<16xf32>
    %swap3A_1431 = arith.constant 448 : index
    %swap3A_1432 = tpu.vector_load %arg9[%swap3A_1431] {strides = array<i32>} : memref<1024xf32, #tpu.memory_space<vmem>>, vector<16xf32>,
    %swap3A_1433 = vector.shape_cast %swap3A_1432 : vector<16xf32> to vector<16xf32>
    %swap3A_1434 = vector.shape_cast %mul3A_1430 : vector<16xf32> to vector<16xf32>
    tpu.vector_store %arg9[%swap3A_1431], %swap3A_1434 {strides = array<i32>} : memref<1024xf32, #tpu.memory_space<vmem>>, vector<16xf32>,
    %get3A_1435 = arith.constant 464 : index
    %get3A_1436 = tpu.vector_load %arg9[%get3A_1435] {strides = array<i32>} : memref<1024xf32, #tpu.memory_space<vmem>>, vector<16xf32>,
    %get3A_1437 = vector.shape_cast %get3A_1436 : vector<16xf32> to vector<16xf32>
    %mul3A_1438 = arith.mulf %get3A_1437, %div3A_1202 : vector<16xf32>
    %swap3A_1439 = arith.constant 464 : index
    %swap3A_1440 = tpu.vector_load %arg9[%swap3A_1439] {strides = array<i32>} : memref<1024xf32, #tpu.memory_space<vmem>>, vector<16xf32>,
    %swap3A_1441 = vector.shape_cast %swap3A_1440 : vector<16xf32> to vector<16xf32>
    %swap3A_1442 = vector.shape_cast %mul3A_1438 : vector<16xf32> to vector<16xf32>
    tpu.vector_store %arg9[%swap3A_1439], %swap3A_1442 {strides = array<i32>} : memref<1024xf32, #tpu.memory_space<vmem>>, vector<16xf32>,
    %get3A_1443 = arith.constant 480 : index
    %get3A_1444 = tpu.vector_load %arg9[%get3A_1443] {strides = array<i32>} : memref<1024xf32, #tpu.memory_space<vmem>>, vector<16xf32>,
    %get3A_1445 = vector.shape_cast %get3A_1444 : vector<16xf32> to vector<16xf32>
    %mul3A_1446 = arith.mulf %get3A_1445, %div3A_1202 : vector<16xf32>
    %swap3A_1447 = arith.constant 480 : index
    %swap3A_1448 = tpu.vector_load %arg9[%swap3A_1447] {strides = array<i32>} : memref<1024xf32, #tpu.memory_space<vmem>>, vector<16xf32>,
    %swap3A_1449 = vector.shape_cast %swap3A_1448 : vector<16xf32> to vector<16xf32>
    %swap3A_1450 = vector.shape_cast %mul3A_1446 : vector<16xf32> to vector<16xf32>
    tpu.vector_store %arg9[%swap3A_1447], %swap3A_1450 {strides = array<i32>} : memref<1024xf32, #tpu.memory_space<vmem>>, vector<16xf32>,
    %get3A_1451 = arith.constant 496 : index
    %get3A_1452 = tpu.vector_load %arg9[%get3A_1451] {strides = array<i32>} : memref<1024xf32, #tpu.memory_space<vmem>>, vector<16xf32>,
    %get3A_1453 = vector.shape_cast %get3A_1452 : vector<16xf32> to vector<16xf32>
    %mul3A_1454 = arith.mulf %get3A_1453, %div3A_1202 : vector<16xf32>
    %swap3A_1455 = arith.constant 496 : index
    %swap3A_1456 = tpu.vector_load %arg9[%swap3A_1455] {strides = array<i32>} : memref<1024xf32, #tpu.memory_space<vmem>>, vector<16xf32>,
    %swap3A_1457 = vector.shape_cast %swap3A_1456 : vector<16xf32> to vector<16xf32>
    %swap3A_1458 = vector.shape_cast %mul3A_1454 : vector<16xf32> to vector<16xf32>
    tpu.vector_store %arg9[%swap3A_1455], %swap3A_1458 {strides = array<i32>} : memref<1024xf32, #tpu.memory_space<vmem>>, vector<16xf32>,
    %get3A_1459 = arith.constant 512 : index
    %get3A_1460 = tpu.vector_load %arg9[%get3A_1459] {strides = array<i32>} : memref<1024xf32, #tpu.memory_space<vmem>>, vector<16xf32>,
    %get3A_1461 = vector.shape_cast %get3A_1460 : vector<16xf32> to vector<16xf32>
    %mul3A_1462 = arith.mulf %get3A_1461, %div3A_1202 : vector<16xf32>
    %swap3A_1463 = arith.constant 512 : index
    %swap3A_1464 = tpu.vector_load %arg9[%swap3A_1463] {strides = array<i32>} : memref<1024xf32, #tpu.memory_space<vmem>>, vector<16xf32>,
    %swap3A_1465 = vector.shape_cast %swap3A_1464 : vector<16xf32> to vector<16xf32>
    %swap3A_1466 = vector.shape_cast %mul3A_1462 : vector<16xf32> to vector<16xf32>
    tpu.vector_store %arg9[%swap3A_1463], %swap3A_1466 {strides = array<i32>} : memref<1024xf32, #tpu.memory_space<vmem>>, vector<16xf32>,
    %get3A_1467 = arith.constant 528 : index
    %get3A_1468 = tpu.vector_load %arg9[%get3A_1467] {strides = array<i32>} : memref<1024xf32, #tpu.memory_space<vmem>>, vector<16xf32>,
    %get3A_1469 = vector.shape_cast %get3A_1468 : vector<16xf32> to vector<16xf32>
    %mul3A_1470 = arith.mulf %get3A_1469, %div3A_1202 : vector<16xf32>
    %swap3A_1471 = arith.constant 528 : index
    %swap3A_1472 = tpu.vector_load %arg9[%swap3A_1471] {strides = array<i32>} : memref<1024xf32, #tpu.memory_space<vmem>>, vector<16xf32>,
    %swap3A_1473 = vector.shape_cast %swap3A_1472 : vector<16xf32> to vector<16xf32>
    %swap3A_1474 = vector.shape_cast %mul3A_1470 : vector<16xf32> to vector<16xf32>
    tpu.vector_store %arg9[%swap3A_1471], %swap3A_1474 {strides = array<i32>} : memref<1024xf32, #tpu.memory_space<vmem>>, vector<16xf32>,
    %get3A_1475 = arith.constant 544 : index
    %get3A_1476 = tpu.vector_load %arg9[%get3A_1475] {strides = array<i32>} : memref<1024xf32, #tpu.memory_space<vmem>>, vector<16xf32>,
    %get3A_1477 = vector.shape_cast %get3A_1476 : vector<16xf32> to vector<16xf32>
    %mul3A_1478 = arith.mulf %get3A_1477, %div3A_1202 : vector<16xf32>
    %swap3A_1479 = arith.constant 544 : index
    %swap3A_1480 = tpu.vector_load %arg9[%swap3A_1479] {strides = array<i32>} : memref<1024xf32, #tpu.memory_space<vmem>>, vector<16xf32>,
    %swap3A_1481 = vector.shape_cast %swap3A_1480 : vector<16xf32> to vector<16xf32>
    %swap3A_1482 = vector.shape_cast %mul3A_1478 : vector<16xf32> to vector<16xf32>
    tpu.vector_store %arg9[%swap3A_1479], %swap3A_1482 {strides = array<i32>} : memref<1024xf32, #tpu.memory_space<vmem>>, vector<16xf32>,
    %get3A_1483 = arith.constant 560 : index
    %get3A_1484 = tpu.vector_load %arg9[%get3A_1483] {strides = array<i32>} : memref<1024xf32, #tpu.memory_space<vmem>>, vector<16xf32>,
    %get3A_1485 = vector.shape_cast %get3A_1484 : vector<16xf32> to vector<16xf32>
    %mul3A_1486 = arith.mulf %get3A_1485, %div3A_1202 : vector<16xf32>
    %swap3A_1487 = arith.constant 560 : index
    %swap3A_1488 = tpu.vector_load %arg9[%swap3A_1487] {strides = array<i32>} : memref<1024xf32, #tpu.memory_space<vmem>>, vector<16xf32>,
    %swap3A_1489 = vector.shape_cast %swap3A_1488 : vector<16xf32> to vector<16xf32>
    %swap3A_1490 = vector.shape_cast %mul3A_1486 : vector<16xf32> to vector<16xf32>
    tpu.vector_store %arg9[%swap3A_1487], %swap3A_1490 {strides = array<i32>} : memref<1024xf32, #tpu.memory_space<vmem>>, vector<16xf32>,
    %get3A_1491 = arith.constant 576 : index
    %get3A_1492 = tpu.vector_load %arg9[%get3A_1491] {strides = array<i32>} : memref<1024xf32, #tpu.memory_space<vmem>>, vector<16xf32>,
    %get3A_1493 = vector.shape_cast %get3A_1492 : vector<16xf32> to vector<16xf32>
    %mul3A_1494 = arith.mulf %get3A_1493, %div3A_1202 : vector<16xf32>
    %swap3A_1495 = arith.constant 576 : index
    %swap3A_1496 = tpu.vector_load %arg9[%swap3A_1495] {strides = array<i32>} : memref<1024xf32, #tpu.memory_space<vmem>>, vector<16xf32>,
    %swap3A_1497 = vector.shape_cast %swap3A_1496 : vector<16xf32> to vector<16xf32>
    %swap3A_1498 = vector.shape_cast %mul3A_1494 : vector<16xf32> to vector<16xf32>
    tpu.vector_store %arg9[%swap3A_1495], %swap3A_1498 {strides = array<i32>} : memref<1024xf32, #tpu.memory_space<vmem>>, vector<16xf32>,
    %get3A_1499 = arith.constant 592 : index
    %get3A_1500 = tpu.vector_load %arg9[%get3A_1499] {strides = array<i32>} : memref<1024xf32, #tpu.memory_space<vmem>>, vector<16xf32>,
    %get3A_1501 = vector.shape_cast %get3A_1500 : vector<16xf32> to vector<16xf32>
    %mul3A_1502 = arith.mulf %get3A_1501, %div3A_1202 : vector<16xf32>
    %swap3A_1503 = arith.constant 592 : index
    %swap3A_1504 = tpu.vector_load %arg9[%swap3A_1503] {strides = array<i32>} : memref<1024xf32, #tpu.memory_space<vmem>>, vector<16xf32>,
    %swap3A_1505 = vector.shape_cast %swap3A_1504 : vector<16xf32> to vector<16xf32>
    %swap3A_1506 = vector.shape_cast %mul3A_1502 : vector<16xf32> to vector<16xf32>
    tpu.vector_store %arg9[%swap3A_1503], %swap3A_1506 {strides = array<i32>} : memref<1024xf32, #tpu.memory_space<vmem>>, vector<16xf32>,
    %get3A_1507 = arith.constant 608 : index
    %get3A_1508 = tpu.vector_load %arg9[%get3A_1507] {strides = array<i32>} : memref<1024xf32, #tpu.memory_space<vmem>>, vector<16xf32>,
    %get3A_1509 = vector.shape_cast %get3A_1508 : vector<16xf32> to vector<16xf32>
    %mul3A_1510 = arith.mulf %get3A_1509, %div3A_1202 : vector<16xf32>
    %swap3A_1511 = arith.constant 608 : index
    %swap3A_1512 = tpu.vector_load %arg9[%swap3A_1511] {strides = array<i32>} : memref<1024xf32, #tpu.memory_space<vmem>>, vector<16xf32>,
    %swap3A_1513 = vector.shape_cast %swap3A_1512 : vector<16xf32> to vector<16xf32>
    %swap3A_1514 = vector.shape_cast %mul3A_1510 : vector<16xf32> to vector<16xf32>
    tpu.vector_store %arg9[%swap3A_1511], %swap3A_1514 {strides = array<i32>} : memref<1024xf32, #tpu.memory_space<vmem>>, vector<16xf32>,
    %get3A_1515 = arith.constant 624 : index
    %get3A_1516 = tpu.vector_load %arg9[%get3A_1515] {strides = array<i32>} : memref<1024xf32, #tpu.memory_space<vmem>>, vector<16xf32>,
    %get3A_1517 = vector.shape_cast %get3A_1516 : vector<16xf32> to vector<16xf32>
    %mul3A_1518 = arith.mulf %get3A_1517, %div3A_1202 : vector<16xf32>
    %swap3A_1519 = arith.constant 624 : index
    %swap3A_1520 = tpu.vector_load %arg9[%swap3A_1519] {strides = array<i32>} : memref<1024xf32, #tpu.memory_space<vmem>>, vector<16xf32>,
    %swap3A_1521 = vector.shape_cast %swap3A_1520 : vector<16xf32> to vector<16xf32>
    %swap3A_1522 = vector.shape_cast %mul3A_1518 : vector<16xf32> to vector<16xf32>
    tpu.vector_store %arg9[%swap3A_1519], %swap3A_1522 {strides = array<i32>} : memref<1024xf32, #tpu.memory_space<vmem>>, vector<16xf32>,
    %get3A_1523 = arith.constant 640 : index
    %get3A_1524 = tpu.vector_load %arg9[%get3A_1523] {strides = array<i32>} : memref<1024xf32, #tpu.memory_space<vmem>>, vector<16xf32>,
    %get3A_1525 = vector.shape_cast %get3A_1524 : vector<16xf32> to vector<16xf32>
    %mul3A_1526 = arith.mulf %get3A_1525, %div3A_1202 : vector<16xf32>
    %swap3A_1527 = arith.constant 640 : index
    %swap3A_1528 = tpu.vector_load %arg9[%swap3A_1527] {strides = array<i32>} : memref<1024xf32, #tpu.memory_space<vmem>>, vector<16xf32>,
    %swap3A_1529 = vector.shape_cast %swap3A_1528 : vector<16xf32> to vector<16xf32>
    %swap3A_1530 = vector.shape_cast %mul3A_1526 : vector<16xf32> to vector<16xf32>
    tpu.vector_store %arg9[%swap3A_1527], %swap3A_1530 {strides = array<i32>} : memref<1024xf32, #tpu.memory_space<vmem>>, vector<16xf32>,
    %get3A_1531 = arith.constant 656 : index
    %get3A_1532 = tpu.vector_load %arg9[%get3A_1531] {strides = array<i32>} : memref<1024xf32, #tpu.memory_space<vmem>>, vector<16xf32>,
    %get3A_1533 = vector.shape_cast %get3A_1532 : vector<16xf32> to vector<16xf32>
    %mul3A_1534 = arith.mulf %get3A_1533, %div3A_1202 : vector<16xf32>
    %swap3A_1535 = arith.constant 656 : index
    %swap3A_1536 = tpu.vector_load %arg9[%swap3A_1535] {strides = array<i32>} : memref<1024xf32, #tpu.memory_space<vmem>>, vector<16xf32>,
    %swap3A_1537 = vector.shape_cast %swap3A_1536 : vector<16xf32> to vector<16xf32>
    %swap3A_1538 = vector.shape_cast %mul3A_1534 : vector<16xf32> to vector<16xf32>
    tpu.vector_store %arg9[%swap3A_1535], %swap3A_1538 {strides = array<i32>} : memref<1024xf32, #tpu.memory_space<vmem>>, vector<16xf32>,
    %get3A_1539 = arith.constant 672 : index
    %get3A_1540 = tpu.vector_load %arg9[%get3A_1539] {strides = array<i32>} : memref<1024xf32, #tpu.memory_space<vmem>>, vector<16xf32>,
    %get3A_1541 = vector.shape_cast %get3A_1540 : vector<16xf32> to vector<16xf32>
    %mul3A_1542 = arith.mulf %get3A_1541, %div3A_1202 : vector<16xf32>
    %swap3A_1543 = arith.constant 672 : index
    %swap3A_1544 = tpu.vector_load %arg9[%swap3A_1543] {strides = array<i32>} : memref<1024xf32, #tpu.memory_space<vmem>>, vector<16xf32>,
    %swap3A_1545 = vector.shape_cast %swap3A_1544 : vector<16xf32> to vector<16xf32>
    %swap3A_1546 = vector.shape_cast %mul3A_1542 : vector<16xf32> to vector<16xf32>
    tpu.vector_store %arg9[%swap3A_1543], %swap3A_1546 {strides = array<i32>} : memref<1024xf32, #tpu.memory_space<vmem>>, vector<16xf32>,
    %get3A_1547 = arith.constant 688 : index
    %get3A_1548 = tpu.vector_load %arg9[%get3A_1547] {strides = array<i32>} : memref<1024xf32, #tpu.memory_space<vmem>>, vector<16xf32>,
    %get3A_1549 = vector.shape_cast %get3A_1548 : vector<16xf32> to vector<16xf32>
    %mul3A_1550 = arith.mulf %get3A_1549, %div3A_1202 : vector<16xf32>
    %swap3A_1551 = arith.constant 688 : index
    %swap3A_1552 = tpu.vector_load %arg9[%swap3A_1551] {strides = array<i32>} : memref<1024xf32, #tpu.memory_space<vmem>>, vector<16xf32>,
    %swap3A_1553 = vector.shape_cast %swap3A_1552 : vector<16xf32> to vector<16xf32>
    %swap3A_1554 = vector.shape_cast %mul3A_1550 : vector<16xf32> to vector<16xf32>
    tpu.vector_store %arg9[%swap3A_1551], %swap3A_1554 {strides = array<i32>} : memref<1024xf32, #tpu.memory_space<vmem>>, vector<16xf32>,
    %get3A_1555 = arith.constant 704 : index
    %get3A_1556 = tpu.vector_load %arg9[%get3A_1555] {strides = array<i32>} : memref<1024xf32, #tpu.memory_space<vmem>>, vector<16xf32>,
    %get3A_1557 = vector.shape_cast %get3A_1556 : vector<16xf32> to vector<16xf32>
    %mul3A_1558 = arith.mulf %get3A_1557, %div3A_1202 : vector<16xf32>
    %swap3A_1559 = arith.constant 704 : index
    %swap3A_1560 = tpu.vector_load %arg9[%swap3A_1559] {strides = array<i32>} : memref<1024xf32, #tpu.memory_space<vmem>>, vector<16xf32>,
    %swap3A_1561 = vector.shape_cast %swap3A_1560 : vector<16xf32> to vector<16xf32>
    %swap3A_1562 = vector.shape_cast %mul3A_1558 : vector<16xf32> to vector<16xf32>
    tpu.vector_store %arg9[%swap3A_1559], %swap3A_1562 {strides = array<i32>} : memref<1024xf32, #tpu.memory_space<vmem>>, vector<16xf32>,
    %get3A_1563 = arith.constant 720 : index
    %get3A_1564 = tpu.vector_load %arg9[%get3A_1563] {strides = array<i32>} : memref<1024xf32, #tpu.memory_space<vmem>>, vector<16xf32>,
    %get3A_1565 = vector.shape_cast %get3A_1564 : vector<16xf32> to vector<16xf32>
    %mul3A_1566 = arith.mulf %get3A_1565, %div3A_1202 : vector<16xf32>
    %swap3A_1567 = arith.constant 720 : index
    %swap3A_1568 = tpu.vector_load %arg9[%swap3A_1567] {strides = array<i32>} : memref<1024xf32, #tpu.memory_space<vmem>>, vector<16xf32>,
    %swap3A_1569 = vector.shape_cast %swap3A_1568 : vector<16xf32> to vector<16xf32>
    %swap3A_1570 = vector.shape_cast %mul3A_1566 : vector<16xf32> to vector<16xf32>
    tpu.vector_store %arg9[%swap3A_1567], %swap3A_1570 {strides = array<i32>} : memref<1024xf32, #tpu.memory_space<vmem>>, vector<16xf32>,
    %get3A_1571 = arith.constant 736 : index
    %get3A_1572 = tpu.vector_load %arg9[%get3A_1571] {strides = array<i32>} : memref<1024xf32, #tpu.memory_space<vmem>>, vector<16xf32>,
    %get3A_1573 = vector.shape_cast %get3A_1572 : vector<16xf32> to vector<16xf32>
    %mul3A_1574 = arith.mulf %get3A_1573, %div3A_1202 : vector<16xf32>
    %swap3A_1575 = arith.constant 736 : index
    %swap3A_1576 = tpu.vector_load %arg9[%swap3A_1575] {strides = array<i32>} : memref<1024xf32, #tpu.memory_space<vmem>>, vector<16xf32>,
    %swap3A_1577 = vector.shape_cast %swap3A_1576 : vector<16xf32> to vector<16xf32>
    %swap3A_1578 = vector.shape_cast %mul3A_1574 : vector<16xf32> to vector<16xf32>
    tpu.vector_store %arg9[%swap3A_1575], %swap3A_1578 {strides = array<i32>} : memref<1024xf32, #tpu.memory_space<vmem>>, vector<16xf32>,
    %get3A_1579 = arith.constant 752 : index
    %get3A_1580 = tpu.vector_load %arg9[%get3A_1579] {strides = array<i32>} : memref<1024xf32, #tpu.memory_space<vmem>>, vector<16xf32>,
    %get3A_1581 = vector.shape_cast %get3A_1580 : vector<16xf32> to vector<16xf32>
    %mul3A_1582 = arith.mulf %get3A_1581, %div3A_1202 : vector<16xf32>
    %swap3A_1583 = arith.constant 752 : index
    %swap3A_1584 = tpu.vector_load %arg9[%swap3A_1583] {strides = array<i32>} : memref<1024xf32, #tpu.memory_space<vmem>>, vector<16xf32>,
    %swap3A_1585 = vector.shape_cast %swap3A_1584 : vector<16xf32> to vector<16xf32>
    %swap3A_1586 = vector.shape_cast %mul3A_1582 : vector<16xf32> to vector<16xf32>
    tpu.vector_store %arg9[%swap3A_1583], %swap3A_1586 {strides = array<i32>} : memref<1024xf32, #tpu.memory_space<vmem>>, vector<16xf32>,
    %get3A_1587 = arith.constant 768 : index
    %get3A_1588 = tpu.vector_load %arg9[%get3A_1587] {strides = array<i32>} : memref<1024xf32, #tpu.memory_space<vmem>>, vector<16xf32>,
    %get3A_1589 = vector.shape_cast %get3A_1588 : vector<16xf32> to vector<16xf32>
    %mul3A_1590 = arith.mulf %get3A_1589, %div3A_1202 : vector<16xf32>
    %swap3A_1591 = arith.constant 768 : index
    %swap3A_1592 = tpu.vector_load %arg9[%swap3A_1591] {strides = array<i32>} : memref<1024xf32, #tpu.memory_space<vmem>>, vector<16xf32>,
    %swap3A_1593 = vector.shape_cast %swap3A_1592 : vector<16xf32> to vector<16xf32>
    %swap3A_1594 = vector.shape_cast %mul3A_1590 : vector<16xf32> to vector<16xf32>
    tpu.vector_store %arg9[%swap3A_1591], %swap3A_1594 {strides = array<i32>} : memref<1024xf32, #tpu.memory_space<vmem>>, vector<16xf32>,
    %get3A_1595 = arith.constant 784 : index
    %get3A_1596 = tpu.vector_load %arg9[%get3A_1595] {strides = array<i32>} : memref<1024xf32, #tpu.memory_space<vmem>>, vector<16xf32>,
    %get3A_1597 = vector.shape_cast %get3A_1596 : vector<16xf32> to vector<16xf32>
    %mul3A_1598 = arith.mulf %get3A_1597, %div3A_1202 : vector<16xf32>
    %swap3A_1599 = arith.constant 784 : index
    %swap3A_1600 = tpu.vector_load %arg9[%swap3A_1599] {strides = array<i32>} : memref<1024xf32, #tpu.memory_space<vmem>>, vector<16xf32>,
    %swap3A_1601 = vector.shape_cast %swap3A_1600 : vector<16xf32> to vector<16xf32>
    %swap3A_1602 = vector.shape_cast %mul3A_1598 : vector<16xf32> to vector<16xf32>
    tpu.vector_store %arg9[%swap3A_1599], %swap3A_1602 {strides = array<i32>} : memref<1024xf32, #tpu.memory_space<vmem>>, vector<16xf32>,
    %get3A_1603 = arith.constant 800 : index
    %get3A_1604 = tpu.vector_load %arg9[%get3A_1603] {strides = array<i32>} : memref<1024xf32, #tpu.memory_space<vmem>>, vector<16xf32>,
    %get3A_1605 = vector.shape_cast %get3A_1604 : vector<16xf32> to vector<16xf32>
    %mul3A_1606 = arith.mulf %get3A_1605, %div3A_1202 : vector<16xf32>
    %swap3A_1607 = arith.constant 800 : index
    %swap3A_1608 = tpu.vector_load %arg9[%swap3A_1607] {strides = array<i32>} : memref<1024xf32, #tpu.memory_space<vmem>>, vector<16xf32>,
    %swap3A_1609 = vector.shape_cast %swap3A_1608 : vector<16xf32> to vector<16xf32>
    %swap3A_1610 = vector.shape_cast %mul3A_1606 : vector<16xf32> to vector<16xf32>
    tpu.vector_store %arg9[%swap3A_1607], %swap3A_1610 {strides = array<i32>} : memref<1024xf32, #tpu.memory_space<vmem>>, vector<16xf32>,
    %get3A_1611 = arith.constant 816 : index
    %get3A_1612 = tpu.vector_load %arg9[%get3A_1611] {strides = array<i32>} : memref<1024xf32, #tpu.memory_space<vmem>>, vector<16xf32>,
    %get3A_1613 = vector.shape_cast %get3A_1612 : vector<16xf32> to vector<16xf32>
    %mul3A_1614 = arith.mulf %get3A_1613, %div3A_1202 : vector<16xf32>
    %swap3A_1615 = arith.constant 816 : index
    %swap3A_1616 = tpu.vector_load %arg9[%swap3A_1615] {strides = array<i32>} : memref<1024xf32, #tpu.memory_space<vmem>>, vector<16xf32>,
    %swap3A_1617 = vector.shape_cast %swap3A_1616 : vector<16xf32> to vector<16xf32>
    %swap3A_1618 = vector.shape_cast %mul3A_1614 : vector<16xf32> to vector<16xf32>
    tpu.vector_store %arg9[%swap3A_1615], %swap3A_1618 {strides = array<i32>} : memref<1024xf32, #tpu.memory_space<vmem>>, vector<16xf32>,
    %get3A_1619 = arith.constant 832 : index
    %get3A_1620 = tpu.vector_load %arg9[%get3A_1619] {strides = array<i32>} : memref<1024xf32, #tpu.memory_space<vmem>>, vector<16xf32>,
    %get3A_1621 = vector.shape_cast %get3A_1620 : vector<16xf32> to vector<16xf32>
    %mul3A_1622 = arith.mulf %get3A_1621, %div3A_1202 : vector<16xf32>
    %swap3A_1623 = arith.constant 832 : index
    %swap3A_1624 = tpu.vector_load %arg9[%swap3A_1623] {strides = array<i32>} : memref<1024xf32, #tpu.memory_space<vmem>>, vector<16xf32>,
    %swap3A_1625 = vector.shape_cast %swap3A_1624 : vector<16xf32> to vector<16xf32>
    %swap3A_1626 = vector.shape_cast %mul3A_1622 : vector<16xf32> to vector<16xf32>
    tpu.vector_store %arg9[%swap3A_1623], %swap3A_1626 {strides = array<i32>} : memref<1024xf32, #tpu.memory_space<vmem>>, vector<16xf32>,
    %get3A_1627 = arith.constant 848 : index
    %get3A_1628 = tpu.vector_load %arg9[%get3A_1627] {strides = array<i32>} : memref<1024xf32, #tpu.memory_space<vmem>>, vector<16xf32>,
    %get3A_1629 = vector.shape_cast %get3A_1628 : vector<16xf32> to vector<16xf32>
    %mul3A_1630 = arith.mulf %get3A_1629, %div3A_1202 : vector<16xf32>
    %swap3A_1631 = arith.constant 848 : index
    %swap3A_1632 = tpu.vector_load %arg9[%swap3A_1631] {strides = array<i32>} : memref<1024xf32, #tpu.memory_space<vmem>>, vector<16xf32>,
    %swap3A_1633 = vector.shape_cast %swap3A_1632 : vector<16xf32> to vector<16xf32>
    %swap3A_1634 = vector.shape_cast %mul3A_1630 : vector<16xf32> to vector<16xf32>
    tpu.vector_store %arg9[%swap3A_1631], %swap3A_1634 {strides = array<i32>} : memref<1024xf32, #tpu.memory_space<vmem>>, vector<16xf32>,
    %get3A_1635 = arith.constant 864 : index
    %get3A_1636 = tpu.vector_load %arg9[%get3A_1635] {strides = array<i32>} : memref<1024xf32, #tpu.memory_space<vmem>>, vector<16xf32>,
    %get3A_1637 = vector.shape_cast %get3A_1636 : vector<16xf32> to vector<16xf32>
    %mul3A_1638 = arith.mulf %get3A_1637, %div3A_1202 : vector<16xf32>
    %swap3A_1639 = arith.constant 864 : index
    %swap3A_1640 = tpu.vector_load %arg9[%swap3A_1639] {strides = array<i32>} : memref<1024xf32, #tpu.memory_space<vmem>>, vector<16xf32>,
    %swap3A_1641 = vector.shape_cast %swap3A_1640 : vector<16xf32> to vector<16xf32>
    %swap3A_1642 = vector.shape_cast %mul3A_1638 : vector<16xf32> to vector<16xf32>
    tpu.vector_store %arg9[%swap3A_1639], %swap3A_1642 {strides = array<i32>} : memref<1024xf32, #tpu.memory_space<vmem>>, vector<16xf32>,
    %get3A_1643 = arith.constant 880 : index
    %get3A_1644 = tpu.vector_load %arg9[%get3A_1643] {strides = array<i32>} : memref<1024xf32, #tpu.memory_space<vmem>>, vector<16xf32>,
    %get3A_1645 = vector.shape_cast %get3A_1644 : vector<16xf32> to vector<16xf32>
    %mul3A_1646 = arith.mulf %get3A_1645, %div3A_1202 : vector<16xf32>
    %swap3A_1647 = arith.constant 880 : index
    %swap3A_1648 = tpu.vector_load %arg9[%swap3A_1647] {strides = array<i32>} : memref<1024xf32, #tpu.memory_space<vmem>>, vector<16xf32>,
    %swap3A_1649 = vector.shape_cast %swap3A_1648 : vector<16xf32> to vector<16xf32>
    %swap3A_1650 = vector.shape_cast %mul3A_1646 : vector<16xf32> to vector<16xf32>
    tpu.vector_store %arg9[%swap3A_1647], %swap3A_1650 {strides = array<i32>} : memref<1024xf32, #tpu.memory_space<vmem>>, vector<16xf32>,
    %get3A_1651 = arith.constant 896 : index
    %get3A_1652 = tpu.vector_load %arg9[%get3A_1651] {strides = array<i32>} : memref<1024xf32, #tpu.memory_space<vmem>>, vector<16xf32>,
    %get3A_1653 = vector.shape_cast %get3A_1652 : vector<16xf32> to vector<16xf32>
    %mul3A_1654 = arith.mulf %get3A_1653, %div3A_1202 : vector<16xf32>
    %swap3A_1655 = arith.constant 896 : index
    %swap3A_1656 = tpu.vector_load %arg9[%swap3A_1655] {strides = array<i32>} : memref<1024xf32, #tpu.memory_space<vmem>>, vector<16xf32>,
    %swap3A_1657 = vector.shape_cast %swap3A_1656 : vector<16xf32> to vector<16xf32>
    %swap3A_1658 = vector.shape_cast %mul3A_1654 : vector<16xf32> to vector<16xf32>
    tpu.vector_store %arg9[%swap3A_1655], %swap3A_1658 {strides = array<i32>} : memref<1024xf32, #tpu.memory_space<vmem>>, vector<16xf32>,
    %get3A_1659 = arith.constant 912 : index
    %get3A_1660 = tpu.vector_load %arg9[%get3A_1659] {strides = array<i32>} : memref<1024xf32, #tpu.memory_space<vmem>>, vector<16xf32>,
    %get3A_1661 = vector.shape_cast %get3A_1660 : vector<16xf32> to vector<16xf32>
    %mul3A_1662 = arith.mulf %get3A_1661, %div3A_1202 : vector<16xf32>
    %swap3A_1663 = arith.constant 912 : index
    %swap3A_1664 = tpu.vector_load %arg9[%swap3A_1663] {strides = array<i32>} : memref<1024xf32, #tpu.memory_space<vmem>>, vector<16xf32>,
    %swap3A_1665 = vector.shape_cast %swap3A_1664 : vector<16xf32> to vector<16xf32>
    %swap3A_1666 = vector.shape_cast %mul3A_1662 : vector<16xf32> to vector<16xf32>
    tpu.vector_store %arg9[%swap3A_1663], %swap3A_1666 {strides = array<i32>} : memref<1024xf32, #tpu.memory_space<vmem>>, vector<16xf32>,
    %get3A_1667 = arith.constant 928 : index
    %get3A_1668 = tpu.vector_load %arg9[%get3A_1667] {strides = array<i32>} : memref<1024xf32, #tpu.memory_space<vmem>>, vector<16xf32>,
    %get3A_1669 = vector.shape_cast %get3A_1668 : vector<16xf32> to vector<16xf32>
    %mul3A_1670 = arith.mulf %get3A_1669, %div3A_1202 : vector<16xf32>
    %swap3A_1671 = arith.constant 928 : index
    %swap3A_1672 = tpu.vector_load %arg9[%swap3A_1671] {strides = array<i32>} : memref<1024xf32, #tpu.memory_space<vmem>>, vector<16xf32>,
    %swap3A_1673 = vector.shape_cast %swap3A_1672 : vector<16xf32> to vector<16xf32>
    %swap3A_1674 = vector.shape_cast %mul3A_1670 : vector<16xf32> to vector<16xf32>
    tpu.vector_store %arg9[%swap3A_1671], %swap3A_1674 {strides = array<i32>} : memref<1024xf32, #tpu.memory_space<vmem>>, vector<16xf32>,
    %get3A_1675 = arith.constant 944 : index
    %get3A_1676 = tpu.vector_load %arg9[%get3A_1675] {strides = array<i32>} : memref<1024xf32, #tpu.memory_space<vmem>>, vector<16xf32>,
    %get3A_1677 = vector.shape_cast %get3A_1676 : vector<16xf32> to vector<16xf32>
    %mul3A_1678 = arith.mulf %get3A_1677, %div3A_1202 : vector<16xf32>
    %swap3A_1679 = arith.constant 944 : index
    %swap3A_1680 = tpu.vector_load %arg9[%swap3A_1679] {strides = array<i32>} : memref<1024xf32, #tpu.memory_space<vmem>>, vector<16xf32>,
    %swap3A_1681 = vector.shape_cast %swap3A_1680 : vector<16xf32> to vector<16xf32>
    %swap3A_1682 = vector.shape_cast %mul3A_1678 : vector<16xf32> to vector<16xf32>
    tpu.vector_store %arg9[%swap3A_1679], %swap3A_1682 {strides = array<i32>} : memref<1024xf32, #tpu.memory_space<vmem>>, vector<16xf32>,
    %get3A_1683 = arith.constant 960 : index
    %get3A_1684 = tpu.vector_load %arg9[%get3A_1683] {strides = array<i32>} : memref<1024xf32, #tpu.memory_space<vmem>>, vector<16xf32>,
    %get3A_1685 = vector.shape_cast %get3A_1684 : vector<16xf32> to vector<16xf32>
    %mul3A_1686 = arith.mulf %get3A_1685, %div3A_1202 : vector<16xf32>
    %swap3A_1687 = arith.constant 960 : index
    %swap3A_1688 = tpu.vector_load %arg9[%swap3A_1687] {strides = array<i32>} : memref<1024xf32, #tpu.memory_space<vmem>>, vector<16xf32>,
    %swap3A_1689 = vector.shape_cast %swap3A_1688 : vector<16xf32> to vector<16xf32>
    %swap3A_1690 = vector.shape_cast %mul3A_1686 : vector<16xf32> to vector<16xf32>
    tpu.vector_store %arg9[%swap3A_1687], %swap3A_1690 {strides = array<i32>} : memref<1024xf32, #tpu.memory_space<vmem>>, vector<16xf32>,
    %get3A_1691 = arith.constant 976 : index
    %get3A_1692 = tpu.vector_load %arg9[%get3A_1691] {strides = array<i32>} : memref<1024xf32, #tpu.memory_space<vmem>>, vector<16xf32>,
    %get3A_1693 = vector.shape_cast %get3A_1692 : vector<16xf32> to vector<16xf32>
    %mul3A_1694 = arith.mulf %get3A_1693, %div3A_1202 : vector<16xf32>
    %swap3A_1695 = arith.constant 976 : index
    %swap3A_1696 = tpu.vector_load %arg9[%swap3A_1695] {strides = array<i32>} : memref<1024xf32, #tpu.memory_space<vmem>>, vector<16xf32>,
    %swap3A_1697 = vector.shape_cast %swap3A_1696 : vector<16xf32> to vector<16xf32>
    %swap3A_1698 = vector.shape_cast %mul3A_1694 : vector<16xf32> to vector<16xf32>
    tpu.vector_store %arg9[%swap3A_1695], %swap3A_1698 {strides = array<i32>} : memref<1024xf32, #tpu.memory_space<vmem>>, vector<16xf32>,
    %get3A_1699 = arith.constant 992 : index
    %get3A_1700 = tpu.vector_load %arg9[%get3A_1699] {strides = array<i32>} : memref<1024xf32, #tpu.memory_space<vmem>>, vector<16xf32>,
    %get3A_1701 = vector.shape_cast %get3A_1700 : vector<16xf32> to vector<16xf32>
    %mul3A_1702 = arith.mulf %get3A_1701, %div3A_1202 : vector<16xf32>
    %swap3A_1703 = arith.constant 992 : index
    %swap3A_1704 = tpu.vector_load %arg9[%swap3A_1703] {strides = array<i32>} : memref<1024xf32, #tpu.memory_space<vmem>>, vector<16xf32>,
    %swap3A_1705 = vector.shape_cast %swap3A_1704 : vector<16xf32> to vector<16xf32>
    %swap3A_1706 = vector.shape_cast %mul3A_1702 : vector<16xf32> to vector<16xf32>
    tpu.vector_store %arg9[%swap3A_1703], %swap3A_1706 {strides = array<i32>} : memref<1024xf32, #tpu.memory_space<vmem>>, vector<16xf32>,
    %get3A_1707 = arith.constant 1008 : index
    %get3A_1708 = tpu.vector_load %arg9[%get3A_1707] {strides = array<i32>} : memref<1024xf32, #tpu.memory_space<vmem>>, vector<16xf32>,
    %get3A_1709 = vector.shape_cast %get3A_1708 : vector<16xf32> to vector<16xf32>
    %mul3A_1710 = arith.mulf %get3A_1709, %div3A_1202 : vector<16xf32>
    %swap3A_1711 = arith.constant 1008 : index
    %swap3A_1712 = tpu.vector_load %arg9[%swap3A_1711] {strides = array<i32>} : memref<1024xf32, #tpu.memory_space<vmem>>, vector<16xf32>,
    %swap3A_1713 = vector.shape_cast %swap3A_1712 : vector<16xf32> to vector<16xf32>
    %swap3A_1714 = vector.shape_cast %mul3A_1710 : vector<16xf32> to vector<16xf32>
    tpu.vector_store %arg9[%swap3A_1711], %swap3A_1714 {strides = array<i32>} : memref<1024xf32, #tpu.memory_space<vmem>>, vector<16xf32>,
    %eq3A_1715 = arith.constant 0 : i32
    %eq3A_1716 = arith.cmpi eq, %arg1, %eq3A_1715 : i32
    %convert_element_type3A_1717 = arith.extui %eq3A_1716 : i1 to i32
    %cond3A_1718 = arith.constant 0 : i32
    %cond3A_1719 = arith.cmpi ne, %convert_element_type3A_1717, %cond3A_1718 : i32
    scf.if %cond3A_1719 {
      "tpu.region"() ({
        %run_scoped3A_1727 = tpu.sem_alloc : memref<!tpu.dma_semaphore, #tpu.memory_space<semaphore_mem>>
        tpu.enqueue_dma source(%arg9 : memref<1024xf32, #tpu.memory_space<vmem>>) target(%arg12 : memref<1024xf32, #tpu.memory_space<vmem_shared>>) target_semaphore(%run_scoped3A_1727 : memref<!tpu.dma_semaphore, #tpu.memory_space<semaphore_mem>>)
        tpu.wait_dma2 semaphore(%run_scoped3A_1727 : memref<!tpu.dma_semaphore, #tpu.memory_space<semaphore_mem>>) src(%arg9 : memref<1024xf32, #tpu.memory_space<vmem>>) dst(%arg12 : memref<1024xf32, #tpu.memory_space<vmem_shared>>)
        tpu.yield
      }) : () -> ()
    } else {
    }
    %barrier3A_1720 = arith.constant 0 : index
    tpu.barrier barrier_id(%barrier3A_1720)
    %run_scoped3A_1721 = arith.constant 0 : i32
    "tpu.region"() ({
      %run_scoped3A_1727 = tpu.sem_alloc : memref<!tpu.dma_semaphore, #tpu.memory_space<semaphore_mem>>
      %dma_start3A = arith.constant 0 : i32
      %dma_start3A_1728 = tpu.memref_slice %arg10[%dma_start3A] : memref<512xf32, #tpu.memory_space<vmem>> -> memref<128xf32, #tpu.memory_space<vmem>>
      %dma_start3A_1729 = arith.constant 0 : i32
      %dma_start3A_1730 = tpu.memref_slice %arg6[%run_scoped3A_1721, %dma_start3A_1729] : memref<4x128xi32, #tpu.memory_space<vmem>> -> memref<1x128xi32, #tpu.memory_space<vmem>>
      %dma_start3A_1731 = tpu.memref_squeeze %dma_start3A_1730 : memref<1x128xi32, #tpu.memory_space<vmem>> -> memref<128xi32, #tpu.memory_space<vmem>>
      %dma_start3A_1732 = arith.constant 0 : i32
      %dma_start3A_1733 = tpu.memref_slice %arg12[%dma_start3A_1732] : memref<1024xf32, #tpu.memory_space<vmem_shared>> -> memref<1024xf32, #tpu.memory_space<vmem_shared>>
      tpu.enqueue_indirect_dma source(%dma_start3A_1733 : memref<1024xf32, #tpu.memory_space<vmem_shared>>) target(%dma_start3A_1728 : memref<128xf32, #tpu.memory_space<vmem>>) offsets(%dma_start3A_1731 : memref<128xi32, #tpu.memory_space<vmem>>) semaphore(%run_scoped3A_1727 : memref<!tpu.dma_semaphore, #tpu.memory_space<semaphore_mem>>)
      %dma_wait3A = arith.constant 0 : i32
      %dma_wait3A_1734 = tpu.memref_slice %arg10[%dma_wait3A] : memref<512xf32, #tpu.memory_space<vmem>> -> memref<128xf32, #tpu.memory_space<vmem>>
      %dma_wait3A_1735 = arith.constant 0 : i32
      %dma_wait3A_1736 = tpu.memref_slice %arg6[%run_scoped3A_1721, %dma_wait3A_1735] : memref<4x128xi32, #tpu.memory_space<vmem>> -> memref<1x128xi32, #tpu.memory_space<vmem>>
      %dma_wait3A_1737 = tpu.memref_squeeze %dma_wait3A_1736 : memref<1x128xi32, #tpu.memory_space<vmem>> -> memref<128xi32, #tpu.memory_space<vmem>>
      %dma_wait3A_1738 = arith.constant 0 : i32
      %dma_wait3A_1739 = tpu.memref_slice %arg12[%dma_wait3A_1738] : memref<1024xf32, #tpu.memory_space<vmem_shared>> -> memref<1024xf32, #tpu.memory_space<vmem_shared>>
      tpu.wait_indirect_dma semaphore(%run_scoped3A_1727 : memref<!tpu.dma_semaphore, #tpu.memory_space<semaphore_mem>>) src(%dma_wait3A_1739 : memref<1024xf32, #tpu.memory_space<vmem_shared>>) dst(%dma_wait3A_1734 : memref<128xf32, #tpu.memory_space<vmem>>)
      tpu.yield
    }) : () -> ()
    %run_scoped3A_1722 = arith.constant 1 : i32
    "tpu.region"() ({
      %run_scoped3A_1727 = tpu.sem_alloc : memref<!tpu.dma_semaphore, #tpu.memory_space<semaphore_mem>>
      %dma_start3A = arith.constant 128 : i32
      %dma_start3A_1728 = tpu.memref_slice %arg10[%dma_start3A] : memref<512xf32, #tpu.memory_space<vmem>> -> memref<128xf32, #tpu.memory_space<vmem>>
      %dma_start3A_1729 = arith.constant 0 : i32
      %dma_start3A_1730 = tpu.memref_slice %arg6[%run_scoped3A_1722, %dma_start3A_1729] : memref<4x128xi32, #tpu.memory_space<vmem>> -> memref<1x128xi32, #tpu.memory_space<vmem>>
      %dma_start3A_1731 = tpu.memref_squeeze %dma_start3A_1730 : memref<1x128xi32, #tpu.memory_space<vmem>> -> memref<128xi32, #tpu.memory_space<vmem>>
      %dma_start3A_1732 = arith.constant 0 : i32
      %dma_start3A_1733 = tpu.memref_slice %arg12[%dma_start3A_1732] : memref<1024xf32, #tpu.memory_space<vmem_shared>> -> memref<1024xf32, #tpu.memory_space<vmem_shared>>
      tpu.enqueue_indirect_dma source(%dma_start3A_1733 : memref<1024xf32, #tpu.memory_space<vmem_shared>>) target(%dma_start3A_1728 : memref<128xf32, #tpu.memory_space<vmem>>) offsets(%dma_start3A_1731 : memref<128xi32, #tpu.memory_space<vmem>>) semaphore(%run_scoped3A_1727 : memref<!tpu.dma_semaphore, #tpu.memory_space<semaphore_mem>>)
      %dma_wait3A = arith.constant 128 : i32
      %dma_wait3A_1734 = tpu.memref_slice %arg10[%dma_wait3A] : memref<512xf32, #tpu.memory_space<vmem>> -> memref<128xf32, #tpu.memory_space<vmem>>
      %dma_wait3A_1735 = arith.constant 0 : i32
      %dma_wait3A_1736 = tpu.memref_slice %arg6[%run_scoped3A_1722, %dma_wait3A_1735] : memref<4x128xi32, #tpu.memory_space<vmem>> -> memref<1x128xi32, #tpu.memory_space<vmem>>
      %dma_wait3A_1737 = tpu.memref_squeeze %dma_wait3A_1736 : memref<1x128xi32, #tpu.memory_space<vmem>> -> memref<128xi32, #tpu.memory_space<vmem>>
      %dma_wait3A_1738 = arith.constant 0 : i32
      %dma_wait3A_1739 = tpu.memref_slice %arg12[%dma_wait3A_1738] : memref<1024xf32, #tpu.memory_space<vmem_shared>> -> memref<1024xf32, #tpu.memory_space<vmem_shared>>
      tpu.wait_indirect_dma semaphore(%run_scoped3A_1727 : memref<!tpu.dma_semaphore, #tpu.memory_space<semaphore_mem>>) src(%dma_wait3A_1739 : memref<1024xf32, #tpu.memory_space<vmem_shared>>) dst(%dma_wait3A_1734 : memref<128xf32, #tpu.memory_space<vmem>>)
      tpu.yield
    }) : () -> ()
    %run_scoped3A_1723 = arith.constant 2 : i32
    "tpu.region"() ({
      %run_scoped3A_1727 = tpu.sem_alloc : memref<!tpu.dma_semaphore, #tpu.memory_space<semaphore_mem>>
      %dma_start3A = arith.constant 256 : i32
      %dma_start3A_1728 = tpu.memref_slice %arg10[%dma_start3A] : memref<512xf32, #tpu.memory_space<vmem>> -> memref<128xf32, #tpu.memory_space<vmem>>
      %dma_start3A_1729 = arith.constant 0 : i32
      %dma_start3A_1730 = tpu.memref_slice %arg6[%run_scoped3A_1723, %dma_start3A_1729] : memref<4x128xi32, #tpu.memory_space<vmem>> -> memref<1x128xi32, #tpu.memory_space<vmem>>
      %dma_start3A_1731 = tpu.memref_squeeze %dma_start3A_1730 : memref<1x128xi32, #tpu.memory_space<vmem>> -> memref<128xi32, #tpu.memory_space<vmem>>
      %dma_start3A_1732 = arith.constant 0 : i32
      %dma_start3A_1733 = tpu.memref_slice %arg12[%dma_start3A_1732] : memref<1024xf32, #tpu.memory_space<vmem_shared>> -> memref<1024xf32, #tpu.memory_space<vmem_shared>>
      tpu.enqueue_indirect_dma source(%dma_start3A_1733 : memref<1024xf32, #tpu.memory_space<vmem_shared>>) target(%dma_start3A_1728 : memref<128xf32, #tpu.memory_space<vmem>>) offsets(%dma_start3A_1731 : memref<128xi32, #tpu.memory_space<vmem>>) semaphore(%run_scoped3A_1727 : memref<!tpu.dma_semaphore, #tpu.memory_space<semaphore_mem>>)
      %dma_wait3A = arith.constant 256 : i32
      %dma_wait3A_1734 = tpu.memref_slice %arg10[%dma_wait3A] : memref<512xf32, #tpu.memory_space<vmem>> -> memref<128xf32, #tpu.memory_space<vmem>>
      %dma_wait3A_1735 = arith.constant 0 : i32
      %dma_wait3A_1736 = tpu.memref_slice %arg6[%run_scoped3A_1723, %dma_wait3A_1735] : memref<4x128xi32, #tpu.memory_space<vmem>> -> memref<1x128xi32, #tpu.memory_space<vmem>>
      %dma_wait3A_1737 = tpu.memref_squeeze %dma_wait3A_1736 : memref<1x128xi32, #tpu.memory_space<vmem>> -> memref<128xi32, #tpu.memory_space<vmem>>
      %dma_wait3A_1738 = arith.constant 0 : i32
      %dma_wait3A_1739 = tpu.memref_slice %arg12[%dma_wait3A_1738] : memref<1024xf32, #tpu.memory_space<vmem_shared>> -> memref<1024xf32, #tpu.memory_space<vmem_shared>>
      tpu.wait_indirect_dma semaphore(%run_scoped3A_1727 : memref<!tpu.dma_semaphore, #tpu.memory_space<semaphore_mem>>) src(%dma_wait3A_1739 : memref<1024xf32, #tpu.memory_space<vmem_shared>>) dst(%dma_wait3A_1734 : memref<128xf32, #tpu.memory_space<vmem>>)
      tpu.yield
    }) : () -> ()
    %run_scoped3A_1724 = arith.constant 3 : i32
    "tpu.region"() ({
      %run_scoped3A_1727 = tpu.sem_alloc : memref<!tpu.dma_semaphore, #tpu.memory_space<semaphore_mem>>
      %dma_start3A = arith.constant 384 : i32
      %dma_start3A_1728 = tpu.memref_slice %arg10[%dma_start3A] : memref<512xf32, #tpu.memory_space<vmem>> -> memref<128xf32, #tpu.memory_space<vmem>>
      %dma_start3A_1729 = arith.constant 0 : i32
      %dma_start3A_1730 = tpu.memref_slice %arg6[%run_scoped3A_1724, %dma_start3A_1729] : memref<4x128xi32, #tpu.memory_space<vmem>> -> memref<1x128xi32, #tpu.memory_space<vmem>>
      %dma_start3A_1731 = tpu.memref_squeeze %dma_start3A_1730 : memref<1x128xi32, #tpu.memory_space<vmem>> -> memref<128xi32, #tpu.memory_space<vmem>>
      %dma_start3A_1732 = arith.constant 0 : i32
      %dma_start3A_1733 = tpu.memref_slice %arg12[%dma_start3A_1732] : memref<1024xf32, #tpu.memory_space<vmem_shared>> -> memref<1024xf32, #tpu.memory_space<vmem_shared>>
      tpu.enqueue_indirect_dma source(%dma_start3A_1733 : memref<1024xf32, #tpu.memory_space<vmem_shared>>) target(%dma_start3A_1728 : memref<128xf32, #tpu.memory_space<vmem>>) offsets(%dma_start3A_1731 : memref<128xi32, #tpu.memory_space<vmem>>) semaphore(%run_scoped3A_1727 : memref<!tpu.dma_semaphore, #tpu.memory_space<semaphore_mem>>)
      %dma_wait3A = arith.constant 384 : i32
      %dma_wait3A_1734 = tpu.memref_slice %arg10[%dma_wait3A] : memref<512xf32, #tpu.memory_space<vmem>> -> memref<128xf32, #tpu.memory_space<vmem>>
      %dma_wait3A_1735 = arith.constant 0 : i32
      %dma_wait3A_1736 = tpu.memref_slice %arg6[%run_scoped3A_1724, %dma_wait3A_1735] : memref<4x128xi32, #tpu.memory_space<vmem>> -> memref<1x128xi32, #tpu.memory_space<vmem>>
      %dma_wait3A_1737 = tpu.memref_squeeze %dma_wait3A_1736 : memref<1x128xi32, #tpu.memory_space<vmem>> -> memref<128xi32, #tpu.memory_space<vmem>>
      %dma_wait3A_1738 = arith.constant 0 : i32
      %dma_wait3A_1739 = tpu.memref_slice %arg12[%dma_wait3A_1738] : memref<1024xf32, #tpu.memory_space<vmem_shared>> -> memref<1024xf32, #tpu.memory_space<vmem_shared>>
      tpu.wait_indirect_dma semaphore(%run_scoped3A_1727 : memref<!tpu.dma_semaphore, #tpu.memory_space<semaphore_mem>>) src(%dma_wait3A_1739 : memref<1024xf32, #tpu.memory_space<vmem_shared>>) dst(%dma_wait3A_1734 : memref<128xf32, #tpu.memory_space<vmem>>)
      tpu.yield
    }) : () -> ()
    %mul3A_1725 = arith.constant 512 : i32
    %mul3A_1726 = arith.muli %add3A, %mul3A_1725 : i32
    "tpu.region"() ({
      %run_scoped3A_1727 = tpu.sem_alloc : memref<!tpu.dma_semaphore, #tpu.memory_space<semaphore_mem>>
      %dma_start3A = tpu.memref_slice %arg4[%mul3A_1726] : memref<16384xf32, #tpu.memory_space<hbm>> -> memref<512xf32, #tpu.memory_space<hbm>>
      %dma_start3A_1728 = tpu.memref_slice %arg4[%mul3A_1726] : memref<16384xf32, #tpu.memory_space<hbm>> -> memref<512xf32, #tpu.memory_space<hbm>>
      tpu.enqueue_dma source(%arg10 : memref<512xf32, #tpu.memory_space<vmem>>) target(%dma_start3A_1728 : memref<512xf32, #tpu.memory_space<hbm>>) target_semaphore(%run_scoped3A_1727 : memref<!tpu.dma_semaphore, #tpu.memory_space<semaphore_mem>>)
      %dma_wait3A = tpu.memref_slice %arg4[%mul3A_1726] : memref<16384xf32, #tpu.memory_space<hbm>> -> memref<512xf32, #tpu.memory_space<hbm>>
      %dma_wait3A_1729 = tpu.memref_slice %arg4[%mul3A_1726] : memref<16384xf32, #tpu.memory_space<hbm>> -> memref<512xf32, #tpu.memory_space<hbm>>
      tpu.wait_dma2 semaphore(%run_scoped3A_1727 : memref<!tpu.dma_semaphore, #tpu.memory_space<semaphore_mem>>) src(%arg10 : memref<512xf32, #tpu.memory_space<vmem>>) dst(%dma_wait3A_1729 : memref<512xf32, #tpu.memory_space<hbm>>)
      tpu.yield
    }) : () -> ()
    return
  }
}

module attributes {stable_mosaic.version = 14 : i64} {
  func.func @_stream_kernel(%arg0: i32, %arg1: memref<2048x1000xf32, #tpu.memory_space<vmem>>, %arg2: memref<2048x1xi32, #tpu.memory_space<vmem>>, %arg3: memref<2048x1xf32, #tpu.memory_space<vmem>>) attributes {dimension_semantics = [#tpu.dimension_semantics<parallel>], iteration_bounds = array<i64: 8>, scalar_prefetch = 0 : i64, scratch_operands = 0 : i64, tpu.core_type = #tpu.core_type<tc>, window_params = [{transform_indices = @transform_0, window_bounds = array<i64: 2048, 1000>}, {transform_indices = @transform_1, window_bounds = array<i64: 2048, 1>}, {transform_indices = @transform_2, window_bounds = array<i64: 2048, 1>}]} {
    %get3A = arith.constant 0 : index
    %get3A_0 = arith.constant 0 : index
    %get3A_1 = vector.load %arg1[%get3A, %get3A_0] : memref<2048x1000xf32, #tpu.memory_space<vmem>>, vector<2048x1000xf32>
    %get3A_2 = arith.constant 0 : index
    %get3A_3 = arith.constant 0 : index
    %get3A_4 = vector.load %arg2[%get3A_2, %get3A_3] : memref<2048x1xi32, #tpu.memory_space<vmem>>, vector<2048x1xi32>
    %reduce_max3A = arith.constant dense<0xFF800000> : vector<2048xf32>
    %reduce_max3A_5 = vector.multi_reduction <maximumf>, %get3A_1, %reduce_max3A [1] : vector<2048x1000xf32> to vector<2048xf32>
    %broadcast_in_dim3A = vector.shape_cast %reduce_max3A_5 : vector<2048xf32> to vector<2048x1xf32>
    %sub3A = vector.broadcast %broadcast_in_dim3A : vector<2048x1xf32> to vector<2048x1000xf32>
    %sub3A_6 = arith.subf %get3A_1, %sub3A : vector<2048x1000xf32>
    %exp3A = math.exp %sub3A_6 : vector<2048x1000xf32>
    %iota3A = tpu.iota {dimensions = array<i32: 1>} : vector<2048x1000xi32>
    %eq3A = vector.broadcast %get3A_4 : vector<2048x1xi32> to vector<2048x1000xi32>
    %eq3A_7 = arith.cmpi eq, %iota3A, %eq3A : vector<2048x1000xi32>
    %jit3A = arith.constant 0.000000e+00 : f32
    %broadcast_in_dim3A_8 = vector.broadcast %jit3A : f32 to vector<2048x1000xf32>
    %select_n3A = arith.select %eq3A_7, %get3A_1, %broadcast_in_dim3A_8 : vector<2048x1000xi1>, vector<2048x1000xf32>
    %broadcast_in_dim3A_9 = arith.constant 1.000000e+00 : f32
    %broadcast_in_dim3A_10 = vector.broadcast %broadcast_in_dim3A_9 : f32 to vector<1000x1xf32>
    %dot_general3A = arith.constant dense<0.000000e+00> : vector<2048x1xf32>
    %dot_general3A_11 = tpu.matmul %exp3A, %broadcast_in_dim3A_10, %dot_general3A {dimension_numbers = #tpu.dot_dimension_numbers<[1], [0], [0], [1], [0, 0, 1, 1], [], []>, transpose_lhs_hint = false} : vector<2048x1000xf32>, vector<1000x1xf32>, vector<2048x1xf32> -> vector<2048x1xf32>
    %dot_general3A_12 = arith.constant dense<0.000000e+00> : vector<2048x1xf32>
    %dot_general3A_13 = tpu.matmul %select_n3A, %broadcast_in_dim3A_10, %dot_general3A_12 {dimension_numbers = #tpu.dot_dimension_numbers<[1], [0], [0], [1], [0, 0, 1, 1], [], []>, transpose_lhs_hint = false} : vector<2048x1000xf32>, vector<1000x1xf32>, vector<2048x1xf32> -> vector<2048x1xf32>
    %log3A = math.log %dot_general3A_11 : vector<2048x1xf32>
    %add3A = arith.addf %broadcast_in_dim3A, %log3A : vector<2048x1xf32>
    %sub3A_14 = arith.subf %add3A, %dot_general3A_13 : vector<2048x1xf32>
    %swap3A = arith.constant 0 : index
    %swap3A_15 = arith.constant 0 : index
    %swap3A_16 = vector.load %arg3[%swap3A, %swap3A_15] : memref<2048x1xf32, #tpu.memory_space<vmem>>, vector<2048x1xf32>
    tpu.vector_store %arg3[%swap3A, %swap3A_15], %sub3A_14 {strides = array<i32>} : memref<2048x1xf32, #tpu.memory_space<vmem>>, vector<2048x1xf32>,
    return
  }
  func.func @transform_0(%arg0: i32) -> (i32, i32) {
    %c0_i32 = arith.constant 0 : i32
    %c0_i32_0 = arith.constant 0 : i32
    return %arg0, %c0_i32 : i32, i32
  }
  func.func @transform_1(%arg0: i32) -> (i32, i32) {
    %c0_i32 = arith.constant 0 : i32
    %c0_i32_0 = arith.constant 0 : i32
    return %arg0, %c0_i32 : i32, i32
  }
  func.func @transform_2(%arg0: i32) -> (i32, i32) {
    %c0_i32 = arith.constant 0 : i32
    %c0_i32_0 = arith.constant 0 : i32
    return %arg0, %c0_i32 : i32, i32
  }
}

module attributes {stable_mosaic.version = 14 : i64} {
  func.func @_combine_kernel(%arg0: memref<128x128xf32, #tpu.memory_space<vmem>>, %arg1: memref<128x128xf32, #tpu.memory_space<vmem>>, %arg2: memref<1x1xf32, #tpu.memory_space<vmem>>) attributes {dimension_semantics = [], scalar_prefetch = 0 : i64, scratch_operands = 0 : i64, tpu.core_type = #tpu.core_type<tc>} {
    %get3A = arith.constant 0 : index
    %get3A_0 = arith.constant 0 : index
    %get3A_1 = vector.load %arg0[%get3A, %get3A_0] : memref<128x128xf32, #tpu.memory_space<vmem>>, vector<128x128xf32>
    %get3A_2 = arith.constant 0 : index
    %get3A_3 = arith.constant 0 : index
    %get3A_4 = vector.load %arg1[%get3A_2, %get3A_3] : memref<128x128xf32, #tpu.memory_space<vmem>>, vector<128x128xf32>
    %mul3A = arith.mulf %get3A_4, %get3A_1 : vector<128x128xf32>
    %neg3A = arith.constant 0.000000e+00 : f32
    %neg3A_5 = vector.broadcast %neg3A : f32 to vector<128x128xf32>
    %neg3A_6 = arith.subf %neg3A_5, %mul3A : vector<128x128xf32>
    %exp3A = math.exp %neg3A_6 : vector<128x128xf32>
    %sub3A = arith.constant 1.000000e+00 : f32
    %sub3A_7 = vector.broadcast %sub3A : f32 to vector<128x128xf32>
    %sub3A_8 = arith.subf %sub3A_7, %exp3A : vector<128x128xf32>
    %pow3A = arith.constant 2.000000e+00 : f32
    %pow3A_9 = vector.broadcast %pow3A : f32 to vector<128x128xf32>
    %pow3A_10 = math.powf %sub3A_8, %pow3A_9 : vector<128x128xf32>
    %mul3A_11 = arith.mulf %pow3A_10, %mul3A : vector<128x128xf32>
    %reduce_sum3A = vector.shape_cast %mul3A_11 : vector<128x128xf32> to vector<1x128x128xf32>
    %reduce_sum3A_12 = arith.constant dense<0.000000e+00> : vector<1xf32>
    %reduce_sum3A_13 = vector.multi_reduction <add>, %reduce_sum3A, %reduce_sum3A_12 [1, 2] : vector<1x128x128xf32> to vector<1xf32>
    %reduce_sum3A_14 = vector.shape_cast %reduce_sum3A_13 : vector<1xf32> to vector<1x1x1xf32>
    %reduce_sum3A_15 = vector.extract %reduce_sum3A_14[0, 0, 0] : f32 from vector<1x1x1xf32>
    %reshape3A = vector.broadcast %reduce_sum3A_15 : f32 to vector<1x1xf32>
    %div3A = arith.constant 1.638400e+04 : f32
    %div3A_16 = vector.broadcast %div3A : f32 to vector<1x1xf32>
    %div3A_17 = arith.divf %reshape3A, %div3A_16 : vector<1x1xf32>
    %swap3A = arith.constant 0 : index
    %swap3A_18 = arith.constant 0 : index
    %swap3A_19 = vector.load %arg2[%swap3A, %swap3A_18] : memref<1x1xf32, #tpu.memory_space<vmem>>, vector<1x1xf32>
    tpu.vector_store %arg2[%swap3A, %swap3A_18], %div3A_17 {strides = array<i32>} : memref<1x1xf32, #tpu.memory_space<vmem>>, vector<1x1xf32>,
    return
  }
}

</mosaic_0001>

<sc_bundles>
// kernel: kernel.5.cloned.1.call-start
scs
__scs_entry_jumppad:
0x0: {  	(pc) =	sbr.rel $0x88, $3  }
0x1: {  	(tag) =	ssettag $0x0;
	lr =	simm.s32 $0x1  }
0x2: {  	[smem:$0x3F9F] =	sst lr;
	_ =	strace $0xD0000000  }
0x3: {  	_ = 	snop  }
0x4: {  	_ = 	snop  }
0x5: {  	_ = 	snop  }
0x6: {  	_ = 	snop  }
0x7: {  	_ = 	snop  }
__scs_overlays_trampoline_lowered:
0x8: {  	[smem:$0x3FAE] =	sst s0  }
0x9: {  	[smem:$0x3FAF] =	sst s1  }
0xa: {  	[smem:$0x3FB0] =	sst s2  }
0xb: {  	[smem:$0x3FB1] =	sst s3  }
0xc: {  	[smem:$0x3FB2] =	sst s4  }
0xd: {  	[smem:$0x3FB3] =	sst s5  }
0xe: {  	[smem:$0x3FB4] =	sst s6  }
0xf: {  	[smem:$0x3FB5] =	sst s7  }
0x10: {  	[smem:$0x3FB6] =	sst s8  }
0x11: {  	[smem:$0x3FB7] =	sst s9;
	s0 =	simm.s32 @!p0 $0x0  }
0x12: {  	s1 =	sld [smem:$0x3F9D];
	s0 =	simm.s32 @p0 $0x1  }
0x13: {  	[smem:$0x3FB8] =	sst s0;
	s0 =	simm.s32 @!p1 $0x0  }
0x14: {  	s2 =	sld [smem:$0x3F9C];
	s0 =	simm.s32 @p1 $0x1  }
0x15: {  	[smem:$0x3FB9] =	sst s0;
	s0 =	simm.s32 @!p2 $0x0  }
0x16: {  	s3 =	sld [smem:$0x3FDB];
	s0 =	simm.s32 @p2 $0x1  }
0x17: {  	s4 =	simm.s32 $0x1BF5;
	[smem:$0x3FBB] =	sst s0  }
0x18: {  	s0 =	sld [smem:$0x3F9E];
	_ =	swait.ge [sflag:s4], $0x0  }
0x19: {  	s7 =	sld [smem:$0x3F9F]  }
0x1a: {  	s8 =	sadd.s32 $0xFFFFE003, lr  }
0x1b: {  	s9 =	sadd.s32 $0xFFFFFEF7, lr;
	s5 =	simm.s32 $0xFFFFFFFF;
	p2 =	slt.u32 s8, $0xFFFFF086  }
0x1c: {  	p1 =	slt.u32 s9, $0xF7A;
	s5 =	simm.s32 @!p2 $0x0  }
0x1d: {  	s5 =	simm.s32 @p1 $0x1;
	p0 =	seq.s32 s7, s2  }
0x1e: {  	s7 =	smul.u32 @!p0 $0xF7A, s2;
	p2 =	seq.s32 @!p0 s5, $0x0  }
0x1f: {  	s9 =	smul.u32 $0xF7A, s1;
	s8 =	simm.s32 @!p0 $0x1BF5;
	p2 =	por !p2, p0  }
0x20: {  	[sflag:s8] =	ssyncset.s32 @!p0 $0xFFFFF086;
	s6 =	sadd.s32 @!p0 s3, s7;
	s7 =	simm.s32 @!p0 $0x108  }
0x21: {  	s3 =	sadd.s32 s3, s9;
	s6 =	sadd.s32 @!p0 $0x88, s6;
	s7 =	simm.s32 @p2 $0x1082  }
0x22: {  	[simem:s7], [sflag:s8] =	dma.local @!p0 [hbm:s6], $0xF7A  }
0x23: {  	s9 =	sor.u32 $0xD0000000, s2;
	s6 =	simm.s32 $0x108;
	_ =	swait.ge @!p0 [sflag:s8], $0x0  }
0x24: {  	s3 =	sadd.s32 $0x88, s3;
	s6 =	simm.s32 @!p1 $0x1082;
	[sflag:s4] =	ssyncset.s32 $0xFFFFF086  }
0x25: {  	[simem:s6], [sflag:s4] =	dma.local [hbm:s3], $0xF7A  }
0x26: {  	[smem:$0x3F9F] =	sst s1;
	(tag) =	ssettag s2;
	_ =	strace s9  }
0x27: {  	s1 =	sld [smem:$0x3FAF]  }
0x28: {  	s2 =	sld [smem:$0x3FB0]  }
0x29: {  	s4 =	sld [smem:$0x3FB2]  }
0x2a: {  	p0 =	seq.s32 s5, $0x0;
	s5 =	sld [smem:$0x3FB3]  }
0x2b: {  	s6 =	sld [smem:$0x3FB4]  }
0x2c: {  	s7 =	sld [smem:$0x3FB5]  }
0x2d: {  	s3 =	simm.s32 $0x108;
	s8 =	sld [smem:$0x3FB6]  }
0x2e: {  	s3 =	simm.s32 @!p0 $0x1082;
	s9 =	sld [smem:$0x3FB7]  }
0x2f: {  	lr =	sadd.s32 s0, s3;
	s0 =	sld [smem:$0x3FAE]  }
0x30: {  	s3 =	sld [smem:$0x3FB1]  }
0x31: {  	[smem:$0x3FBA] =	sst s10  }
0x32: {  	s10 =	sld [smem:$0x3FB8];
	_ =	sdelay $0x3  }
0x33: {  	p0 =	seq.s32 s10, $0x1;
	s10 =	sld [smem:$0x3FBA];
	_ =	sdelay $0x3  }
0x34: {  	[smem:$0x3FBA] =	sst s10  }
0x35: {  	s10 =	sld [smem:$0x3FB9];
	_ =	sdelay $0x3  }
0x36: {  	p1 =	seq.s32 s10, $0x1;
	s10 =	sld [smem:$0x3FBA];
	_ =	sdelay $0x3  }
0x37: {  	[smem:$0x3FBA] =	sst s10  }
0x38: {  	s10 =	sld [smem:$0x3FBB]  }
0x39: {  	_ = 	snop;
	(pc) =	sbr.ind lr, $3  }
0x3a: {  	_ = 	snop  }
0x3b: {  	_ = 	snop  }
0x3c: {  	p2 =	seq.s32 s10, $0x1;
	s10 =	sld [smem:$0x3FBA]  }
0x3d: {  	_ =	shalt  }
0x3e: {  	_ =	shalt  }
0x3f: {  	_ =	shalt  }
0x40: {  	_ =	shalt  }
0x41: {  	_ =	shalt  }
0x42: {  	_ =	shalt  }
0x43: {  	_ =	shalt  }
0x44: {  	_ =	shalt  }
0x45: {  	_ =	shalt  }
0x46: {  	_ =	shalt  }
0x47: {  	_ =	shalt  }
0x48: {  	_ =	shalt  }
0x49: {  	_ =	shalt  }
0x4a: {  	_ =	shalt  }
0x4b: {  	_ =	shalt  }
0x4c: {  	_ =	shalt  }
0x4d: {  	_ =	shalt  }
0x4e: {  	_ =	shalt  }
0x4f: {  	_ =	shalt  }
0x50: {  	_ =	shalt  }
0x51: {  	_ =	shalt  }
0x52: {  	_ =	shalt  }
0x53: {  	_ =	shalt  }
0x54: {  	_ =	shalt  }
0x55: {  	_ =	shalt  }
0x56: {  	_ =	shalt  }
0x57: {  	_ =	shalt  }
0x58: {  	_ =	shalt  }
0x59: {  	_ =	shalt  }
0x5a: {  	_ =	shalt  }
0x5b: {  	_ =	shalt  }
0x5c: {  	_ =	shalt  }
0x5d: {  	_ =	shalt  }
0x5e: {  	_ =	shalt  }
0x5f: {  	_ =	shalt  }
0x60: {  	_ =	shalt  }
0x61: {  	_ =	shalt  }
0x62: {  	_ =	shalt  }
0x63: {  	_ =	shalt  }
0x64: {  	_ =	shalt  }
0x65: {  	_ =	shalt  }
0x66: {  	_ =	shalt  }
0x67: {  	_ =	shalt  }
0x68: {  	_ =	shalt  }
0x69: {  	_ =	shalt  }
0x6a: {  	_ =	shalt  }
0x6b: {  	_ =	shalt  }
0x6c: {  	_ =	shalt  }
0x6d: {  	_ =	shalt  }
0x6e: {  	_ =	shalt  }
0x6f: {  	_ =	shalt  }
0x70: {  	_ =	shalt  }
0x71: {  	_ =	shalt  }
0x72: {  	_ =	shalt  }
0x73: {  	_ =	shalt  }
0x74: {  	_ =	shalt  }
0x75: {  	_ =	shalt  }
0x76: {  	_ =	shalt  }
0x77: {  	_ =	shalt  }
0x78: {  	_ =	shalt  }
0x79: {  	_ =	shalt  }
0x7a: {  	_ =	shalt  }
0x7b: {  	_ =	shalt  }
0x7c: {  	_ =	shalt  }
0x7d: {  	_ =	shalt  }
0x7e: {  	_ =	shalt  }
0x7f: {  	_ =	shalt  }
0x80: {  	_ =	shalt  }
0x81: {  	_ =	shalt  }
0x82: {  	_ =	shalt  }
0x83: {  	_ =	shalt  }
0x84: {  	_ =	shalt  }
0x85: {  	_ =	shalt  }
0x86: {  	_ =	shalt  }
0x87: {  	_ =	shalt  }
.Lfunc_end0:
.L_simem_size_0:
called_computation_lowered:
.L_overlay_start_0:
0x88: {  	s2 =	sld [smem:$0x3FD9]  }
0x89: {  	s3 =	sld [smem:$0x3FFE];
	_ =	sdelay $0x1  }
0x8a: {  	s1 =	srdreg.scid  }
0x8b: {  	s0 =	sand.u32 $0x1, s1  }
0x8c: {  	s17 =	sshll.u32 s0, $0xA;
	s2 =	sadd.s32 s3, s2  }
0x8d: {  	s2 =	sadd.s32 s2, s17  }
0x8e: {  	[smem:$0x3FC6] =	sst s2  }
0x8f: {  	_ = 	snop  }
0x90: {  	s2 =	sld [smem:$0x3FC8];
	(tm) =	ssettm $0x1  }
0x91: {  	s18 =	sld [smem:$0x3FFB];
	_ =	sdelay $0x3  }
0x92: {  	_ =	strace s18  }
0x93: {  	s3 =	sld [smem:$0x3FFC];
	_ =	sdelay $0x3  }
0x94: {  	_ =	strace s3  }
0x95: {  	s3 =	sld [smem:$0x3FFD];
	_ =	sdelay $0x3  }
0x96: {  	_ =	strace s3  }
0x97: {  	_ =	strace $0x8FFFFFFF  }
0x98: {  	s19 =	sld [smem:$0x3FDB];
	_ =	sdelay $0x1  }
0x99: {  	s4 =	simm.s32 $_scs_section_size  }
0x9a: {  	s5 =	simm.s32 $_size__tile_overlayer_lowered;
	s6 =	simm.s32 $_tile_overlayer_lowered  }
0x9b: {  	s22 =	simm.s32 $0x1BFF;
	s21 =	sshll.u32 s6, $0x1;
	s3 =	sadd.s32 s4, s19  }
0x9c: {  	s7 =	simm.s32 $0x0;
	s20 =	sshll.u32 s5, $0x1;
	s5 =	sadd.s32 s21, s3  }
0x9d: {  	[timem:s7], [sflag:s22] =	dma.local [hbm:s5], s20  }
0x9e: {  	_ =	swait.ge [sflag:s22], s20  }
0x9f: {  	s4 =	ssub.s32 $0x0, s20;
	[sflag:s22] =	ssyncset.done $0x0  }
0xa0: {  	[sflag:s22] =	ssyncadd.s32 s4;
	_ =	sdelay $0x1  }
0xa1: {  	s23 =	simm.s32 $0x1B8B  }
0xa2: {  	_ =	swait.ge [sflag:s23], $0x1  }
0xa3: {  	[sflag:s23] =	ssyncset.done $0x0  }
0xa4: {  	s25 =	simm.s32 $0x1B8E;
	s24 =	sld [smem:$0x3FFE];
	[sflag:s23] =	ssyncadd.s32 $0xFFFFFFFF  }
0xa5: {  	s26 =	simm.s32 $execute0_lowered;
	[smem:$0x3FD2] =	sst s25  }
0xa6: {  	s5 =	sshll.u32 s26, $0x1;
	_ =	strace $0x80000046;
	[dreg:$0x1] =	wrdreg $0xFFFFFFFF  }
0xa7: {  	s28 =	simm.s32 $_size_execute0_lowered;
	s3 =	sadd.s32 s3, s5;
	[dreg:$0x0] =	wrdreg $0x0  }
0xa8: {  	s5 =	sshll.u32 s28, $0x1;
	[dreg:$0x2] =	wrdreg s3  }
0xa9: {  	[dreg:$0x3] =	wrdreg s5  }
0xaa: {  	[dreg:$0x4] =	wrdreg $0xC0  }
0xab: {  	_ =	task [dreg:s7], $0x5FFFF  }
0xac: {  	[dreg:$0x1] =	wrdreg $0xFFFFFFFF  }
0xad: {  	[dreg:$0x0] =	wrdreg $0x60  }
0xae: {  	[dreg:$0x2] =	wrdreg s2  }
0xaf: {  	[dreg:$0x3] =	wrdreg s24  }
0xb0: {  	[dreg:$0x4] =	wrdreg $0x10800  }
0xb1: {  	[dreg:$0x5] =	wrdreg $0x10C00  }
0xb2: {  	[dreg:$0x6] =	wrdreg $0x9  }
0xb3: {  	_ =	task.clear_ibuf [dreg:s7], $0x7FFFF;
	_ =	strace $0x90000046  }
0xb4: {  	s29 =	simm.s32 $0x9;
	_ =	strace $0x80000048  }
0xb5: {  	_ =	swait.ge [sflag:s29], $0x1  }
0xb6: {  	[sflag:s29] =	ssyncadd.s32 $0xFFFFFFFF  }
0xb7: {  	_ =	strace $0x90000048  }
0xb8: {  	_ =	sfence  }
0xb9: {  	s30 =	sld [smem:$0x0];
	_ =	sdelay $0x2  }
0xba: {  	s31 =	sshll.u32 s1, $0xD;
	s1 =	sshrl.u32 s1, $0x2  }
0xbb: {  	s3 =	sand.u32 $0x4000, s31;
	s1 =	sadd.s32 s1, s30  }
0xbc: {  	s0 =	sor.u32 s3, s0;
	s1 =	sshll.u32 s1, $0x11  }
0xbd: {  	s0 =	sor.u32 s1, s0  }
0xbe: {  	s0 =	sadd.s32 $0x8F2B, s0  }
0xbf: {  	[sflag:s0] =	ssyncadd.remote.s32 $0x1  }
0xc0: {  	_ =	sfence.sel $0xFFFF  }
0xc1: {  	[dreg:$0x0] =	wrdreg $0xFFFFFFFF;
	(pc) =	sbr.abs _section_cstart, $3  }
0xc2: {  	[dreg:$0x1] =	wrdreg $0xFFFFFFFF  }
0xc3: {  	_ =	task.clear_ibuf [dreg:s7], $0x2FFFF;
	_ =	strace $0x9FFFFFFF  }
0xc4: {  	(tm) =	ssettm $0x7FFFFFFF  }
0xc5: {  	_ =	shalt  }
tec
execute0_lowered:
.L_overlay_start_1:
0x0: {  	(tag) =	ssettag $0x1  }
0x1: {  	s5 =	rddreg [dreg:$0x0]  }
0x2: {  	s6 =	rddreg [dreg:$0x1]  }
0x3: {  	s1 =	rddreg [dreg:$0x2]  }
0x4: {  	s2 =	rddreg [dreg:$0x3]  }
0x5: {  	s0 =	rddreg [dreg:$0x4];
	s3 =	simm.s32 $0x0  }
0x6: {  	[smem:$0x7FF] =	sst s3;
	s10 =	sadd.s32 $0x400, s6  }
0x7: {  	s18 =	simm.s32 $0x100;
	_ =	strace $0x80000047;
	[dreg:$0x5] =	wrdreg s10  }
0x8: {  	s19 =	simm.s32 $0x180;
	[dreg:$0xa] =	wrdreg s18  }
0x9: {  	s4 =	srdreg.scid;
	s20 =	simm.s32 $0x280;
	[dreg:$0xb] =	wrdreg s19  }
0xa: {  	s7 =	stileid.u32;
	s21 =	simm.s32 $0x300;
	[dreg:$0xc] =	wrdreg s20  }
0xb: {  	s23 =	simm.s32 $0x380;
	s25 =	simm.s32 $0x680;
	[dreg:$0xd] =	wrdreg s21  }
0xc: {  	s26 =	simm.s32 $0x480;
	s28 =	simm.s32 $0xF00;
	[dreg:$0xe] =	wrdreg s23  }
0xd: {  	s29 =	simm.s32 $0x500;
	s30 =	simm.s32 $0xF80;
	[dreg:$0xf] =	wrdreg s25  }
0xe: {  	s31 =	simm.s32 $0x580;
	s12 =	simm.s32 $0x1000;
	[dreg:$0x10] =	wrdreg s26  }
0xf: {  	s8 =	sand.u32 $0x1, s4;
	s9 =	sshll.u32 s7, $0x7;
	[dreg:$0x11] =	wrdreg s28  }
0x10: {  	p0 =	sne.s32 s7, $0x0;
	s7 =	simm.s32 $0x200;
	[dreg:$0x12] =	wrdreg s29  }
0x11: {  	s11 =	sshll.u32 s8, $0x6;
	s4 =	sadd.s32 s5, s9;
	[dreg:$0x13] =	wrdreg s30  }
0x12: {  	s22 =	ssub.s32 $0x2, s8;
	s8 =	simm.s32 $0x400;
	[dreg:$0x14] =	wrdreg s31  }
0x13: {  	s10 =	simm.s32 $0x600;
	[dreg:$0x15] =	wrdreg s12;
	s9 =	sor.u32 s11, s9  }
0x14: {  	s16 =	sadd.s32 $0x40, s4;
	s24 =	sshrl.u32 s22, $0x1;
	s11 =	simm.s32 $0xE80  }
0x15: {  	s6 =	sadd.s32 s9, s6;
	[dreg:$0x6] =	wrdreg s16;
	s5 =	sadd.s32 s5, s9  }
0x16: {  	s9 =	simm.s32 $0x80;
	[dreg:$0x7] =	wrdreg s5;
	s17 =	sadd.s32 $0x600, s6  }
0x17: {  	s5 =	sshrl.u32 @!p0 s1, $0x3;
	s6 =	ssub.s32 s22, s24;
	[dreg:$0x8] =	wrdreg s17  }
0x18: {  	[dreg:$0x9] =	wrdreg s5;
	s5 =	smax.u32 s6, $0x1;
	s6 =	simm.s32 $0x1  }
.LBB2_1:
0x19: {  	[tilespmem:s3], [sflag:$0x1] =	stream.linear.gather [hbm4b:s4+s3], $0x200, $0x38;
	[tilespmem:$0x1100] =	vst v63  }
0x1a: {  	_ =	swait.ge [sflag:s6], $0x200  }
0x1b: {  	[sflag:s6] =	ssyncset.done $0x0  }
0x1c: {  	s12 =	rddreg [dreg:$0x6];
	[sflag:s6] =	ssyncadd.s32 $0xFFFFFE00  }
0x1d: {  	[tilespmem:s7], [sflag:$0x1] =	stream.linear.gather [hbm4b:s12+s3], $0x200, $0x38;
	[tilespmem:$0x1100] =	vst v63  }
0x1e: {  	_ =	swait.ge [sflag:s6], $0x200  }
0x1f: {  	[sflag:s6] =	ssyncset.done $0x0  }
0x20: {  	s17 =	rddreg [dreg:$0x7];
	[sflag:s6] =	ssyncadd.s32 $0xFFFFFE00  }
0x21: {  	[tilespmem:s8], [sflag:$0x1] =	stream.linear.gather [hbm4b:s17+s3], $0x200, $0x38;
	[tilespmem:$0x1100] =	vst v63  }
0x22: {  	_ =	swait.ge [sflag:s6], $0x200  }
0x23: {  	[sflag:s6] =	ssyncset.done $0x0  }
0x24: {  	v0 =	vimm.f32 $1.000000000e+00;
	[sflag:s6] =	ssyncadd.s32 $0xFFFFFE00  }
0x25: {  	[tilespmem:$0x600] =	vst v0  }
0x26: {  	[tilespmem:$0x610] =	vst v0  }
0x27: {  	[tilespmem:$0x620] =	vst v0  }
0x28: {  	[tilespmem:$0x630] =	vst v0  }
0x29: {  	[tilespmem:$0x640] =	vst v0  }
0x2a: {  	[tilespmem:$0x650] =	vst v0  }
0x2b: {  	s12 =	rddreg [dreg:$0x5];
	[tilespmem:$0x660] =	vst v0  }
0x2c: {  	s14 =	simm.s32 @!p0 $0x1C01;
	s13 =	rddreg [dreg:$0x9];
	[tilespmem:$0x670] =	vst v0  }
0x2d: {  	[spmem:s13], [sflag:s14] =	dma.local @!p0 [hbm:s12], $0x80  }
0x2e: {  	s12 =	simm.s32 @!p0 $0x1  }
0x2f: {  	_ =	swait.ge @!p0 [sflag:s12], $0x80  }
0x30: {  	[sflag:s12] =	ssyncset.done @!p0 $0x0  }
0x31: {  	[sflag:s12] =	ssyncadd.s32 @!p0 $0xFFFFFF80  }
0x32: {  	[bflag:$0x0] =	sbarrier.arrive $0xFFFF  }
0x33: {  	[spmem:s1] =	stream.indirect.scatter.add.f32 [tilespmem:s10], [sflag:$0x1], $0x1, s3, s9, $0xb8;
	[tilespmem:$0x1100] =	vst v63  }
0x34: {  	_ =	swait.ge [sflag:s6], $0x80  }
0x35: {  	[sflag:s6] =	ssyncset.done $0x0  }
0x36: {  	[sflag:s6] =	ssyncadd.s32 $0xFFFFFF80  }
0x37: {  	[spmem:s1] =	stream.indirect.scatter.add.f32 [tilespmem:s10], [sflag:$0x1], $0x1, s9, s9, $0xb8;
	[tilespmem:$0x1100] =	vst v63  }
0x38: {  	_ =	swait.ge [sflag:s6], $0x80  }
0x39: {  	[sflag:s6] =	ssyncset.done $0x0  }
0x3a: {  	s18 =	rddreg [dreg:$0xa];
	[sflag:s6] =	ssyncadd.s32 $0xFFFFFF80  }
0x3b: {  	[spmem:s1] =	stream.indirect.scatter.add.f32 [tilespmem:s10], [sflag:$0x1], $0x1, s18, s9, $0xb8;
	[tilespmem:$0x1100] =	vst v63  }
0x3c: {  	_ =	swait.ge [sflag:s6], $0x80  }
0x3d: {  	[sflag:s6] =	ssyncset.done $0x0  }
0x3e: {  	s19 =	rddreg [dreg:$0xb];
	[sflag:s6] =	ssyncadd.s32 $0xFFFFFF80  }
0x3f: {  	[spmem:s1] =	stream.indirect.scatter.add.f32 [tilespmem:s10], [sflag:$0x1], $0x1, s19, s9, $0xb8;
	[tilespmem:$0x1100] =	vst v63  }
0x40: {  	_ =	swait.ge [sflag:s6], $0x80  }
0x41: {  	[sflag:s6] =	ssyncset.done $0x0  }
0x42: {  	[sflag:s6] =	ssyncadd.s32 $0xFFFFFF80  }
0x43: {  	[spmem:s1] =	stream.indirect.scatter.add.f32 [tilespmem:s10], [sflag:$0x1], $0x1, s7, s9, $0xb8;
	[tilespmem:$0x1100] =	vst v63  }
0x44: {  	_ =	swait.ge [sflag:s6], $0x80  }
0x45: {  	[sflag:s6] =	ssyncset.done $0x0  }
0x46: {  	s20 =	rddreg [dreg:$0xc];
	[sflag:s6] =	ssyncadd.s32 $0xFFFFFF80  }
0x47: {  	[spmem:s1] =	stream.indirect.scatter.add.f32 [tilespmem:s10], [sflag:$0x1], $0x1, s20, s9, $0xb8;
	[tilespmem:$0x1100] =	vst v63  }
0x48: {  	_ =	swait.ge [sflag:s6], $0x80  }
0x49: {  	[sflag:s6] =	ssyncset.done $0x0  }
0x4a: {  	s21 =	rddreg [dreg:$0xd];
	[sflag:s6] =	ssyncadd.s32 $0xFFFFFF80  }
0x4b: {  	[spmem:s1] =	stream.indirect.scatter.add.f32 [tilespmem:s10], [sflag:$0x1], $0x1, s21, s9, $0xb8;
	[tilespmem:$0x1100] =	vst v63  }
0x4c: {  	_ =	swait.ge [sflag:s6], $0x80  }
0x4d: {  	[sflag:s6] =	ssyncset.done $0x0  }
0x4e: {  	s22 =	rddreg [dreg:$0xe];
	[sflag:s6] =	ssyncadd.s32 $0xFFFFFF80  }
0x4f: {  	[spmem:s1] =	stream.indirect.scatter.add.f32 [tilespmem:s10], [sflag:$0x1], $0x1, s22, s9, $0xb8;
	[tilespmem:$0x1100] =	vst v63  }
0x50: {  	_ =	swait.ge [sflag:s6], $0x80  }
0x51: {  	[sflag:s6] =	ssyncset.done $0x0  }
0x52: {  	[sflag:s6] =	ssyncadd.s32 $0xFFFFFF80  }
0x53: {  	[bflag:$0x0] =	sbarrier.arrive $0xFFFF  }
0x54: {  	s23 =	rddreg [dreg:$0xf]  }
0x55: {  	[tilespmem:s23], [sflag:$0x1] =	stream.linear.gather [spmem:s1], $0x400, $0x38;
	[tilespmem:$0x1100] =	vst v63  }
0x56: {  	_ =	swait.ge [sflag:s6], $0x400  }
0x57: {  	[sflag:s6] =	ssyncset.done $0x0  }
0x58: {  	[sflag:s6] =	ssyncadd.s32 $0xFFFFFC00  }
0x59: {  	v59 =	vld [tilespmem:$0x680];
	_ =	sdelay $0x1  }
0x5a: {  	v1 =	vld [tilespmem:$0x690];
	_ =	sdelay $0x1  }
0x5b: {  	v2 =	vld [tilespmem:$0x6A0]  }
0x5c: {  	v0 =	vmul.f32 $6.103515630e-05, v59  }
0x5d: {  	v3 =	vld [tilespmem:$0x6B0]  }
0x5e: {  	v1 =	vmul.f32 $6.103515630e-05, v1;
	v0 =	vadd.f32 $9.999999740e-06, v0;
	_ =	sdelay $0x1  }
0x5f: {  	v60 =	vld [tilespmem:$0x6C0];
	v2 =	vmul.f32 $6.103515630e-05, v2;
	v1 =	vadd.f32 $9.999999740e-06, v1;
	(erf) = vrcp.f32 v0;
	_ =	sdelay $0x1  }
0x60: {  	v4 =	vld [tilespmem:$0x6D0];
	v62 =	vmul.f32 $6.103515630e-05, v3;
	v61 =	vadd.f32 $9.999999740e-06, v2;
	(erf) = vrcp.f32 v1;
	_ =	sdelay $0x1  }
0x61: {  	v7 =	vadd.f32 $9.999999740e-06, v62;
	(erf) = vrcp.f32 v61  }
0x62: {  	v63 =	vld [tilespmem:$0x6E0];
	v0 =	vmul.f32 $6.103515630e-05, v60  }
0x63: {  	(erf) = vrcp.f32 v7  }
0x64: {  	v8 =	vld [tilespmem:$0x6F0];
	v9 =	vmul.f32 $6.103515630e-05, v4;
	v0 =	vadd.f32 $9.999999740e-06, v0;
	_ =	sdelay $0x1  }
0x65: {  	v10 =	vadd.f32 $9.999999740e-06, v9;
	v5 =	vpop (erf);
	(erf) = vrcp.f32 v0  }
0x66: {  	v12 =	vld [tilespmem:$0x700];
	v11 =	vmul.f32 $6.103515630e-05, v63;
	v13 =	vadd.f32 $0.0e+00, v5  }
0x67: {  	(erf) = vrcp.f32 v10;
	v17 =	vpop (erf)  }
0x68: {  	v16 =	vld [tilespmem:$0x710];
	v15 =	vmul.f32 $6.103515630e-05, v8;
	v14 =	vadd.f32 $9.999999740e-06, v11;
	v6 =	vadd.f32 v17, v13  }
0x69: {  	v19 =	vld [tilespmem:$0x720];
	v3 =	vpop (erf)  }
0x6a: {  	v18 =	vadd.f32 $9.999999740e-06, v15;
	(erf) = vrcp.f32 v14;
	v6 =	vadd.f32 v3, v6  }
0x6b: {  	v7 =	vmul.f32 $6.103515630e-05, v12;
	v21 =	vpop (erf)  }
0x6c: {  	v20 =	vld [tilespmem:$0x730];
	(erf) = vrcp.f32 v18;
	v6 =	vadd.f32 v21, v6  }
0x6d: {  	v8 =	vmul.f32 $6.103515630e-05, v16;
	v7 =	vadd.f32 $9.999999740e-06, v7  }
0x6e: {  	v1 =	vmul.f32 $6.103515630e-05, v19;
	[tilespmem:$0x1FFD0] =	vst v5;
	v5 =	vpop (erf)  }
0x6f: {  	v22 =	vadd.f32 $9.999999740e-06, v8;
	(erf) = vrcp.f32 v7;
	v23 =	vadd.f32 v5, v6  }
0x70: {  	v9 =	vld [tilespmem:$0x740];
	v1 =	vadd.f32 $9.999999740e-06, v1;
	v6 =	vpop (erf)  }
0x71: {  	v0 =	vmul.f32 $6.103515630e-05, v20;
	v10 =	vld [tilespmem:$0x750];
	(erf) = vrcp.f32 v22;
	v8 =	vadd.f32 v6, v23;
	_ =	sdelay $0x1  }
0x72: {  	v11 =	vld [tilespmem:$0x760];
	v0 =	vadd.f32 $9.999999740e-06, v0;
	v7 =	vpop (erf);
	(erf) = vrcp.f32 v1;
	_ =	sdelay $0x1  }
0x73: {  	v24 =	vmul.f32 $6.103515630e-05, v9;
	v12 =	vld [tilespmem:$0x770];
	v25 =	vadd.f32 v7, v8;
	v8 =	vpop (erf);
	(erf) = vrcp.f32 v0  }
0x74: {  	v27 =	vmul.f32 $6.103515630e-05, v10  }
0x75: {  	v26 =	vadd.f32 $9.999999740e-06, v24;
	v13 =	vld [tilespmem:$0x780];
	v28 =	vadd.f32 v8, v25  }
0x76: {  	v30 =	vmul.f32 $6.103515630e-05, v11;
	v29 =	vadd.f32 $9.999999740e-06, v27;
	v9 =	vpop (erf)  }
0x77: {  	(erf) = vrcp.f32 v26;
	v31 =	vadd.f32 v9, v28  }
0x78: {  	v33 =	vld [tilespmem:$0x790];
	v32 =	vadd.f32 $9.999999740e-06, v30;
	v12 =	vmul.f32 $6.103515630e-05, v12;
	(erf) = vrcp.f32 v29;
	v10 =	vpop (erf)  }
0x79: {  	v14 =	vadd.f32 v10, v31  }
0x7a: {  	v34 =	vld [tilespmem:$0x7A0];
	v13 =	vmul.f32 $6.103515630e-05, v13;
	(erf) = vrcp.f32 v32;
	v11 =	vpop (erf)  }
0x7b: {  	v15 =	vadd.f32 $9.999999740e-06, v12;
	v14 =	vadd.f32 v11, v14  }
0x7c: {  	v35 =	vadd.f32 $9.999999740e-06, v13;
	v12 =	vpop (erf)  }
0x7d: {  	v1 =	vmul.f32 $6.103515630e-05, v33;
	(erf) = vrcp.f32 v15;
	v14 =	vadd.f32 v12, v14  }
0x7e: {  	v16 =	vld [tilespmem:$0x7B0]  }
0x7f: {  	[tilespmem:$0x1FFE0] =	vst v17;
	v17 =	vld [tilespmem:$0x7C0];
	v1 =	vadd.f32 $9.999999740e-06, v1;
	v0 =	vmul.f32 $6.103515630e-05, v34;
	(erf) = vrcp.f32 v35  }
0x80: {  	v13 =	vpop (erf)  }
0x81: {  	v18 =	vld [tilespmem:$0x7D0];
	v0 =	vadd.f32 $9.999999740e-06, v0;
	v36 =	vadd.f32 v13, v14;
	v14 =	vpop (erf);
	(erf) = vrcp.f32 v1;
	_ =	sdelay $0x1  }
0x82: {  	v37 =	vmul.f32 $6.103515630e-05, v16;
	v19 =	vld [tilespmem:$0x7E0];
	v38 =	vadd.f32 v14, v36;
	v15 =	vpop (erf);
	(erf) = vrcp.f32 v0  }
0x83: {  	v40 =	vmul.f32 $6.103515630e-05, v17  }
0x84: {  	v39 =	vadd.f32 $9.999999740e-06, v37;
	v20 =	vld [tilespmem:$0x7F0];
	v41 =	vadd.f32 v15, v38  }
0x85: {  	v43 =	vmul.f32 $6.103515630e-05, v18;
	v42 =	vadd.f32 $9.999999740e-06, v40;
	v16 =	vpop (erf)  }
0x86: {  	(erf) = vrcp.f32 v39;
	v44 =	vadd.f32 v16, v41  }
0x87: {  	v46 =	vld [tilespmem:$0x800];
	v19 =	vmul.f32 $6.103515630e-05, v19;
	v45 =	vadd.f32 $9.999999740e-06, v43;
	(erf) = vrcp.f32 v42;
	v17 =	vpop (erf)  }
0x88: {  	[tilespmem:$0x1FFF0] =	vst v21;
	v21 =	vadd.f32 v17, v44  }
0x89: {  	v47 =	vld [tilespmem:$0x810];
	v20 =	vmul.f32 $6.103515630e-05, v20;
	(erf) = vrcp.f32 v45;
	v18 =	vpop (erf)  }
0x8a: {  	v22 =	vadd.f32 $9.999999740e-06, v19;
	v21 =	vadd.f32 v18, v21  }
0x8b: {  	v48 =	vadd.f32 $9.999999740e-06, v20;
	v19 =	vpop (erf)  }
0x8c: {  	v1 =	vmul.f32 $6.103515630e-05, v46;
	(erf) = vrcp.f32 v22;
	v21 =	vadd.f32 v19, v21  }
0x8d: {  	v23 =	vld [tilespmem:$0x820]  }
0x8e: {  	v24 =	vld [tilespmem:$0x830];
	v0 =	vmul.f32 $6.103515630e-05, v47;
	v1 =	vadd.f32 $9.999999740e-06, v1;
	(erf) = vrcp.f32 v48  }
0x8f: {  	v20 =	vpop (erf)  }
0x90: {  	v25 =	vld [tilespmem:$0x840];
	v0 =	vadd.f32 $9.999999740e-06, v0;
	v49 =	vadd.f32 v20, v21;
	v21 =	vpop (erf);
	(erf) = vrcp.f32 v1;
	_ =	sdelay $0x1  }
0x91: {  	v50 =	vmul.f32 $6.103515630e-05, v23;
	v26 =	vld [tilespmem:$0x850];
	v51 =	vadd.f32 v21, v49;
	v22 =	vpop (erf);
	(erf) = vrcp.f32 v0  }
0x92: {  	v53 =	vmul.f32 $6.103515630e-05, v24  }
0x93: {  	v27 =	vld [tilespmem:$0x860];
	v52 =	vadd.f32 $9.999999740e-06, v50;
	v54 =	vadd.f32 v22, v51  }
0x94: {  	v55 =	vadd.f32 $9.999999740e-06, v53;
	v56 =	vmul.f32 $6.103515630e-05, v25;
	v23 =	vpop (erf)  }
0x95: {  	(erf) = vrcp.f32 v52;
	v57 =	vadd.f32 v23, v54  }
0x96: {  	v59 =	vld [tilespmem:$0x870];
	v26 =	vmul.f32 $6.103515630e-05, v26;
	v58 =	vadd.f32 $9.999999740e-06, v56;
	(erf) = vrcp.f32 v55;
	v24 =	vpop (erf)  }
0x97: {  	v28 =	vadd.f32 v24, v57  }
0x98: {  	v60 =	vld [tilespmem:$0x880];
	v27 =	vmul.f32 $6.103515630e-05, v27;
	(erf) = vrcp.f32 v58;
	v25 =	vpop (erf)  }
0x99: {  	v29 =	vadd.f32 $9.999999740e-06, v26;
	v28 =	vadd.f32 v25, v28  }
0x9a: {  	v61 =	vadd.f32 $9.999999740e-06, v27;
	v26 =	vpop (erf)  }
0x9b: {  	v1 =	vmul.f32 $6.103515630e-05, v59;
	(erf) = vrcp.f32 v29;
	v28 =	vadd.f32 v26, v28  }
0x9c: {  	v30 =	vld [tilespmem:$0x890]  }
0x9d: {  	v31 =	vld [tilespmem:$0x8A0];
	v0 =	vmul.f32 $6.103515630e-05, v60;
	v1 =	vadd.f32 $9.999999740e-06, v1;
	(erf) = vrcp.f32 v61  }
0x9e: {  	v27 =	vpop (erf)  }
0x9f: {  	v32 =	vld [tilespmem:$0x8B0];
	v0 =	vadd.f32 $9.999999740e-06, v0;
	v62 =	vadd.f32 v27, v28;
	v28 =	vpop (erf);
	(erf) = vrcp.f32 v1;
	_ =	sdelay $0x1  }
0xa0: {  	v63 =	vmul.f32 $6.103515630e-05, v30;
	v33 =	vld [tilespmem:$0x8C0];
	v4 =	vadd.f32 v28, v62;
	v29 =	vpop (erf);
	(erf) = vrcp.f32 v0  }
0xa1: {  	v37 =	vmul.f32 $6.103515630e-05, v31  }
0xa2: {  	v34 =	vld [tilespmem:$0x8D0];
	v36 =	vadd.f32 $9.999999740e-06, v63;
	v38 =	vadd.f32 v29, v4  }
0xa3: {  	v40 =	vmul.f32 $6.103515630e-05, v32;
	v39 =	vadd.f32 $9.999999740e-06, v37;
	v30 =	vpop (erf)  }
0xa4: {  	(erf) = vrcp.f32 v36;
	v41 =	vadd.f32 v30, v38  }
0xa5: {  	v43 =	vld [tilespmem:$0x8E0];
	v33 =	vmul.f32 $6.103515630e-05, v33;
	v42 =	vadd.f32 $9.999999740e-06, v40;
	(erf) = vrcp.f32 v39;
	v31 =	vpop (erf)  }
0xa6: {  	v35 =	vadd.f32 v31, v41  }
0xa7: {  	v34 =	vmul.f32 $6.103515630e-05, v34;
	v44 =	vld [tilespmem:$0x8F0];
	(erf) = vrcp.f32 v42;
	v32 =	vpop (erf)  }
0xa8: {  	v36 =	vadd.f32 $9.999999740e-06, v33;
	v35 =	vadd.f32 v32, v35  }
0xa9: {  	v45 =	vadd.f32 $9.999999740e-06, v34;
	v33 =	vpop (erf)  }
0xaa: {  	v1 =	vmul.f32 $6.103515630e-05, v43;
	(erf) = vrcp.f32 v36;
	v35 =	vadd.f32 v33, v35  }
0xab: {  	v37 =	vld [tilespmem:$0x900]  }
0xac: {  	v0 =	vmul.f32 $6.103515630e-05, v44;
	v1 =	vadd.f32 $9.999999740e-06, v1;
	v38 =	vld [tilespmem:$0x910];
	(erf) = vrcp.f32 v45  }
0xad: {  	v34 =	vpop (erf)  }
0xae: {  	v39 =	vld [tilespmem:$0x920];
	v0 =	vadd.f32 $9.999999740e-06, v0;
	v46 =	vadd.f32 v34, v35;
	v35 =	vpop (erf);
	(erf) = vrcp.f32 v1;
	_ =	sdelay $0x1  }
0xaf: {  	v40 =	vld [tilespmem:$0x930];
	v47 =	vmul.f32 $6.103515630e-05, v37;
	v48 =	vadd.f32 v35, v46;
	v36 =	vpop (erf);
	(erf) = vrcp.f32 v0  }
0xb0: {  	v50 =	vmul.f32 $6.103515630e-05, v38  }
0xb1: {  	v49 =	vadd.f32 $9.999999740e-06, v47;
	v41 =	vld [tilespmem:$0x940];
	v51 =	vadd.f32 v36, v48  }
0xb2: {  	v53 =	vmul.f32 $6.103515630e-05, v39;
	v52 =	vadd.f32 $9.999999740e-06, v50;
	v37 =	vpop (erf)  }
0xb3: {  	(erf) = vrcp.f32 v49;
	v54 =	vadd.f32 v37, v51  }
0xb4: {  	v56 =	vld [tilespmem:$0x950];
	v40 =	vmul.f32 $6.103515630e-05, v40;
	v55 =	vadd.f32 $9.999999740e-06, v53;
	(erf) = vrcp.f32 v52;
	v38 =	vpop (erf)  }
0xb5: {  	v42 =	vadd.f32 v38, v54  }
0xb6: {  	v57 =	vld [tilespmem:$0x960];
	v41 =	vmul.f32 $6.103515630e-05, v41;
	(erf) = vrcp.f32 v55;
	v39 =	vpop (erf)  }
0xb7: {  	v43 =	vadd.f32 $9.999999740e-06, v40;
	v42 =	vadd.f32 v39, v42  }
0xb8: {  	v58 =	vadd.f32 $9.999999740e-06, v41;
	v40 =	vpop (erf)  }
0xb9: {  	v1 =	vmul.f32 $6.103515630e-05, v56;
	(erf) = vrcp.f32 v43;
	v42 =	vadd.f32 v40, v42  }
0xba: {  	v44 =	vld [tilespmem:$0x970]  }
0xbb: {  	v45 =	vld [tilespmem:$0x980];
	v0 =	vmul.f32 $6.103515630e-05, v57;
	v1 =	vadd.f32 $9.999999740e-06, v1;
	(erf) = vrcp.f32 v58  }
0xbc: {  	v41 =	vpop (erf)  }
0xbd: {  	v46 =	vld [tilespmem:$0x990];
	v0 =	vadd.f32 $9.999999740e-06, v0;
	v59 =	vadd.f32 v41, v42;
	v42 =	vpop (erf);
	(erf) = vrcp.f32 v1;
	_ =	sdelay $0x1  }
0xbe: {  	v47 =	vld [tilespmem:$0x9A0];
	v60 =	vmul.f32 $6.103515630e-05, v44;
	v61 =	vadd.f32 v42, v59;
	v43 =	vpop (erf);
	(erf) = vrcp.f32 v0  }
0xbf: {  	v63 =	vmul.f32 $6.103515630e-05, v45  }
0xc0: {  	v62 =	vadd.f32 $9.999999740e-06, v60;
	v48 =	vld [tilespmem:$0x9B0];
	v4 =	vadd.f32 v43, v61  }
0xc1: {  	v52 =	vadd.f32 $9.999999740e-06, v63;
	v53 =	vmul.f32 $6.103515630e-05, v46;
	v44 =	vpop (erf)  }
0xc2: {  	(erf) = vrcp.f32 v62;
	v54 =	vadd.f32 v44, v4  }
0xc3: {  	v47 =	vmul.f32 $6.103515630e-05, v47;
	v56 =	vld [tilespmem:$0x9C0];
	v55 =	vadd.f32 $9.999999740e-06, v53;
	(erf) = vrcp.f32 v52;
	v45 =	vpop (erf)  }
0xc4: {  	v49 =	vadd.f32 v45, v54  }
0xc5: {  	v57 =	vld [tilespmem:$0x9D0];
	v48 =	vmul.f32 $6.103515630e-05, v48;
	(erf) = vrcp.f32 v55;
	v46 =	vpop (erf)  }
0xc6: {  	v50 =	vadd.f32 $9.999999740e-06, v47;
	v51 =	vld [tilespmem:$0x9E0];
	v49 =	vadd.f32 v46, v49  }
0xc7: {  	v58 =	vadd.f32 $9.999999740e-06, v48;
	v47 =	vpop (erf)  }
0xc8: {  	v1 =	vmul.f32 $6.103515630e-05, v56;
	(erf) = vrcp.f32 v50;
	v49 =	vadd.f32 v47, v49;
	_ =	sdelay $0x1  }
0xc9: {  	v0 =	vmul.f32 $6.103515630e-05, v57;
	v1 =	vadd.f32 $9.999999740e-06, v1;
	v52 =	vld [tilespmem:$0x9F0];
	(erf) = vrcp.f32 v58  }
0xca: {  	v60 =	vmul.f32 $6.103515630e-05, v51;
	v48 =	vpop (erf)  }
0xcb: {  	v53 =	vld [tilespmem:$0xA00];
	v0 =	vadd.f32 $9.999999740e-06, v0;
	v59 =	vadd.f32 v48, v49;
	v49 =	vpop (erf);
	(erf) = vrcp.f32 v1;
	_ =	sdelay $0x1  }
0xcc: {  	v62 =	vadd.f32 $9.999999740e-06, v60;
	v54 =	vld [tilespmem:$0xA10];
	v61 =	vadd.f32 v49, v59;
	v50 =	vpop (erf);
	(erf) = vrcp.f32 v0  }
0xcd: {  	v63 =	vmul.f32 $6.103515630e-05, v52  }
0xce: {  	v55 =	vld [tilespmem:$0xA20];
	(erf) = vrcp.f32 v62;
	v4 =	vadd.f32 v50, v61  }
0xcf: {  	v57 =	vadd.f32 $9.999999740e-06, v63;
	v58 =	vmul.f32 $6.103515630e-05, v53;
	v51 =	vpop (erf)  }
0xd0: {  	v59 =	vadd.f32 v51, v4  }
0xd1: {  	v60 =	vadd.f32 $9.999999740e-06, v58;
	v54 =	vmul.f32 $6.103515630e-05, v54;
	(erf) = vrcp.f32 v57;
	v61 =	vld [tilespmem:$0xA30];
	v52 =	vpop (erf)  }
0xd2: {  	v62 =	vld [tilespmem:$0xA40];
	v56 =	vadd.f32 v52, v59  }
0xd3: {  	v55 =	vmul.f32 $6.103515630e-05, v55;
	(erf) = vrcp.f32 v60;
	v53 =	vpop (erf)  }
0xd4: {  	v57 =	vadd.f32 $9.999999740e-06, v54;
	v56 =	vadd.f32 v53, v56  }
0xd5: {  	v63 =	vadd.f32 $9.999999740e-06, v55;
	v58 =	vld [tilespmem:$0xA50];
	v54 =	vpop (erf)  }
0xd6: {  	v1 =	vmul.f32 $6.103515630e-05, v61;
	(erf) = vrcp.f32 v57;
	v56 =	vadd.f32 v54, v56  }
0xd7: {  	v59 =	vld [tilespmem:$0xA60];
	v0 =	vmul.f32 $6.103515630e-05, v62;
	v55 =	vpop (erf)  }
0xd8: {  	v60 =	vld [tilespmem:$0xA70];
	(erf) = vrcp.f32 v63;
	v1 =	vadd.f32 $9.999999740e-06, v1;
	v57 =	vadd.f32 v55, v56;
	_ =	sdelay $0x1  }
0xd9: {  	v4 =	vmul.f32 $6.103515630e-05, v58;
	v0 =	vadd.f32 $9.999999740e-06, v0;
	v56 =	vpop (erf);
	(erf) = vrcp.f32 v1  }
0xda: {  	v61 =	vadd.f32 v56, v57  }
0xdb: {  	v62 =	vadd.f32 $9.999999740e-06, v4;
	v63 =	vmul.f32 $6.103515630e-05, v59;
	v57 =	vpop (erf);
	(erf) = vrcp.f32 v0  }
0xdc: {  	v4 =	vmul.f32 $6.103515630e-05, v60  }
0xdd: {  	v0 =	vadd.f32 $9.999999740e-06, v63;
	v58 =	vadd.f32 v57, v61;
	(erf) = vrcp.f32 v62  }
0xde: {  	v61 =	vpop (erf)  }
0xdf: {  	v63 =	vadd.f32 $9.999999740e-06, v4;
	(erf) = vrcp.f32 v0;
	v58 =	vadd.f32 v61, v58  }
0xe0: {  	v4 =	vpop (erf)  }
0xe1: {  	(erf) = vrcp.f32 v63;
	v58 =	vadd.f32 v4, v58  }
0xe2: {  	v62 =	vpop (erf)  }
0xe3: {  	v59 =	vadd.f32 v62, v58  }
0xe4: {  	v63 =	vpop (erf)  }
0xe5: {  	v0 =	vadd.f32 v63, v59  }
0xe6: {  	v58 =	vpop (erf)  }
0xe7: {  	v0 =	vadd.f32 v58, v0  }
0xe8: {  	v59 =	vpop (erf)  }
0xe9: {  	v0 =	vadd.f32 v59, v0  }
0xea: {  	v60 =	vpop (erf)  }
0xeb: {  	v0 =	vadd.f32 v60, v0  }
0xec: {  	[tilespmem:$0xAA0] =	vst v3  }
0xed: {  	[tilespmem:$0xAC0] =	vst v5;
	(v2sf) =	vpush v0, $0x0  }
0xee: {  	[tilespmem:$0xAD0] =	vst v6;
	(v2sf) =	vpush v0, $0x1  }
0xef: {  	[tilespmem:$0xAE0] =	vst v7  }
0xf0: {  	[tilespmem:$0xAF0] =	vst v8;
	(v2sf) =	vpush v0, $0x2  }
0xf1: {  	[tilespmem:$0xB00] =	vst v9  }
0xf2: {  	[tilespmem:$0xB10] =	vst v10;
	(v2sf) =	vpush v0, $0x3  }
0xf3: {  	[tilespmem:$0xB20] =	vst v11  }
0xf4: {  	[tilespmem:$0xB30] =	vst v12;
	(v2sf) =	vpush v0, $0x4  }
0xf5: {  	[tilespmem:$0xB40] =	vst v13  }
0xf6: {  	[tilespmem:$0xB50] =	vst v14;
	(v2sf) =	vpush v0, $0x5  }
0xf7: {  	[tilespmem:$0xB60] =	vst v15  }
0xf8: {  	[tilespmem:$0xB70] =	vst v16;
	(v2sf) =	vpush v0, $0x6  }
0xf9: {  	[tilespmem:$0xB80] =	vst v17  }
0xfa: {  	[tilespmem:$0xB90] =	vst v18;
	(v2sf) =	vpush v0, $0x7  }
0xfb: {  	[tilespmem:$0xBA0] =	vst v19  }
0xfc: {  	[tilespmem:$0xBB0] =	vst v20;
	s24 =	spop (v2sf);
	(v2sf) =	vpush v0, $0x8  }
0xfd: {  	[tilespmem:$0xBC0] =	vst v21;
	s25 =	spop (v2sf)  }
0xfe: {  	[tilespmem:$0xBD0] =	vst v22;
	(v2sf) =	vpush v0, $0x9;
	s13 =	sadd.f32 s25, s24  }
0xff: {  	[tilespmem:$0xBE0] =	vst v23;
	s26 =	spop (v2sf)  }
0x100: {  	[tilespmem:$0xBF0] =	vst v24;
	(v2sf) =	vpush v0, $0xA;
	s13 =	sadd.f32 s13, s26  }
0x101: {  	[tilespmem:$0xC00] =	vst v25;
	s28 =	spop (v2sf)  }
0x102: {  	[tilespmem:$0xC10] =	vst v26;
	(v2sf) =	vpush v0, $0xB;
	s13 =	sadd.f32 s13, s28  }
0x103: {  	[tilespmem:$0xC20] =	vst v27;
	s29 =	spop (v2sf)  }
0x104: {  	[tilespmem:$0xC30] =	vst v28;
	(v2sf) =	vpush v0, $0xC;
	s13 =	sadd.f32 s13, s29  }
0x105: {  	[tilespmem:$0xC40] =	vst v29;
	s30 =	spop (v2sf)  }
0x106: {  	[tilespmem:$0xC50] =	vst v30;
	(v2sf) =	vpush v0, $0xD;
	s13 =	sadd.f32 s13, s30  }
0x107: {  	[tilespmem:$0xC60] =	vst v31;
	s31 =	spop (v2sf)  }
0x108: {  	[tilespmem:$0xC70] =	vst v32;
	(v2sf) =	vpush v0, $0xE;
	s13 =	sadd.f32 s13, s31  }
0x109: {  	[tilespmem:$0xC80] =	vst v33;
	s15 =	spop (v2sf)  }
0x10a: {  	[tilespmem:$0xC90] =	vst v34;
	(v2sf) =	vpush v0, $0xF;
	s13 =	sadd.f32 s13, s15  }
0x10b: {  	[tilespmem:$0xCA0] =	vst v35;
	s16 =	spop (v2sf)  }
0x10c: {  	[tilespmem:$0xCB0] =	vst v36;
	s13 =	sadd.f32 s13, s16  }
0x10d: {  	[tilespmem:$0xCC0] =	vst v37;
	s17 =	spop (v2sf)  }
0x10e: {  	[tilespmem:$0xCD0] =	vst v38;
	s13 =	sadd.f32 s13, s17  }
0x10f: {  	[tilespmem:$0xCE0] =	vst v39;
	s18 =	spop (v2sf)  }
0x110: {  	[tilespmem:$0xCF0] =	vst v40;
	s13 =	sadd.f32 s13, s18  }
0x111: {  	[tilespmem:$0xD00] =	vst v41;
	s19 =	spop (v2sf)  }
0x112: {  	[tilespmem:$0xD10] =	vst v42;
	s13 =	sadd.f32 s13, s19  }
0x113: {  	[tilespmem:$0xD20] =	vst v43;
	s20 =	spop (v2sf)  }
0x114: {  	[tilespmem:$0xD30] =	vst v44;
	s13 =	sadd.f32 s13, s20  }
0x115: {  	[tilespmem:$0xD40] =	vst v45;
	s21 =	spop (v2sf)  }
0x116: {  	[tilespmem:$0xD50] =	vst v46;
	s13 =	sadd.f32 s13, s21  }
0x117: {  	[tilespmem:$0xD60] =	vst v47;
	s22 =	spop (v2sf)  }
0x118: {  	[tilespmem:$0xD70] =	vst v48;
	s13 =	sadd.f32 s13, s22  }
0x119: {  	[tilespmem:$0xD80] =	vst v49;
	s23 =	spop (v2sf)  }
0x11a: {  	[tilespmem:$0xD90] =	vst v50;
	s13 =	sadd.f32 s13, s23  }
0x11b: {  	[tilespmem:$0xDA0] =	vst v51  }
0x11c: {  	[tilespmem:$0xDB0] =	vst v52;
	v0 =	vmov s13  }
0x11d: {  	[tilespmem:$0xDC0] =	vst v53;
	v1 =	vld [tilespmem:$0x1FFD0];
	(erf) = vrcp.f32 v0  }
0x11e: {  	[tilespmem:$0xDD0] =	vst v54  }
0x11f: {  	[tilespmem:$0xDE0] =	vst v55  }
0x120: {  	[tilespmem:$0xDF0] =	vst v56  }
0x121: {  	[tilespmem:$0xE00] =	vst v57  }
0x122: {  	[tilespmem:$0xA80] =	vst v1  }
0x123: {  	[tilespmem:$0xE10] =	vst v61  }
0x124: {  	[tilespmem:$0xE20] =	vst v4  }
0x125: {  	[tilespmem:$0xE30] =	vst v62  }
0x126: {  	[tilespmem:$0xE40] =	vst v63;
	v0 =	vpop (erf)  }
0x127: {  	[tilespmem:$0xE50] =	vst v58;
	v2 =	vmul.f32 v0, v1  }
0x128: {  	[tilespmem:$0xE60] =	vst v59;
	v3 =	vmul.f32 v0, v3  }
0x129: {  	v6 =	vmul.f32 v0, v6;
	[tilespmem:$0xA80] =	vst v2  }
0x12a: {  	v7 =	vmul.f32 v0, v7;
	[tilespmem:$0xAA0] =	vst v3  }
0x12b: {  	v8 =	vmul.f32 v0, v8;
	[tilespmem:$0xAD0] =	vst v6  }
0x12c: {  	v3 =	vmul.f32 v0, v5;
	[tilespmem:$0xAE0] =	vst v7  }
0x12d: {  	v6 =	vmul.f32 v0, v9;
	[tilespmem:$0xAF0] =	vst v8  }
0x12e: {  	v7 =	vmul.f32 v0, v10;
	[tilespmem:$0xAC0] =	vst v3  }
0x12f: {  	v8 =	vmul.f32 v0, v11;
	[tilespmem:$0xB00] =	vst v6  }
0x130: {  	v9 =	vmul.f32 v0, v12;
	[tilespmem:$0xB10] =	vst v7  }
0x131: {  	v10 =	vmul.f32 v0, v13;
	[tilespmem:$0xB20] =	vst v8  }
0x132: {  	v11 =	vmul.f32 v0, v14;
	[tilespmem:$0xB30] =	vst v9  }
0x133: {  	v12 =	vmul.f32 v0, v15;
	[tilespmem:$0xB40] =	vst v10  }
0x134: {  	v13 =	vmul.f32 v0, v16;
	[tilespmem:$0xB50] =	vst v11  }
0x135: {  	v14 =	vmul.f32 v0, v17;
	[tilespmem:$0xB60] =	vst v12  }
0x136: {  	v15 =	vmul.f32 v0, v18;
	[tilespmem:$0xB70] =	vst v13  }
0x137: {  	v16 =	vmul.f32 v0, v19;
	[tilespmem:$0xB80] =	vst v14  }
0x138: {  	v17 =	vmul.f32 v0, v20;
	[tilespmem:$0xB90] =	vst v15  }
0x139: {  	v18 =	vmul.f32 v0, v21;
	[tilespmem:$0xBA0] =	vst v16  }
0x13a: {  	v19 =	vmul.f32 v0, v22;
	[tilespmem:$0xBB0] =	vst v17  }
0x13b: {  	v20 =	vmul.f32 v0, v23;
	[tilespmem:$0xBC0] =	vst v18  }
0x13c: {  	v21 =	vmul.f32 v0, v24;
	[tilespmem:$0xBD0] =	vst v19  }
0x13d: {  	v22 =	vmul.f32 v0, v25;
	[tilespmem:$0xBE0] =	vst v20  }
0x13e: {  	v23 =	vmul.f32 v0, v26;
	[tilespmem:$0xBF0] =	vst v21  }
0x13f: {  	v24 =	vmul.f32 v0, v27;
	[tilespmem:$0xC00] =	vst v22  }
0x140: {  	v25 =	vmul.f32 v0, v28;
	[tilespmem:$0xC10] =	vst v23  }
0x141: {  	v26 =	vmul.f32 v0, v29;
	[tilespmem:$0xC20] =	vst v24  }
0x142: {  	v27 =	vmul.f32 v0, v30;
	[tilespmem:$0xC30] =	vst v25  }
0x143: {  	v28 =	vmul.f32 v0, v31;
	[tilespmem:$0xC40] =	vst v26  }
0x144: {  	v29 =	vmul.f32 v0, v32;
	[tilespmem:$0xC50] =	vst v27  }
0x145: {  	v30 =	vmul.f32 v0, v33;
	[tilespmem:$0xC60] =	vst v28  }
0x146: {  	v31 =	vmul.f32 v0, v34;
	[tilespmem:$0xC70] =	vst v29  }
0x147: {  	v32 =	vmul.f32 v0, v35;
	[tilespmem:$0xC80] =	vst v30  }
0x148: {  	v33 =	vmul.f32 v0, v36;
	[tilespmem:$0xC90] =	vst v31  }
0x149: {  	v34 =	vmul.f32 v0, v37;
	[tilespmem:$0xCA0] =	vst v32  }
0x14a: {  	v35 =	vmul.f32 v0, v38;
	[tilespmem:$0xCB0] =	vst v33  }
0x14b: {  	v36 =	vmul.f32 v0, v39;
	[tilespmem:$0xCC0] =	vst v34  }
0x14c: {  	v37 =	vmul.f32 v0, v40;
	[tilespmem:$0xCD0] =	vst v35  }
0x14d: {  	v38 =	vmul.f32 v0, v41;
	[tilespmem:$0xCE0] =	vst v36  }
0x14e: {  	v39 =	vmul.f32 v0, v42;
	[tilespmem:$0xCF0] =	vst v37  }
0x14f: {  	v40 =	vmul.f32 v0, v43;
	[tilespmem:$0xD00] =	vst v38  }
0x150: {  	v41 =	vmul.f32 v0, v44;
	[tilespmem:$0xD10] =	vst v39  }
0x151: {  	v42 =	vmul.f32 v0, v45;
	[tilespmem:$0xD20] =	vst v40  }
0x152: {  	v43 =	vmul.f32 v0, v46;
	[tilespmem:$0xD30] =	vst v41  }
0x153: {  	v44 =	vmul.f32 v0, v47;
	[tilespmem:$0xD40] =	vst v42  }
0x154: {  	v45 =	vmul.f32 v0, v48;
	[tilespmem:$0xD50] =	vst v43  }
0x155: {  	v46 =	vmul.f32 v0, v49;
	[tilespmem:$0xD60] =	vst v44  }
0x156: {  	v47 =	vmul.f32 v0, v50;
	[tilespmem:$0xD70] =	vst v45  }
0x157: {  	v48 =	vmul.f32 v0, v51;
	[tilespmem:$0xD80] =	vst v46  }
0x158: {  	v49 =	vmul.f32 v0, v52;
	[tilespmem:$0xD90] =	vst v47  }
0x159: {  	v50 =	vmul.f32 v0, v53;
	[tilespmem:$0xDA0] =	vst v48  }
0x15a: {  	v51 =	vmul.f32 v0, v54;
	[tilespmem:$0xDB0] =	vst v49  }
0x15b: {  	v1 =	vld [tilespmem:$0x1FFE0];
	v52 =	vmul.f32 v0, v55;
	[tilespmem:$0xDC0] =	vst v50  }
0x15c: {  	v53 =	vmul.f32 v0, v56;
	[tilespmem:$0xDD0] =	vst v51  }
0x15d: {  	v54 =	vmul.f32 v0, v57;
	[tilespmem:$0xDE0] =	vst v52  }
0x15e: {  	[tilespmem:$0xDF0] =	vst v53  }
0x15f: {  	v55 =	vmul.f32 v0, v61;
	[tilespmem:$0xE00] =	vst v54  }
0x160: {  	[tilespmem:$0xA90] =	vst v1;
	v1 =	vmul.f32 v0, v1  }
0x161: {  	v56 =	vmul.f32 v0, v4;
	[tilespmem:$0xE10] =	vst v55  }
0x162: {  	v57 =	vmul.f32 v0, v62;
	[tilespmem:$0xA90] =	vst v1;
	v1 =	vld [tilespmem:$0x1FFF0]  }
0x163: {  	v61 =	vmul.f32 v0, v63;
	[tilespmem:$0xE20] =	vst v56  }
0x164: {  	v62 =	vmul.f32 v0, v58;
	[tilespmem:$0xE30] =	vst v57  }
0x165: {  	[tilespmem:$0xE40] =	vst v61  }
0x166: {  	v63 =	vmul.f32 v0, v59;
	[tilespmem:$0xE50] =	vst v62  }
0x167: {  	[tilespmem:$0xAB0] =	vst v1;
	v1 =	vmul.f32 v0, v1  }
0x168: {  	[tilespmem:$0xE60] =	vst v63;
	v0 =	vmul.f32 v0, v60  }
0x169: {  	[tilespmem:$0xAB0] =	vst v1  }
0x16a: {  	s13 =	simm.s32 @!p0 $0xA80;
	[tilespmem:$0xE70] =	vst v0  }
0x16b: {  	[spmem:s2] =	stream.linear.scatter @!p0 [tilespmem:s13], [sflag:$0x1], $0x400, $0x38;
	[tilespmem:$0x1100] =	vst v63  }
0x16c: {  	_ =	swait.ge @!p0 [sflag:s12], $0x400  }
0x16d: {  	[sflag:s12] =	ssyncset.done @!p0 $0x0  }
0x16e: {  	[sflag:s12] =	ssyncadd.s32 @!p0 $0xFFFFFC00  }
0x16f: {  	[bflag:$0x0] =	sbarrier.arrive $0xFFFF  }
0x170: {  	[tilespmem:s11], [sflag:$0x1] =	stream.indirect.gather [spmem:s2], $0x1, s8, s9, $0xb8;
	[tilespmem:$0x1100] =	vst v63  }
0x171: {  	_ =	swait.ge [sflag:s6], $0x80  }
0x172: {  	s24 =	rddreg [dreg:$0x10];
	[sflag:s6] =	ssyncset.done $0x0  }
0x173: {  	s25 =	rddreg [dreg:$0x11];
	[sflag:s6] =	ssyncadd.s32 $0xFFFFFF80  }
0x174: {  	[tilespmem:s25], [sflag:$0x1] =	stream.indirect.gather [spmem:s2], $0x1, s24, s9, $0xb8;
	[tilespmem:$0x1100] =	vst v63  }
0x175: {  	_ =	swait.ge [sflag:s6], $0x80  }
0x176: {  	s26 =	rddreg [dreg:$0x12];
	[sflag:s6] =	ssyncset.done $0x0  }
0x177: {  	s28 =	rddreg [dreg:$0x13];
	[sflag:s6] =	ssyncadd.s32 $0xFFFFFF80  }
0x178: {  	[tilespmem:s28], [sflag:$0x1] =	stream.indirect.gather [spmem:s2], $0x1, s26, s9, $0xb8;
	[tilespmem:$0x1100] =	vst v63  }
0x179: {  	_ =	swait.ge [sflag:s6], $0x80  }
0x17a: {  	s29 =	rddreg [dreg:$0x14];
	[sflag:s6] =	ssyncset.done $0x0  }
0x17b: {  	s30 =	rddreg [dreg:$0x15];
	[sflag:s6] =	ssyncadd.s32 $0xFFFFFF80  }
0x17c: {  	[tilespmem:s30], [sflag:$0x1] =	stream.indirect.gather [spmem:s2], $0x1, s29, s9, $0xb8;
	[tilespmem:$0x1100] =	vst v63  }
0x17d: {  	s5 =	sadd.s32 $0xFFFFFFFF, s5;
	_ =	swait.ge [sflag:s6], $0x80  }
0x17e: {  	p1 =	sne.s32 s5, $0x0;
	[sflag:s6] =	ssyncset.done $0x0  }
.Ltmp0:
0x17f: {  	s31 =	rddreg [dreg:$0x8];
	[sflag:s6] =	ssyncadd.s32 $0xFFFFFF80;
	(pc) =	sbr.rel @p1 .LBB2_1-.Ltmp0, $4  }
0x180: {  	[hbm4b:s31+s3] =	stream.linear.scatter [tilespmem:s11], [sflag:$0x1], $0x200, $0x38;
	[tilespmem:$0x1100] =	vst v63  }
0x181: {  	_ =	swait.ge [sflag:s6], $0x200  }
0x182: {  	[sflag:s6] =	ssyncset.done $0x0  }
0x183: {  	[sflag:s6] =	ssyncadd.s32 $0xFFFFFE00  }
0x184: {  	_ =	sfence.sel $0x180000  }
0x185: {  	[bflag:$0x0] =	sbarrier.arrive $0xFFFF  }
0x186: {  	_ =	strace $0x90000047  }
0x187: {  	s0 =	sadd.s32 @!p0 $0x100000, s0;
	[bflag:$0x2] =	sbarrier.arrive $0xFFFF  }
0x188: {  	[sflag:s0] =	ssyncadd.tile.s32 @!p0 $0x1;
	_ =	shalt  }
.Lfunc_end2:
_tile_overlayer_lowered:
.L_overlay_start_2:
0x189: {  	(tag) =	ssettag $0x2  }
0x18a: {  	s0 =	rddreg [dreg:$0x0];
	s2 =	stileid.u32  }
0x18b: {  	s1 =	rddreg [dreg:$0x1];
	p0 =	sne.s32 s2, $0x0  }
0x18c: {  	s3 =	rddreg [dreg:$0x2];
	[bflag:$0x3] =	sbarrier.arrive $0xFFFF;
	s2 =	simm.s32 @!p0 $0x1C01  }
0x18d: {  	[timem:s3], [sflag:s2] =	dma.local @!p0 [hbm:s0], s1  }
0x18e: {  	s0 =	simm.s32 @!p0 $0x1  }
0x18f: {  	_ =	swait.ge @!p0 [sflag:s0], s1  }
0x190: {  	s1 =	ssub.s32 @!p0 $0x0, s1;
	[sflag:s0] =	ssyncset.done @!p0 $0x0  }
0x191: {  	[sflag:s0] =	ssyncadd.s32 @!p0 s1  }
0x192: {  	[bflag:$0x3] =	sbarrier.arrive $0xFFFF  }
0x193: {  	_ =	shalt  }

</sc_bundles>
